<compile_context>
chip_gen: v7x
topology: tpu7x:2x2x1
jax: 0.10.2.dev20260603
libtpu: 0.0.44.dev20260713+nightly
codegen_flags: <defaults>
</compile_context>

<pallas_src>
import functools

import jax
import jax.numpy as jnp
from jax import lax
from jax.experimental import pallas as pl
from jax.experimental.pallas import tpu as pltpu
from jax.experimental.pallas import tpu_sc as plsc

_N, _E, _D = 10000, 320000, 128
_NC, _NS = 2, 16
_NW = _NC * _NS
_CHUNK = 128
_GCHUNK = 256
_NSUB = _GCHUNK // _CHUNK
_N_PAD = 10112
_E_PER_W = 10240
_E_PAD = _E_PER_W * _NW
_N_ROUNDS = _E_PER_W // _GCHUNK
_ROWS_PER_TILE = _N_PAD // _NS
_SLAB_CHUNKS = []
_off = 0
while _off < _ROWS_PER_TILE:
    _n = min(_GCHUNK, _ROWS_PER_TILE - _off)
    _SLAB_CHUNKS.append((_off, _n))
    _off += _n


def _deg_body(dst_hbm, deg_out, dst_v, ones_v, deg_sh):
    c = lax.axis_index("c")
    s = lax.axis_index("s")
    wid = c * _NS + s

    zeros16 = jnp.zeros((16,), jnp.float32)
    ones16 = jnp.ones((16,), jnp.float32)

    def _fill_zeros(r, carry):
        for j in range(_D // 16):
            ones_v[r, pl.ds(j * 16, 16)] = zeros16
        return carry

    lax.fori_loop(0, _CHUNK, _fill_zeros, None)

    row0 = s * _ROWS_PER_TILE
    for off, n in _SLAB_CHUNKS:
        for o2 in range(0, n, _CHUNK):
            m = min(_CHUNK, n - o2)
            pltpu.sync_copy(ones_v.at[pl.ds(0, m)],
                            deg_sh.at[pl.ds(row0 + off + o2, m)])
    plsc.subcore_barrier()

    def _fill_ones(r, carry):
        for j in range(_D // 16):
            ones_v[r, pl.ds(j * 16, 16)] = ones16
        return carry

    lax.fori_loop(0, _CHUNK, _fill_ones, None)

    def _round(t, carry):
        base = pl.multiple_of(wid * _E_PER_W + t * _GCHUNK, 8)
        for q in range(_NSUB):
            pltpu.sync_copy(dst_hbm.at[pl.ds(base + q * _CHUNK, _CHUNK)],
                            dst_v.at[q])
        for q in range(_NSUB):
            pltpu.sync_copy(ones_v, deg_sh.at[dst_v.at[q]], add=True)
        return carry

    lax.fori_loop(0, _N_ROUNDS, _round, None)
    plsc.subcore_barrier()

    for off, n in _SLAB_CHUNKS:
        for o2 in range(0, n, _CHUNK):
            m = min(_CHUNK, n - o2)
            r = row0 + off + o2
            pltpu.sync_copy(deg_sh.at[pl.ds(r, m)], ones_v.at[pl.ds(0, m)])
            pltpu.sync_copy(ones_v.at[pl.ds(0, m)], deg_out.at[c, pl.ds(r, m)])


@functools.cache
def _sc_degree_call():
    return pl.kernel(
        _deg_body,
        out_type=jax.ShapeDtypeStruct((_NC, _N_PAD, _D), jnp.float32),
        mesh=plsc.VectorSubcoreMesh(core_axis_name="c", subcore_axis_name="s",
                                    num_cores=_NC, num_subcores=_NS),
        scratch_types=[
            pltpu.VMEM((_NSUB, _CHUNK), jnp.int32),
            pltpu.VMEM((_CHUNK, _D), jnp.float32),
            pltpu.VMEM_SHARED((_N_PAD, _D), jnp.float32),
        ],
    )


def _sc_body(h_hbm, src_hbm, dst_hbm, acc_out,
             src_v, dst_v, rows_v, acc_sh, gsem):
    c = lax.axis_index("c")
    s = lax.axis_index("s")
    wid = c * _NS + s

    zeros16 = jnp.zeros((16,), jnp.float32)

    def _fill_zeros(r, carry):
        for j in range(_D // 16):
            rows_v[r, pl.ds(j * 16, 16)] = zeros16
        return carry

    lax.fori_loop(0, _GCHUNK, _fill_zeros, None)

    row0 = s * _ROWS_PER_TILE
    for off, n in _SLAB_CHUNKS:
        pltpu.sync_copy(rows_v.at[pl.ds(0, n)],
                        acc_sh.at[pl.ds(row0 + off, n)])
    plsc.subcore_barrier()

    def _round(t, carry):
        base = pl.multiple_of(wid * _E_PER_W + t * _GCHUNK, 8)
        pltpu.sync_copy(src_hbm.at[pl.ds(base, _GCHUNK)], src_v)
        for q in range(_NSUB):
            pltpu.sync_copy(dst_hbm.at[pl.ds(base + q * _CHUNK, _CHUNK)],
                            dst_v.at[q])
        pltpu.async_copy(h_hbm.at[src_v], rows_v, gsem).wait()
        for q in range(_NSUB):
            pltpu.sync_copy(rows_v.at[pl.ds(q * _CHUNK, _CHUNK)],
                            acc_sh.at[dst_v.at[q]], add=True)
        return carry

    lax.fori_loop(0, _N_ROUNDS, _round, None)
    plsc.subcore_barrier()

    for off, n in _SLAB_CHUNKS:
        r = row0 + off
        pltpu.sync_copy(acc_sh.at[pl.ds(r, n)], rows_v.at[pl.ds(0, n)])
        pltpu.sync_copy(rows_v.at[pl.ds(0, n)], acc_out.at[c, pl.ds(r, n)])


@functools.cache
def _sc_segsum_call():
    return pl.kernel(
        _sc_body,
        out_type=jax.ShapeDtypeStruct((_NC, _N_PAD, _D), jnp.float32),
        mesh=plsc.VectorSubcoreMesh(core_axis_name="c", subcore_axis_name="s",
                                    num_cores=_NC, num_subcores=_NS),
        scratch_types=[
            pltpu.VMEM((_GCHUNK,), jnp.int32),
            pltpu.VMEM((_NSUB, _CHUNK), jnp.int32),
            pltpu.VMEM((_GCHUNK, _D), jnp.float32),
            pltpu.VMEM_SHARED((_N_PAD, _D), jnp.float32),
            pltpu.SemaphoreType.DMA,
        ],
    )


def _tc_body(do_relu, acc0, acc1, deg0, deg1, h, wrelT, b, wrootT, out_ref):
    summed = acc0[...] + acc1[...]
    deg = deg0[...] + deg1[...]
    degc = jnp.maximum(deg[:, 0:1], 1.0)
    mean = summed / degc
    r = (jnp.dot(mean, wrelT[...], preferred_element_type=jnp.float32)
         + jnp.dot(h[...], wrootT[...], preferred_element_type=jnp.float32)
         + b[...])
    if do_relu:
        r = jnp.maximum(r, 0.0)
    out_ref[...] = r


_TC_BLK = 1264


def _tc_call(do_relu, acc0, acc1, deg0, deg1, h, wrelT, b, wrootT):
    grid = (_N_PAD // _TC_BLK,)
    return pl.pallas_call(
        functools.partial(_tc_body, do_relu),
        grid=grid,
        in_specs=[
            pl.BlockSpec((_TC_BLK, _D), lambda i: (i, 0)),
            pl.BlockSpec((_TC_BLK, _D), lambda i: (i, 0)),
            pl.BlockSpec((_TC_BLK, _D), lambda i: (i, 0)),
            pl.BlockSpec((_TC_BLK, _D), lambda i: (i, 0)),
            pl.BlockSpec((_TC_BLK, _D), lambda i: (i, 0)),
            pl.BlockSpec((_D, _D), lambda i: (0, 0)),
            pl.BlockSpec((1, _D), lambda i: (0, 0)),
            pl.BlockSpec((_D, _D), lambda i: (0, 0)),
        ],
        out_specs=pl.BlockSpec((_TC_BLK, _D), lambda i: (i, 0)),
        out_shape=jax.ShapeDtypeStruct((_N_PAD, _D), jnp.float32),
    )(acc0, acc1, deg0, deg1, h, wrelT, b, wrootT)


def kernel(x, edge_index, W_rel0, b_rel0, W_root0, W_rel1, b_rel1, W_root1):
    x_pad = jnp.zeros((_N_PAD, _D), jnp.float32).at[:_N].set(x)
    pad_idx = _N + (jnp.arange(_E_PAD - _E, dtype=jnp.int32) % (_N_PAD - _N))
    src = jnp.concatenate([edge_index[0], pad_idx])
    dst = jnp.concatenate([edge_index[1], pad_idx])

    deg = _sc_degree_call()(dst)
    acc_a = _sc_segsum_call()(x_pad, src, dst)
    h1 = _tc_call(True, acc_a[0], acc_a[1], deg[0], deg[1], x_pad,
                  W_rel0.T, b_rel0.reshape(1, _D), W_root0.T)
    acc_b = _sc_segsum_call()(h1, src, dst)
    out = _tc_call(False, acc_b[0], acc_b[1], deg[0], deg[1], h1,
                   W_rel1.T, b_rel1.reshape(1, _D), W_root1.T)
    return out[:_N]

# --- scband reference (transcript-rebuilt; emitter-appended) ---
"""Pipeline reference for scband-encoder-27625229648542 (READ-ONLY COPY).

The authoritative reference and input builder live on the scoring server;
editing this copy changes nothing except your own understanding.
"""

import jax, jax.numpy as jnp
import numpy as np

N, E, D = 10000, 320000, 128

def setup_inputs(seed: int = 0) -> dict:
    key = jax.random.key(seed)
    ks = jax.random.split(key, 10)
    x = jax.random.normal(ks[0], (N, D), dtype=jnp.float32)
    edge_index = jax.random.randint(ks[1], (2, E), 0, N, dtype=jnp.int32)
    s = 1.0 / np.sqrt(D)
    W_rel0 = jax.random.uniform(ks[2], (D, D), jnp.float32, -s, s)
    b_rel0 = jax.random.uniform(ks[3], (D,), jnp.float32, -s, s)
    W_root0 = jax.random.uniform(ks[4], (D, D), jnp.float32, -s, s)
    W_rel1 = jax.random.uniform(ks[5], (D, D), jnp.float32, -s, s)
    b_rel1 = jax.random.uniform(ks[6], (D,), jnp.float32, -s, s)
    W_root1 = jax.random.uniform(ks[7], (D, D), jnp.float32, -s, s)
    return {"x": x, "edge_index": edge_index, "W_rel0": W_rel0, "b_rel0": b_rel0, "W_root0": W_root0, "W_rel1": W_rel1, "b_rel1": b_rel1, "W_root1": W_root1}

def _graph_conv(h, src, dst, n_nodes, W_rel, b_rel, W_root):
    # PyG GraphConv with aggr='mean': out = lin_rel(mean_j(x_j)) + lin_root(x_i)
    msgs = h[src]
    summed = jax.ops.segment_sum(msgs, dst, num_segments=n_nodes)
    deg = jax.ops.segment_sum(jnp.ones((src.shape[0],), jnp.float32), dst, num_segments=n_nodes)
    mean = summed / jnp.clip(deg, 1.0, None)[:, None]
    return mean @ W_rel.T + b_rel + h @ W_root.T

def reference(x, edge_index, W_rel0, b_rel0, W_root0, W_rel1, b_rel1, W_root1):
    src = edge_index[0]
    dst = edge_index[1]
    n_nodes = x.shape[0]
    h = _graph_conv(x, src, dst, n_nodes, W_rel0, b_rel0, W_root0)
    h = jax.nn.relu(h)  # actv applied to all but last layer
    h = _graph_conv(h, src, dst, n_nodes, W_rel1, b_rel1, W_root1)
    # dropout: identity in eval mode
    return h

if __name__ == "__main__":
    import jax
    _d = setup_inputs()
    print(jax.jit(kernel)(*tuple(_d.values())))

</pallas_src>

<mosaic_0001>
#map = affine_map<(d0, d1) -> (0)>
#map1 = affine_map<(d0, d1) -> (0, 0, 0)>
module attributes {stable_mosaic.version = 14 : i64} {
  func.func @_deg_body(%arg0: i32, %arg1: i32, %arg2: memref<327680xi32, #tpu.memory_space<hbm>>, %arg3: memref<2x10112x128xf32, #tpu.memory_space<hbm>>, %arg4: memref<2x128xi32, #tpu.memory_space<vmem>>, %arg5: memref<128x128xf32, #tpu.memory_space<vmem>>, %arg6: memref<10112x128xf32, #tpu.memory_space<vmem_shared>>) attributes {dimension_semantics = [#tpu.dimension_semantics<core_parallel>, #tpu.dimension_semantics<subcore_parallel>], iteration_bounds = array<i64: 2, 16>, scalar_prefetch = 0 : i64, scratch_operands = 3 : i64, tpu.core_type = #tpu.core_type<sc_vector_subcore>, window_params = [{transform_indices = #map}, {transform_indices = #map1}]} {
    %mul3A = arith.constant 16 : i32
    %mul3A_0 = arith.muli %arg0, %mul3A : i32
    %add3A = arith.addi %mul3A_0, %arg1 : i32
    %broadcast_in_dim3A = arith.constant 0.000000e+00 : f32
    %broadcast_in_dim3A_1 = vector.broadcast %broadcast_in_dim3A : f32 to vector<16xf32>
    %broadcast_in_dim3A_2 = arith.constant 1.000000e+00 : f32
    %broadcast_in_dim3A_3 = vector.broadcast %broadcast_in_dim3A_2 : f32 to vector<16xf32>
    %scan3A = arith.constant 0 : i32
    %scan3A_4 = arith.constant 128 : i32
    %scan3A_5 = arith.addi %scan3A, %scan3A_4 : i32
    %scan3A_6 = arith.constant 1 : i32
    scf.for %scan3A_61 = %scan3A to %scan3A_5 step %scan3A_6  : i32 {
      %swap3A = arith.index_cast %scan3A_61 : i32 to index
      %swap3A_62 = arith.constant 0 : index
      %swap3A_63 = tpu.vector_load %arg5[%swap3A, %swap3A_62] {strides = array<i32>} : memref<128x128xf32, #tpu.memory_space<vmem>>, vector<1x16xf32>,
      %swap3A_64 = vector.shape_cast %swap3A_63 : vector<1x16xf32> to vector<16xf32>
      %swap3A_65 = vector.shape_cast %broadcast_in_dim3A_1 : vector<16xf32> to vector<1x16xf32>
      tpu.vector_store %arg5[%swap3A, %swap3A_62], %swap3A_65 {strides = array<i32>} : memref<128x128xf32, #tpu.memory_space<vmem>>, vector<1x16xf32>,
      %swap3A_66 = arith.index_cast %scan3A_61 : i32 to index
      %swap3A_67 = arith.constant 16 : index
      %swap3A_68 = tpu.vector_load %arg5[%swap3A_66, %swap3A_67] {strides = array<i32>} : memref<128x128xf32, #tpu.memory_space<vmem>>, vector<1x16xf32>,
      %swap3A_69 = vector.shape_cast %swap3A_68 : vector<1x16xf32> to vector<16xf32>
      %swap3A_70 = vector.shape_cast %broadcast_in_dim3A_1 : vector<16xf32> to vector<1x16xf32>
      tpu.vector_store %arg5[%swap3A_66, %swap3A_67], %swap3A_70 {strides = array<i32>} : memref<128x128xf32, #tpu.memory_space<vmem>>, vector<1x16xf32>,
      %swap3A_71 = arith.index_cast %scan3A_61 : i32 to index
      %swap3A_72 = arith.constant 32 : index
      %swap3A_73 = tpu.vector_load %arg5[%swap3A_71, %swap3A_72] {strides = array<i32>} : memref<128x128xf32, #tpu.memory_space<vmem>>, vector<1x16xf32>,
      %swap3A_74 = vector.shape_cast %swap3A_73 : vector<1x16xf32> to vector<16xf32>
      %swap3A_75 = vector.shape_cast %broadcast_in_dim3A_1 : vector<16xf32> to vector<1x16xf32>
      tpu.vector_store %arg5[%swap3A_71, %swap3A_72], %swap3A_75 {strides = array<i32>} : memref<128x128xf32, #tpu.memory_space<vmem>>, vector<1x16xf32>,
      %swap3A_76 = arith.index_cast %scan3A_61 : i32 to index
      %swap3A_77 = arith.constant 48 : index
      %swap3A_78 = tpu.vector_load %arg5[%swap3A_76, %swap3A_77] {strides = array<i32>} : memref<128x128xf32, #tpu.memory_space<vmem>>, vector<1x16xf32>,
      %swap3A_79 = vector.shape_cast %swap3A_78 : vector<1x16xf32> to vector<16xf32>
      %swap3A_80 = vector.shape_cast %broadcast_in_dim3A_1 : vector<16xf32> to vector<1x16xf32>
      tpu.vector_store %arg5[%swap3A_76, %swap3A_77], %swap3A_80 {strides = array<i32>} : memref<128x128xf32, #tpu.memory_space<vmem>>, vector<1x16xf32>,
      %swap3A_81 = arith.index_cast %scan3A_61 : i32 to index
      %swap3A_82 = arith.constant 64 : index
      %swap3A_83 = tpu.vector_load %arg5[%swap3A_81, %swap3A_82] {strides = array<i32>} : memref<128x128xf32, #tpu.memory_space<vmem>>, vector<1x16xf32>,
      %swap3A_84 = vector.shape_cast %swap3A_83 : vector<1x16xf32> to vector<16xf32>
      %swap3A_85 = vector.shape_cast %broadcast_in_dim3A_1 : vector<16xf32> to vector<1x16xf32>
      tpu.vector_store %arg5[%swap3A_81, %swap3A_82], %swap3A_85 {strides = array<i32>} : memref<128x128xf32, #tpu.memory_space<vmem>>, vector<1x16xf32>,
      %swap3A_86 = arith.index_cast %scan3A_61 : i32 to index
      %swap3A_87 = arith.constant 80 : index
      %swap3A_88 = tpu.vector_load %arg5[%swap3A_86, %swap3A_87] {strides = array<i32>} : memref<128x128xf32, #tpu.memory_space<vmem>>, vector<1x16xf32>,
      %swap3A_89 = vector.shape_cast %swap3A_88 : vector<1x16xf32> to vector<16xf32>
      %swap3A_90 = vector.shape_cast %broadcast_in_dim3A_1 : vector<16xf32> to vector<1x16xf32>
      tpu.vector_store %arg5[%swap3A_86, %swap3A_87], %swap3A_90 {strides = array<i32>} : memref<128x128xf32, #tpu.memory_space<vmem>>, vector<1x16xf32>,
      %swap3A_91 = arith.index_cast %scan3A_61 : i32 to index
      %swap3A_92 = arith.constant 96 : index
      %swap3A_93 = tpu.vector_load %arg5[%swap3A_91, %swap3A_92] {strides = array<i32>} : memref<128x128xf32, #tpu.memory_space<vmem>>, vector<1x16xf32>,
      %swap3A_94 = vector.shape_cast %swap3A_93 : vector<1x16xf32> to vector<16xf32>
      %swap3A_95 = vector.shape_cast %broadcast_in_dim3A_1 : vector<16xf32> to vector<1x16xf32>
      tpu.vector_store %arg5[%swap3A_91, %swap3A_92], %swap3A_95 {strides = array<i32>} : memref<128x128xf32, #tpu.memory_space<vmem>>, vector<1x16xf32>,
      %swap3A_96 = arith.index_cast %scan3A_61 : i32 to index
      %swap3A_97 = arith.constant 112 : index
      %swap3A_98 = tpu.vector_load %arg5[%swap3A_96, %swap3A_97] {strides = array<i32>} : memref<128x128xf32, #tpu.memory_space<vmem>>, vector<1x16xf32>,
      %swap3A_99 = vector.shape_cast %swap3A_98 : vector<1x16xf32> to vector<16xf32>
      %swap3A_100 = vector.shape_cast %broadcast_in_dim3A_1 : vector<16xf32> to vector<1x16xf32>
      tpu.vector_store %arg5[%swap3A_96, %swap3A_97], %swap3A_100 {strides = array<i32>} : memref<128x128xf32, #tpu.memory_space<vmem>>, vector<1x16xf32>,
    }
    %scan3A_7 = arith.constant 128 : i32
    %mul3A_8 = arith.constant 632 : i32
    %mul3A_9 = arith.muli %arg1, %mul3A_8 : i32
    %add3A_10 = arith.constant 0 : i32
    %add3A_11 = arith.addi %mul3A_9, %add3A_10 : i32
    %add3A_12 = arith.constant 0 : i32
    %add3A_13 = arith.addi %add3A_11, %add3A_12 : i32
    "tpu.region"() ({
      %run_scoped3A = tpu.sem_alloc : memref<!tpu.dma_semaphore, #tpu.memory_space<semaphore_mem>>
      %dma_start3A = arith.constant 0 : i32
      %dma_start3A_61 = arith.constant 0 : i32
      %dma_start3A_62 = tpu.memref_slice %arg5[%dma_start3A, %dma_start3A_61] : memref<128x128xf32, #tpu.memory_space<vmem>> -> memref<128x128xf32, #tpu.memory_space<vmem>>
      %dma_start3A_63 = arith.constant 0 : i32
      %dma_start3A_64 = tpu.memref_slice %arg6[%add3A_13, %dma_start3A_63] : memref<10112x128xf32, #tpu.memory_space<vmem_shared>> -> memref<128x128xf32, #tpu.memory_space<vmem_shared>>
      %dma_start3A_65 = arith.constant 0 : i32
      %dma_start3A_66 = tpu.memref_slice %arg6[%add3A_13, %dma_start3A_65] : memref<10112x128xf32, #tpu.memory_space<vmem_shared>> -> memref<128x128xf32, #tpu.memory_space<vmem_shared>>
      %dma_start3A_67 = arith.constant 0 : i32
      %dma_start3A_68 = arith.constant 0 : i32
      %dma_start3A_69 = tpu.memref_slice %arg5[%dma_start3A_67, %dma_start3A_68] : memref<128x128xf32, #tpu.memory_space<vmem>> -> memref<128x128xf32, #tpu.memory_space<vmem>>
      tpu.enqueue_dma source(%dma_start3A_69 : memref<128x128xf32, #tpu.memory_space<vmem>>) target(%dma_start3A_66 : memref<128x128xf32, #tpu.memory_space<vmem_shared>>) target_semaphore(%run_scoped3A : memref<!tpu.dma_semaphore, #tpu.memory_space<semaphore_mem>>)
      %dma_wait3A = arith.constant 0 : i32
      %dma_wait3A_70 = arith.constant 0 : i32
      %dma_wait3A_71 = tpu.memref_slice %arg5[%dma_wait3A, %dma_wait3A_70] : memref<128x128xf32, #tpu.memory_space<vmem>> -> memref<128x128xf32, #tpu.memory_space<vmem>>
      %dma_wait3A_72 = arith.constant 0 : i32
      %dma_wait3A_73 = tpu.memref_slice %arg6[%add3A_13, %dma_wait3A_72] : memref<10112x128xf32, #tpu.memory_space<vmem_shared>> -> memref<128x128xf32, #tpu.memory_space<vmem_shared>>
      %dma_wait3A_74 = arith.constant 0 : i32
      %dma_wait3A_75 = tpu.memref_slice %arg6[%add3A_13, %dma_wait3A_74] : memref<10112x128xf32, #tpu.memory_space<vmem_shared>> -> memref<128x128xf32, #tpu.memory_space<vmem_shared>>
      %dma_wait3A_76 = arith.constant 0 : i32
      %dma_wait3A_77 = arith.constant 0 : i32
      %dma_wait3A_78 = tpu.memref_slice %arg5[%dma_wait3A_76, %dma_wait3A_77] : memref<128x128xf32, #tpu.memory_space<vmem>> -> memref<128x128xf32, #tpu.memory_space<vmem>>
      tpu.wait_dma2 semaphore(%run_scoped3A : memref<!tpu.dma_semaphore, #tpu.memory_space<semaphore_mem>>) src(%dma_wait3A_78 : memref<128x128xf32, #tpu.memory_space<vmem>>) dst(%dma_wait3A_75 : memref<128x128xf32, #tpu.memory_space<vmem_shared>>)
      tpu.yield
    }) : () -> ()
    %add3A_14 = arith.constant 0 : i32
    %add3A_15 = arith.addi %mul3A_9, %add3A_14 : i32
    %add3A_16 = arith.constant 128 : i32
    %add3A_17 = arith.addi %add3A_15, %add3A_16 : i32
    "tpu.region"() ({
      %run_scoped3A = tpu.sem_alloc : memref<!tpu.dma_semaphore, #tpu.memory_space<semaphore_mem>>
      %dma_start3A = arith.constant 0 : i32
      %dma_start3A_61 = arith.constant 0 : i32
      %dma_start3A_62 = tpu.memref_slice %arg5[%dma_start3A, %dma_start3A_61] : memref<128x128xf32, #tpu.memory_space<vmem>> -> memref<128x128xf32, #tpu.memory_space<vmem>>
      %dma_start3A_63 = arith.constant 0 : i32
      %dma_start3A_64 = tpu.memref_slice %arg6[%add3A_17, %dma_start3A_63] : memref<10112x128xf32, #tpu.memory_space<vmem_shared>> -> memref<128x128xf32, #tpu.memory_space<vmem_shared>>
      %dma_start3A_65 = arith.constant 0 : i32
      %dma_start3A_66 = tpu.memref_slice %arg6[%add3A_17, %dma_start3A_65] : memref<10112x128xf32, #tpu.memory_space<vmem_shared>> -> memref<128x128xf32, #tpu.memory_space<vmem_shared>>
      %dma_start3A_67 = arith.constant 0 : i32
      %dma_start3A_68 = arith.constant 0 : i32
      %dma_start3A_69 = tpu.memref_slice %arg5[%dma_start3A_67, %dma_start3A_68] : memref<128x128xf32, #tpu.memory_space<vmem>> -> memref<128x128xf32, #tpu.memory_space<vmem>>
      tpu.enqueue_dma source(%dma_start3A_69 : memref<128x128xf32, #tpu.memory_space<vmem>>) target(%dma_start3A_66 : memref<128x128xf32, #tpu.memory_space<vmem_shared>>) target_semaphore(%run_scoped3A : memref<!tpu.dma_semaphore, #tpu.memory_space<semaphore_mem>>)
      %dma_wait3A = arith.constant 0 : i32
      %dma_wait3A_70 = arith.constant 0 : i32
      %dma_wait3A_71 = tpu.memref_slice %arg5[%dma_wait3A, %dma_wait3A_70] : memref<128x128xf32, #tpu.memory_space<vmem>> -> memref<128x128xf32, #tpu.memory_space<vmem>>
      %dma_wait3A_72 = arith.constant 0 : i32
      %dma_wait3A_73 = tpu.memref_slice %arg6[%add3A_17, %dma_wait3A_72] : memref<10112x128xf32, #tpu.memory_space<vmem_shared>> -> memref<128x128xf32, #tpu.memory_space<vmem_shared>>
      %dma_wait3A_74 = arith.constant 0 : i32
      %dma_wait3A_75 = tpu.memref_slice %arg6[%add3A_17, %dma_wait3A_74] : memref<10112x128xf32, #tpu.memory_space<vmem_shared>> -> memref<128x128xf32, #tpu.memory_space<vmem_shared>>
      %dma_wait3A_76 = arith.constant 0 : i32
      %dma_wait3A_77 = arith.constant 0 : i32
      %dma_wait3A_78 = tpu.memref_slice %arg5[%dma_wait3A_76, %dma_wait3A_77] : memref<128x128xf32, #tpu.memory_space<vmem>> -> memref<128x128xf32, #tpu.memory_space<vmem>>
      tpu.wait_dma2 semaphore(%run_scoped3A : memref<!tpu.dma_semaphore, #tpu.memory_space<semaphore_mem>>) src(%dma_wait3A_78 : memref<128x128xf32, #tpu.memory_space<vmem>>) dst(%dma_wait3A_75 : memref<128x128xf32, #tpu.memory_space<vmem_shared>>)
      tpu.yield
    }) : () -> ()
    %add3A_18 = arith.constant 256 : i32
    %add3A_19 = arith.addi %mul3A_9, %add3A_18 : i32
    %add3A_20 = arith.constant 0 : i32
    %add3A_21 = arith.addi %add3A_19, %add3A_20 : i32
    "tpu.region"() ({
      %run_scoped3A = tpu.sem_alloc : memref<!tpu.dma_semaphore, #tpu.memory_space<semaphore_mem>>
      %dma_start3A = arith.constant 0 : i32
      %dma_start3A_61 = arith.constant 0 : i32
      %dma_start3A_62 = tpu.memref_slice %arg5[%dma_start3A, %dma_start3A_61] : memref<128x128xf32, #tpu.memory_space<vmem>> -> memref<128x128xf32, #tpu.memory_space<vmem>>
      %dma_start3A_63 = arith.constant 0 : i32
      %dma_start3A_64 = tpu.memref_slice %arg6[%add3A_21, %dma_start3A_63] : memref<10112x128xf32, #tpu.memory_space<vmem_shared>> -> memref<128x128xf32, #tpu.memory_space<vmem_shared>>
      %dma_start3A_65 = arith.constant 0 : i32
      %dma_start3A_66 = tpu.memref_slice %arg6[%add3A_21, %dma_start3A_65] : memref<10112x128xf32, #tpu.memory_space<vmem_shared>> -> memref<128x128xf32, #tpu.memory_space<vmem_shared>>
      %dma_start3A_67 = arith.constant 0 : i32
      %dma_start3A_68 = arith.constant 0 : i32
      %dma_start3A_69 = tpu.memref_slice %arg5[%dma_start3A_67, %dma_start3A_68] : memref<128x128xf32, #tpu.memory_space<vmem>> -> memref<128x128xf32, #tpu.memory_space<vmem>>
      tpu.enqueue_dma source(%dma_start3A_69 : memref<128x128xf32, #tpu.memory_space<vmem>>) target(%dma_start3A_66 : memref<128x128xf32, #tpu.memory_space<vmem_shared>>) target_semaphore(%run_scoped3A : memref<!tpu.dma_semaphore, #tpu.memory_space<semaphore_mem>>)
      %dma_wait3A = arith.constant 0 : i32
      %dma_wait3A_70 = arith.constant 0 : i32
      %dma_wait3A_71 = tpu.memref_slice %arg5[%dma_wait3A, %dma_wait3A_70] : memref<128x128xf32, #tpu.memory_space<vmem>> -> memref<128x128xf32, #tpu.memory_space<vmem>>
      %dma_wait3A_72 = arith.constant 0 : i32
      %dma_wait3A_73 = tpu.memref_slice %arg6[%add3A_21, %dma_wait3A_72] : memref<10112x128xf32, #tpu.memory_space<vmem_shared>> -> memref<128x128xf32, #tpu.memory_space<vmem_shared>>
      %dma_wait3A_74 = arith.constant 0 : i32
      %dma_wait3A_75 = tpu.memref_slice %arg6[%add3A_21, %dma_wait3A_74] : memref<10112x128xf32, #tpu.memory_space<vmem_shared>> -> memref<128x128xf32, #tpu.memory_space<vmem_shared>>
      %dma_wait3A_76 = arith.constant 0 : i32
      %dma_wait3A_77 = arith.constant 0 : i32
      %dma_wait3A_78 = tpu.memref_slice %arg5[%dma_wait3A_76, %dma_wait3A_77] : memref<128x128xf32, #tpu.memory_space<vmem>> -> memref<128x128xf32, #tpu.memory_space<vmem>>
      tpu.wait_dma2 semaphore(%run_scoped3A : memref<!tpu.dma_semaphore, #tpu.memory_space<semaphore_mem>>) src(%dma_wait3A_78 : memref<128x128xf32, #tpu.memory_space<vmem>>) dst(%dma_wait3A_75 : memref<128x128xf32, #tpu.memory_space<vmem_shared>>)
      tpu.yield
    }) : () -> ()
    %add3A_22 = arith.constant 256 : i32
    %add3A_23 = arith.addi %mul3A_9, %add3A_22 : i32
    %add3A_24 = arith.constant 128 : i32
    %add3A_25 = arith.addi %add3A_23, %add3A_24 : i32
    "tpu.region"() ({
      %run_scoped3A = tpu.sem_alloc : memref<!tpu.dma_semaphore, #tpu.memory_space<semaphore_mem>>
      %dma_start3A = arith.constant 0 : i32
      %dma_start3A_61 = arith.constant 0 : i32
      %dma_start3A_62 = tpu.memref_slice %arg5[%dma_start3A, %dma_start3A_61] : memref<128x128xf32, #tpu.memory_space<vmem>> -> memref<128x128xf32, #tpu.memory_space<vmem>>
      %dma_start3A_63 = arith.constant 0 : i32
      %dma_start3A_64 = tpu.memref_slice %arg6[%add3A_25, %dma_start3A_63] : memref<10112x128xf32, #tpu.memory_space<vmem_shared>> -> memref<128x128xf32, #tpu.memory_space<vmem_shared>>
      %dma_start3A_65 = arith.constant 0 : i32
      %dma_start3A_66 = tpu.memref_slice %arg6[%add3A_25, %dma_start3A_65] : memref<10112x128xf32, #tpu.memory_space<vmem_shared>> -> memref<128x128xf32, #tpu.memory_space<vmem_shared>>
      %dma_start3A_67 = arith.constant 0 : i32
      %dma_start3A_68 = arith.constant 0 : i32
      %dma_start3A_69 = tpu.memref_slice %arg5[%dma_start3A_67, %dma_start3A_68] : memref<128x128xf32, #tpu.memory_space<vmem>> -> memref<128x128xf32, #tpu.memory_space<vmem>>
      tpu.enqueue_dma source(%dma_start3A_69 : memref<128x128xf32, #tpu.memory_space<vmem>>) target(%dma_start3A_66 : memref<128x128xf32, #tpu.memory_space<vmem_shared>>) target_semaphore(%run_scoped3A : memref<!tpu.dma_semaphore, #tpu.memory_space<semaphore_mem>>)
      %dma_wait3A = arith.constant 0 : i32
      %dma_wait3A_70 = arith.constant 0 : i32
      %dma_wait3A_71 = tpu.memref_slice %arg5[%dma_wait3A, %dma_wait3A_70] : memref<128x128xf32, #tpu.memory_space<vmem>> -> memref<128x128xf32, #tpu.memory_space<vmem>>
      %dma_wait3A_72 = arith.constant 0 : i32
      %dma_wait3A_73 = tpu.memref_slice %arg6[%add3A_25, %dma_wait3A_72] : memref<10112x128xf32, #tpu.memory_space<vmem_shared>> -> memref<128x128xf32, #tpu.memory_space<vmem_shared>>
      %dma_wait3A_74 = arith.constant 0 : i32
      %dma_wait3A_75 = tpu.memref_slice %arg6[%add3A_25, %dma_wait3A_74] : memref<10112x128xf32, #tpu.memory_space<vmem_shared>> -> memref<128x128xf32, #tpu.memory_space<vmem_shared>>
      %dma_wait3A_76 = arith.constant 0 : i32
      %dma_wait3A_77 = arith.constant 0 : i32
      %dma_wait3A_78 = tpu.memref_slice %arg5[%dma_wait3A_76, %dma_wait3A_77] : memref<128x128xf32, #tpu.memory_space<vmem>> -> memref<128x128xf32, #tpu.memory_space<vmem>>
      tpu.wait_dma2 semaphore(%run_scoped3A : memref<!tpu.dma_semaphore, #tpu.memory_space<semaphore_mem>>) src(%dma_wait3A_78 : memref<128x128xf32, #tpu.memory_space<vmem>>) dst(%dma_wait3A_75 : memref<128x128xf32, #tpu.memory_space<vmem_shared>>)
      tpu.yield
    }) : () -> ()
    %add3A_26 = arith.constant 512 : i32
    %add3A_27 = arith.addi %mul3A_9, %add3A_26 : i32
    %add3A_28 = arith.constant 0 : i32
    %add3A_29 = arith.addi %add3A_27, %add3A_28 : i32
    "tpu.region"() ({
      %run_scoped3A = tpu.sem_alloc : memref<!tpu.dma_semaphore, #tpu.memory_space<semaphore_mem>>
      %dma_start3A = arith.constant 0 : i32
      %dma_start3A_61 = arith.constant 0 : i32
      %dma_start3A_62 = tpu.memref_slice %arg5[%dma_start3A, %dma_start3A_61] : memref<128x128xf32, #tpu.memory_space<vmem>> -> memref<120x128xf32, #tpu.memory_space<vmem>>
      %dma_start3A_63 = arith.constant 0 : i32
      %dma_start3A_64 = tpu.memref_slice %arg6[%add3A_29, %dma_start3A_63] : memref<10112x128xf32, #tpu.memory_space<vmem_shared>> -> memref<120x128xf32, #tpu.memory_space<vmem_shared>>
      %dma_start3A_65 = arith.constant 0 : i32
      %dma_start3A_66 = tpu.memref_slice %arg6[%add3A_29, %dma_start3A_65] : memref<10112x128xf32, #tpu.memory_space<vmem_shared>> -> memref<120x128xf32, #tpu.memory_space<vmem_shared>>
      %dma_start3A_67 = arith.constant 0 : i32
      %dma_start3A_68 = arith.constant 0 : i32
      %dma_start3A_69 = tpu.memref_slice %arg5[%dma_start3A_67, %dma_start3A_68] : memref<128x128xf32, #tpu.memory_space<vmem>> -> memref<120x128xf32, #tpu.memory_space<vmem>>
      tpu.enqueue_dma source(%dma_start3A_69 : memref<120x128xf32, #tpu.memory_space<vmem>>) target(%dma_start3A_66 : memref<120x128xf32, #tpu.memory_space<vmem_shared>>) target_semaphore(%run_scoped3A : memref<!tpu.dma_semaphore, #tpu.memory_space<semaphore_mem>>)
      %dma_wait3A = arith.constant 0 : i32
      %dma_wait3A_70 = arith.constant 0 : i32
      %dma_wait3A_71 = tpu.memref_slice %arg5[%dma_wait3A, %dma_wait3A_70] : memref<128x128xf32, #tpu.memory_space<vmem>> -> memref<120x128xf32, #tpu.memory_space<vmem>>
      %dma_wait3A_72 = arith.constant 0 : i32
      %dma_wait3A_73 = tpu.memref_slice %arg6[%add3A_29, %dma_wait3A_72] : memref<10112x128xf32, #tpu.memory_space<vmem_shared>> -> memref<120x128xf32, #tpu.memory_space<vmem_shared>>
      %dma_wait3A_74 = arith.constant 0 : i32
      %dma_wait3A_75 = tpu.memref_slice %arg6[%add3A_29, %dma_wait3A_74] : memref<10112x128xf32, #tpu.memory_space<vmem_shared>> -> memref<120x128xf32, #tpu.memory_space<vmem_shared>>
      %dma_wait3A_76 = arith.constant 0 : i32
      %dma_wait3A_77 = arith.constant 0 : i32
      %dma_wait3A_78 = tpu.memref_slice %arg5[%dma_wait3A_76, %dma_wait3A_77] : memref<128x128xf32, #tpu.memory_space<vmem>> -> memref<120x128xf32, #tpu.memory_space<vmem>>
      tpu.wait_dma2 semaphore(%run_scoped3A : memref<!tpu.dma_semaphore, #tpu.memory_space<semaphore_mem>>) src(%dma_wait3A_78 : memref<120x128xf32, #tpu.memory_space<vmem>>) dst(%dma_wait3A_75 : memref<120x128xf32, #tpu.memory_space<vmem_shared>>)
      tpu.yield
    }) : () -> ()
    %barrier3A = arith.constant 0 : index
    tpu.barrier barrier_id(%barrier3A)
    %scan3A_30 = arith.constant 0 : i32
    %scan3A_31 = arith.constant 128 : i32
    %scan3A_32 = arith.addi %scan3A_30, %scan3A_31 : i32
    %scan3A_33 = arith.constant 1 : i32
    scf.for %scan3A_61 = %scan3A_30 to %scan3A_32 step %scan3A_33  : i32 {
      %swap3A = arith.index_cast %scan3A_61 : i32 to index
      %swap3A_62 = arith.constant 0 : index
      %swap3A_63 = tpu.vector_load %arg5[%swap3A, %swap3A_62] {strides = array<i32>} : memref<128x128xf32, #tpu.memory_space<vmem>>, vector<1x16xf32>,
      %swap3A_64 = vector.shape_cast %swap3A_63 : vector<1x16xf32> to vector<16xf32>
      %swap3A_65 = vector.shape_cast %broadcast_in_dim3A_3 : vector<16xf32> to vector<1x16xf32>
      tpu.vector_store %arg5[%swap3A, %swap3A_62], %swap3A_65 {strides = array<i32>} : memref<128x128xf32, #tpu.memory_space<vmem>>, vector<1x16xf32>,
      %swap3A_66 = arith.index_cast %scan3A_61 : i32 to index
      %swap3A_67 = arith.constant 16 : index
      %swap3A_68 = tpu.vector_load %arg5[%swap3A_66, %swap3A_67] {strides = array<i32>} : memref<128x128xf32, #tpu.memory_space<vmem>>, vector<1x16xf32>,
      %swap3A_69 = vector.shape_cast %swap3A_68 : vector<1x16xf32> to vector<16xf32>
      %swap3A_70 = vector.shape_cast %broadcast_in_dim3A_3 : vector<16xf32> to vector<1x16xf32>
      tpu.vector_store %arg5[%swap3A_66, %swap3A_67], %swap3A_70 {strides = array<i32>} : memref<128x128xf32, #tpu.memory_space<vmem>>, vector<1x16xf32>,
      %swap3A_71 = arith.index_cast %scan3A_61 : i32 to index
      %swap3A_72 = arith.constant 32 : index
      %swap3A_73 = tpu.vector_load %arg5[%swap3A_71, %swap3A_72] {strides = array<i32>} : memref<128x128xf32, #tpu.memory_space<vmem>>, vector<1x16xf32>,
      %swap3A_74 = vector.shape_cast %swap3A_73 : vector<1x16xf32> to vector<16xf32>
      %swap3A_75 = vector.shape_cast %broadcast_in_dim3A_3 : vector<16xf32> to vector<1x16xf32>
      tpu.vector_store %arg5[%swap3A_71, %swap3A_72], %swap3A_75 {strides = array<i32>} : memref<128x128xf32, #tpu.memory_space<vmem>>, vector<1x16xf32>,
      %swap3A_76 = arith.index_cast %scan3A_61 : i32 to index
      %swap3A_77 = arith.constant 48 : index
      %swap3A_78 = tpu.vector_load %arg5[%swap3A_76, %swap3A_77] {strides = array<i32>} : memref<128x128xf32, #tpu.memory_space<vmem>>, vector<1x16xf32>,
      %swap3A_79 = vector.shape_cast %swap3A_78 : vector<1x16xf32> to vector<16xf32>
      %swap3A_80 = vector.shape_cast %broadcast_in_dim3A_3 : vector<16xf32> to vector<1x16xf32>
      tpu.vector_store %arg5[%swap3A_76, %swap3A_77], %swap3A_80 {strides = array<i32>} : memref<128x128xf32, #tpu.memory_space<vmem>>, vector<1x16xf32>,
      %swap3A_81 = arith.index_cast %scan3A_61 : i32 to index
      %swap3A_82 = arith.constant 64 : index
      %swap3A_83 = tpu.vector_load %arg5[%swap3A_81, %swap3A_82] {strides = array<i32>} : memref<128x128xf32, #tpu.memory_space<vmem>>, vector<1x16xf32>,
      %swap3A_84 = vector.shape_cast %swap3A_83 : vector<1x16xf32> to vector<16xf32>
      %swap3A_85 = vector.shape_cast %broadcast_in_dim3A_3 : vector<16xf32> to vector<1x16xf32>
      tpu.vector_store %arg5[%swap3A_81, %swap3A_82], %swap3A_85 {strides = array<i32>} : memref<128x128xf32, #tpu.memory_space<vmem>>, vector<1x16xf32>,
      %swap3A_86 = arith.index_cast %scan3A_61 : i32 to index
      %swap3A_87 = arith.constant 80 : index
      %swap3A_88 = tpu.vector_load %arg5[%swap3A_86, %swap3A_87] {strides = array<i32>} : memref<128x128xf32, #tpu.memory_space<vmem>>, vector<1x16xf32>,
      %swap3A_89 = vector.shape_cast %swap3A_88 : vector<1x16xf32> to vector<16xf32>
      %swap3A_90 = vector.shape_cast %broadcast_in_dim3A_3 : vector<16xf32> to vector<1x16xf32>
      tpu.vector_store %arg5[%swap3A_86, %swap3A_87], %swap3A_90 {strides = array<i32>} : memref<128x128xf32, #tpu.memory_space<vmem>>, vector<1x16xf32>,
      %swap3A_91 = arith.index_cast %scan3A_61 : i32 to index
      %swap3A_92 = arith.constant 96 : index
      %swap3A_93 = tpu.vector_load %arg5[%swap3A_91, %swap3A_92] {strides = array<i32>} : memref<128x128xf32, #tpu.memory_space<vmem>>, vector<1x16xf32>,
      %swap3A_94 = vector.shape_cast %swap3A_93 : vector<1x16xf32> to vector<16xf32>
      %swap3A_95 = vector.shape_cast %broadcast_in_dim3A_3 : vector<16xf32> to vector<1x16xf32>
      tpu.vector_store %arg5[%swap3A_91, %swap3A_92], %swap3A_95 {strides = array<i32>} : memref<128x128xf32, #tpu.memory_space<vmem>>, vector<1x16xf32>,
      %swap3A_96 = arith.index_cast %scan3A_61 : i32 to index
      %swap3A_97 = arith.constant 112 : index
      %swap3A_98 = tpu.vector_load %arg5[%swap3A_96, %swap3A_97] {strides = array<i32>} : memref<128x128xf32, #tpu.memory_space<vmem>>, vector<1x16xf32>,
      %swap3A_99 = vector.shape_cast %swap3A_98 : vector<1x16xf32> to vector<16xf32>
      %swap3A_100 = vector.shape_cast %broadcast_in_dim3A_3 : vector<16xf32> to vector<1x16xf32>
      tpu.vector_store %arg5[%swap3A_96, %swap3A_97], %swap3A_100 {strides = array<i32>} : memref<128x128xf32, #tpu.memory_space<vmem>>, vector<1x16xf32>,
    }
    %scan3A_34 = arith.constant 128 : i32
    %scan3A_35 = arith.constant 0 : i32
    %scan3A_36 = arith.constant 40 : i32
    %scan3A_37 = arith.addi %scan3A_35, %scan3A_36 : i32
    %scan3A_38 = arith.constant 1 : i32
    scf.for %scan3A_61 = %scan3A_35 to %scan3A_37 step %scan3A_38  : i32 {
      %mul3A_62 = arith.constant 10240 : i32
      %mul3A_63 = arith.muli %add3A, %mul3A_62 : i32
      %mul3A_64 = arith.constant 256 : i32
      %mul3A_65 = arith.muli %scan3A_61, %mul3A_64 : i32
      %add3A_66 = arith.addi %mul3A_63, %mul3A_65 : i32
      %multiple_of3A = tpu.assume_multiple %add3A_66, 8 : i32
      %add3A_67 = arith.constant 0 : i32
      %add3A_68 = arith.addi %multiple_of3A, %add3A_67 : i32
      %run_scoped3A = arith.constant 0 : i32
      "tpu.region"() ({
        %run_scoped3A_74 = tpu.sem_alloc : memref<!tpu.dma_semaphore, #tpu.memory_space<semaphore_mem>>
        %dma_start3A = arith.constant 0 : i32
        %dma_start3A_75 = tpu.memref_slice %arg4[%run_scoped3A, %dma_start3A] : memref<2x128xi32, #tpu.memory_space<vmem>> -> memref<1x128xi32, #tpu.memory_space<vmem>>
        %dma_start3A_76 = tpu.memref_squeeze %dma_start3A_75 : memref<1x128xi32, #tpu.memory_space<vmem>> -> memref<128xi32, #tpu.memory_space<vmem>>
        %dma_start3A_77 = tpu.memref_slice %arg2[%add3A_68] : memref<327680xi32, #tpu.memory_space<hbm>> -> memref<128xi32, #tpu.memory_space<hbm>>
        %dma_start3A_78 = arith.constant 0 : i32
        %dma_start3A_79 = tpu.memref_slice %arg4[%run_scoped3A, %dma_start3A_78] : memref<2x128xi32, #tpu.memory_space<vmem>> -> memref<1x128xi32, #tpu.memory_space<vmem>>
        %dma_start3A_80 = tpu.memref_squeeze %dma_start3A_79 : memref<1x128xi32, #tpu.memory_space<vmem>> -> memref<128xi32, #tpu.memory_space<vmem>>
        %dma_start3A_81 = tpu.memref_slice %arg2[%add3A_68] : memref<327680xi32, #tpu.memory_space<hbm>> -> memref<128xi32, #tpu.memory_space<hbm>>
        tpu.enqueue_dma source(%dma_start3A_81 : memref<128xi32, #tpu.memory_space<hbm>>) target(%dma_start3A_80 : memref<128xi32, #tpu.memory_space<vmem>>) target_semaphore(%run_scoped3A_74 : memref<!tpu.dma_semaphore, #tpu.memory_space<semaphore_mem>>)
        %dma_wait3A = arith.constant 0 : i32
        %dma_wait3A_82 = tpu.memref_slice %arg4[%run_scoped3A, %dma_wait3A] : memref<2x128xi32, #tpu.memory_space<vmem>> -> memref<1x128xi32, #tpu.memory_space<vmem>>
        %dma_wait3A_83 = tpu.memref_squeeze %dma_wait3A_82 : memref<1x128xi32, #tpu.memory_space<vmem>> -> memref<128xi32, #tpu.memory_space<vmem>>
        %dma_wait3A_84 = tpu.memref_slice %arg2[%add3A_68] : memref<327680xi32, #tpu.memory_space<hbm>> -> memref<128xi32, #tpu.memory_space<hbm>>
        %dma_wait3A_85 = arith.constant 0 : i32
        %dma_wait3A_86 = tpu.memref_slice %arg4[%run_scoped3A, %dma_wait3A_85] : memref<2x128xi32, #tpu.memory_space<vmem>> -> memref<1x128xi32, #tpu.memory_space<vmem>>
        %dma_wait3A_87 = tpu.memref_squeeze %dma_wait3A_86 : memref<1x128xi32, #tpu.memory_space<vmem>> -> memref<128xi32, #tpu.memory_space<vmem>>
        %dma_wait3A_88 = tpu.memref_slice %arg2[%add3A_68] : memref<327680xi32, #tpu.memory_space<hbm>> -> memref<128xi32, #tpu.memory_space<hbm>>
        tpu.wait_dma2 semaphore(%run_scoped3A_74 : memref<!tpu.dma_semaphore, #tpu.memory_space<semaphore_mem>>) src(%dma_wait3A_88 : memref<128xi32, #tpu.memory_space<hbm>>) dst(%dma_wait3A_87 : memref<128xi32, #tpu.memory_space<vmem>>)
        tpu.yield
      }) : () -> ()
      %add3A_69 = arith.constant 128 : i32
      %add3A_70 = arith.addi %multiple_of3A, %add3A_69 : i32
      %run_scoped3A_71 = arith.constant 1 : i32
      "tpu.region"() ({
        %run_scoped3A_74 = tpu.sem_alloc : memref<!tpu.dma_semaphore, #tpu.memory_space<semaphore_mem>>
        %dma_start3A = arith.constant 0 : i32
        %dma_start3A_75 = tpu.memref_slice %arg4[%run_scoped3A_71, %dma_start3A] : memref<2x128xi32, #tpu.memory_space<vmem>> -> memref<1x128xi32, #tpu.memory_space<vmem>>
        %dma_start3A_76 = tpu.memref_squeeze %dma_start3A_75 : memref<1x128xi32, #tpu.memory_space<vmem>> -> memref<128xi32, #tpu.memory_space<vmem>>
        %dma_start3A_77 = tpu.memref_slice %arg2[%add3A_70] : memref<327680xi32, #tpu.memory_space<hbm>> -> memref<128xi32, #tpu.memory_space<hbm>>
        %dma_start3A_78 = arith.constant 0 : i32
        %dma_start3A_79 = tpu.memref_slice %arg4[%run_scoped3A_71, %dma_start3A_78] : memref<2x128xi32, #tpu.memory_space<vmem>> -> memref<1x128xi32, #tpu.memory_space<vmem>>
        %dma_start3A_80 = tpu.memref_squeeze %dma_start3A_79 : memref<1x128xi32, #tpu.memory_space<vmem>> -> memref<128xi32, #tpu.memory_space<vmem>>
        %dma_start3A_81 = tpu.memref_slice %arg2[%add3A_70] : memref<327680xi32, #tpu.memory_space<hbm>> -> memref<128xi32, #tpu.memory_space<hbm>>
        tpu.enqueue_dma source(%dma_start3A_81 : memref<128xi32, #tpu.memory_space<hbm>>) target(%dma_start3A_80 : memref<128xi32, #tpu.memory_space<vmem>>) target_semaphore(%run_scoped3A_74 : memref<!tpu.dma_semaphore, #tpu.memory_space<semaphore_mem>>)
        %dma_wait3A = arith.constant 0 : i32
        %dma_wait3A_82 = tpu.memref_slice %arg4[%run_scoped3A_71, %dma_wait3A] : memref<2x128xi32, #tpu.memory_space<vmem>> -> memref<1x128xi32, #tpu.memory_space<vmem>>
        %dma_wait3A_83 = tpu.memref_squeeze %dma_wait3A_82 : memref<1x128xi32, #tpu.memory_space<vmem>> -> memref<128xi32, #tpu.memory_space<vmem>>
        %dma_wait3A_84 = tpu.memref_slice %arg2[%add3A_70] : memref<327680xi32, #tpu.memory_space<hbm>> -> memref<128xi32, #tpu.memory_space<hbm>>
        %dma_wait3A_85 = arith.constant 0 : i32
        %dma_wait3A_86 = tpu.memref_slice %arg4[%run_scoped3A_71, %dma_wait3A_85] : memref<2x128xi32, #tpu.memory_space<vmem>> -> memref<1x128xi32, #tpu.memory_space<vmem>>
        %dma_wait3A_87 = tpu.memref_squeeze %dma_wait3A_86 : memref<1x128xi32, #tpu.memory_space<vmem>> -> memref<128xi32, #tpu.memory_space<vmem>>
        %dma_wait3A_88 = tpu.memref_slice %arg2[%add3A_70] : memref<327680xi32, #tpu.memory_space<hbm>> -> memref<128xi32, #tpu.memory_space<hbm>>
        tpu.wait_dma2 semaphore(%run_scoped3A_74 : memref<!tpu.dma_semaphore, #tpu.memory_space<semaphore_mem>>) src(%dma_wait3A_88 : memref<128xi32, #tpu.memory_space<hbm>>) dst(%dma_wait3A_87 : memref<128xi32, #tpu.memory_space<vmem>>)
        tpu.yield
      }) : () -> ()
      %run_scoped3A_72 = arith.constant 0 : i32
      "tpu.region"() ({
        %run_scoped3A_74 = tpu.sem_alloc : memref<!tpu.dma_semaphore, #tpu.memory_space<semaphore_mem>>
        %dma_start3A = arith.constant 0 : i32
        %dma_start3A_75 = tpu.memref_slice %arg4[%run_scoped3A_72, %dma_start3A] : memref<2x128xi32, #tpu.memory_space<vmem>> -> memref<1x128xi32, #tpu.memory_space<vmem>>
        %dma_start3A_76 = tpu.memref_squeeze %dma_start3A_75 : memref<1x128xi32, #tpu.memory_space<vmem>> -> memref<128xi32, #tpu.memory_space<vmem>>
        %dma_start3A_77 = arith.constant 0 : i32
        %dma_start3A_78 = arith.constant 0 : i32
        %dma_start3A_79 = tpu.memref_slice %arg6[%dma_start3A_77, %dma_start3A_78] : memref<10112x128xf32, #tpu.memory_space<vmem_shared>> -> memref<10112x128xf32, #tpu.memory_space<vmem_shared>>
        tpu.enqueue_indirect_dma source(%arg5 : memref<128x128xf32, #tpu.memory_space<vmem>>) target(%dma_start3A_79 : memref<10112x128xf32, #tpu.memory_space<vmem_shared>>) offsets(%dma_start3A_76 : memref<128xi32, #tpu.memory_space<vmem>>) semaphore(%run_scoped3A_74 : memref<!tpu.dma_semaphore, #tpu.memory_space<semaphore_mem>>) {add = true}
        %dma_wait3A = arith.constant 0 : i32
        %dma_wait3A_80 = tpu.memref_slice %arg4[%run_scoped3A_72, %dma_wait3A] : memref<2x128xi32, #tpu.memory_space<vmem>> -> memref<1x128xi32, #tpu.memory_space<vmem>>
        %dma_wait3A_81 = tpu.memref_squeeze %dma_wait3A_80 : memref<1x128xi32, #tpu.memory_space<vmem>> -> memref<128xi32, #tpu.memory_space<vmem>>
        %dma_wait3A_82 = arith.constant 0 : i32
        %dma_wait3A_83 = arith.constant 0 : i32
        %dma_wait3A_84 = tpu.memref_slice %arg6[%dma_wait3A_82, %dma_wait3A_83] : memref<10112x128xf32, #tpu.memory_space<vmem_shared>> -> memref<10112x128xf32, #tpu.memory_space<vmem_shared>>
        tpu.wait_indirect_dma semaphore(%run_scoped3A_74 : memref<!tpu.dma_semaphore, #tpu.memory_space<semaphore_mem>>) src(%arg5 : memref<128x128xf32, #tpu.memory_space<vmem>>) dst(%dma_wait3A_84 : memref<10112x128xf32, #tpu.memory_space<vmem_shared>>)
        tpu.yield
      }) : () -> ()
      %run_scoped3A_73 = arith.constant 1 : i32
      "tpu.region"() ({
        %run_scoped3A_74 = tpu.sem_alloc : memref<!tpu.dma_semaphore, #tpu.memory_space<semaphore_mem>>
        %dma_start3A = arith.constant 0 : i32
        %dma_start3A_75 = tpu.memref_slice %arg4[%run_scoped3A_73, %dma_start3A] : memref<2x128xi32, #tpu.memory_space<vmem>> -> memref<1x128xi32, #tpu.memory_space<vmem>>
        %dma_start3A_76 = tpu.memref_squeeze %dma_start3A_75 : memref<1x128xi32, #tpu.memory_space<vmem>> -> memref<128xi32, #tpu.memory_space<vmem>>
        %dma_start3A_77 = arith.constant 0 : i32
        %dma_start3A_78 = arith.constant 0 : i32
        %dma_start3A_79 = tpu.memref_slice %arg6[%dma_start3A_77, %dma_start3A_78] : memref<10112x128xf32, #tpu.memory_space<vmem_shared>> -> memref<10112x128xf32, #tpu.memory_space<vmem_shared>>
        tpu.enqueue_indirect_dma source(%arg5 : memref<128x128xf32, #tpu.memory_space<vmem>>) target(%dma_start3A_79 : memref<10112x128xf32, #tpu.memory_space<vmem_shared>>) offsets(%dma_start3A_76 : memref<128xi32, #tpu.memory_space<vmem>>) semaphore(%run_scoped3A_74 : memref<!tpu.dma_semaphore, #tpu.memory_space<semaphore_mem>>) {add = true}
        %dma_wait3A = arith.constant 0 : i32
        %dma_wait3A_80 = tpu.memref_slice %arg4[%run_scoped3A_73, %dma_wait3A] : memref<2x128xi32, #tpu.memory_space<vmem>> -> memref<1x128xi32, #tpu.memory_space<vmem>>
        %dma_wait3A_81 = tpu.memref_squeeze %dma_wait3A_80 : memref<1x128xi32, #tpu.memory_space<vmem>> -> memref<128xi32, #tpu.memory_space<vmem>>
        %dma_wait3A_82 = arith.constant 0 : i32
        %dma_wait3A_83 = arith.constant 0 : i32
        %dma_wait3A_84 = tpu.memref_slice %arg6[%dma_wait3A_82, %dma_wait3A_83] : memref<10112x128xf32, #tpu.memory_space<vmem_shared>> -> memref<10112x128xf32, #tpu.memory_space<vmem_shared>>
        tpu.wait_indirect_dma semaphore(%run_scoped3A_74 : memref<!tpu.dma_semaphore, #tpu.memory_space<semaphore_mem>>) src(%arg5 : memref<128x128xf32, #tpu.memory_space<vmem>>) dst(%dma_wait3A_84 : memref<10112x128xf32, #tpu.memory_space<vmem_shared>>)
        tpu.yield
      }) : () -> ()
    }
    %scan3A_39 = arith.constant 40 : i32
    %barrier3A_40 = arith.constant 0 : index
    tpu.barrier barrier_id(%barrier3A_40)
    %add3A_41 = arith.constant 0 : i32
    %add3A_42 = arith.addi %mul3A_9, %add3A_41 : i32
    %add3A_43 = arith.constant 0 : i32
    %add3A_44 = arith.addi %add3A_42, %add3A_43 : i32
    "tpu.region"() ({
      %run_scoped3A = tpu.sem_alloc : memref<!tpu.dma_semaphore, #tpu.memory_space<semaphore_mem>>
      %dma_start3A = arith.constant 0 : i32
      %dma_start3A_61 = arith.constant 0 : i32
      %dma_start3A_62 = tpu.memref_slice %arg5[%dma_start3A, %dma_start3A_61] : memref<128x128xf32, #tpu.memory_space<vmem>> -> memref<128x128xf32, #tpu.memory_space<vmem>>
      %dma_start3A_63 = arith.constant 0 : i32
      %dma_start3A_64 = tpu.memref_slice %arg6[%add3A_44, %dma_start3A_63] : memref<10112x128xf32, #tpu.memory_space<vmem_shared>> -> memref<128x128xf32, #tpu.memory_space<vmem_shared>>
      %dma_start3A_65 = arith.constant 0 : i32
      %dma_start3A_66 = arith.constant 0 : i32
      %dma_start3A_67 = tpu.memref_slice %arg5[%dma_start3A_65, %dma_start3A_66] : memref<128x128xf32, #tpu.memory_space<vmem>> -> memref<128x128xf32, #tpu.memory_space<vmem>>
      %dma_start3A_68 = arith.constant 0 : i32
      %dma_start3A_69 = tpu.memref_slice %arg6[%add3A_44, %dma_start3A_68] : memref<10112x128xf32, #tpu.memory_space<vmem_shared>> -> memref<128x128xf32, #tpu.memory_space<vmem_shared>>
      tpu.enqueue_dma source(%dma_start3A_69 : memref<128x128xf32, #tpu.memory_space<vmem_shared>>) target(%dma_start3A_67 : memref<128x128xf32, #tpu.memory_space<vmem>>) target_semaphore(%run_scoped3A : memref<!tpu.dma_semaphore, #tpu.memory_space<semaphore_mem>>)
      %dma_wait3A = arith.constant 0 : i32
      %dma_wait3A_70 = arith.constant 0 : i32
      %dma_wait3A_71 = tpu.memref_slice %arg5[%dma_wait3A, %dma_wait3A_70] : memref<128x128xf32, #tpu.memory_space<vmem>> -> memref<128x128xf32, #tpu.memory_space<vmem>>
      %dma_wait3A_72 = arith.constant 0 : i32
      %dma_wait3A_73 = tpu.memref_slice %arg6[%add3A_44, %dma_wait3A_72] : memref<10112x128xf32, #tpu.memory_space<vmem_shared>> -> memref<128x128xf32, #tpu.memory_space<vmem_shared>>
      %dma_wait3A_74 = arith.constant 0 : i32
      %dma_wait3A_75 = arith.constant 0 : i32
      %dma_wait3A_76 = tpu.memref_slice %arg5[%dma_wait3A_74, %dma_wait3A_75] : memref<128x128xf32, #tpu.memory_space<vmem>> -> memref<128x128xf32, #tpu.memory_space<vmem>>
      %dma_wait3A_77 = arith.constant 0 : i32
      %dma_wait3A_78 = tpu.memref_slice %arg6[%add3A_44, %dma_wait3A_77] : memref<10112x128xf32, #tpu.memory_space<vmem_shared>> -> memref<128x128xf32, #tpu.memory_space<vmem_shared>>
      tpu.wait_dma2 semaphore(%run_scoped3A : memref<!tpu.dma_semaphore, #tpu.memory_space<semaphore_mem>>) src(%dma_wait3A_78 : memref<128x128xf32, #tpu.memory_space<vmem_shared>>) dst(%dma_wait3A_76 : memref<128x128xf32, #tpu.memory_space<vmem>>)
      tpu.yield
    }) : () -> ()
    "tpu.region"() ({
      %run_scoped3A = tpu.sem_alloc : memref<!tpu.dma_semaphore, #tpu.memory_space<semaphore_mem>>
      %dma_start3A = arith.constant 0 : i32
      %dma_start3A_61 = arith.constant 0 : i32
      %dma_start3A_62 = tpu.memref_slice %arg5[%dma_start3A, %dma_start3A_61] : memref<128x128xf32, #tpu.memory_space<vmem>> -> memref<128x128xf32, #tpu.memory_space<vmem>>
      %dma_start3A_63 = arith.constant 0 : i32
      %dma_start3A_64 = tpu.memref_slice %arg3[%arg0, %add3A_44, %dma_start3A_63] : memref<2x10112x128xf32, #tpu.memory_space<hbm>> -> memref<1x128x128xf32, #tpu.memory_space<hbm>>
      %dma_start3A_65 = tpu.memref_squeeze %dma_start3A_64 : memref<1x128x128xf32, #tpu.memory_space<hbm>> -> memref<128x128xf32, #tpu.memory_space<hbm>>
      %dma_start3A_66 = arith.constant 0 : i32
      %dma_start3A_67 = tpu.memref_slice %arg3[%arg0, %add3A_44, %dma_start3A_66] : memref<2x10112x128xf32, #tpu.memory_space<hbm>> -> memref<1x128x128xf32, #tpu.memory_space<hbm>>
      %dma_start3A_68 = tpu.memref_squeeze %dma_start3A_67 : memref<1x128x128xf32, #tpu.memory_space<hbm>> -> memref<128x128xf32, #tpu.memory_space<hbm>>
      %dma_start3A_69 = arith.constant 0 : i32
      %dma_start3A_70 = arith.constant 0 : i32
      %dma_start3A_71 = tpu.memref_slice %arg5[%dma_start3A_69, %dma_start3A_70] : memref<128x128xf32, #tpu.memory_space<vmem>> -> memref<128x128xf32, #tpu.memory_space<vmem>>
      tpu.enqueue_dma source(%dma_start3A_71 : memref<128x128xf32, #tpu.memory_space<vmem>>) target(%dma_start3A_68 : memref<128x128xf32, #tpu.memory_space<hbm>>) target_semaphore(%run_scoped3A : memref<!tpu.dma_semaphore, #tpu.memory_space<semaphore_mem>>)
      %dma_wait3A = arith.constant 0 : i32
      %dma_wait3A_72 = arith.constant 0 : i32
      %dma_wait3A_73 = tpu.memref_slice %arg5[%dma_wait3A, %dma_wait3A_72] : memref<128x128xf32, #tpu.memory_space<vmem>> -> memref<128x128xf32, #tpu.memory_space<vmem>>
      %dma_wait3A_74 = arith.constant 0 : i32
      %dma_wait3A_75 = tpu.memref_slice %arg3[%arg0, %add3A_44, %dma_wait3A_74] : memref<2x10112x128xf32, #tpu.memory_space<hbm>> -> memref<1x128x128xf32, #tpu.memory_space<hbm>>
      %dma_wait3A_76 = tpu.memref_squeeze %dma_wait3A_75 : memref<1x128x128xf32, #tpu.memory_space<hbm>> -> memref<128x128xf32, #tpu.memory_space<hbm>>
      %dma_wait3A_77 = arith.constant 0 : i32
      %dma_wait3A_78 = tpu.memref_slice %arg3[%arg0, %add3A_44, %dma_wait3A_77] : memref<2x10112x128xf32, #tpu.memory_space<hbm>> -> memref<1x128x128xf32, #tpu.memory_space<hbm>>
      %dma_wait3A_79 = tpu.memref_squeeze %dma_wait3A_78 : memref<1x128x128xf32, #tpu.memory_space<hbm>> -> memref<128x128xf32, #tpu.memory_space<hbm>>
      %dma_wait3A_80 = arith.constant 0 : i32
      %dma_wait3A_81 = arith.constant 0 : i32
      %dma_wait3A_82 = tpu.memref_slice %arg5[%dma_wait3A_80, %dma_wait3A_81] : memref<128x128xf32, #tpu.memory_space<vmem>> -> memref<128x128xf32, #tpu.memory_space<vmem>>
      tpu.wait_dma2 semaphore(%run_scoped3A : memref<!tpu.dma_semaphore, #tpu.memory_space<semaphore_mem>>) src(%dma_wait3A_82 : memref<128x128xf32, #tpu.memory_space<vmem>>) dst(%dma_wait3A_79 : memref<128x128xf32, #tpu.memory_space<hbm>>)
      tpu.yield
    }) : () -> ()
    %add3A_45 = arith.constant 0 : i32
    %add3A_46 = arith.addi %mul3A_9, %add3A_45 : i32
    %add3A_47 = arith.constant 128 : i32
    %add3A_48 = arith.addi %add3A_46, %add3A_47 : i32
    "tpu.region"() ({
      %run_scoped3A = tpu.sem_alloc : memref<!tpu.dma_semaphore, #tpu.memory_space<semaphore_mem>>
      %dma_start3A = arith.constant 0 : i32
      %dma_start3A_61 = arith.constant 0 : i32
      %dma_start3A_62 = tpu.memref_slice %arg5[%dma_start3A, %dma_start3A_61] : memref<128x128xf32, #tpu.memory_space<vmem>> -> memref<128x128xf32, #tpu.memory_space<vmem>>
      %dma_start3A_63 = arith.constant 0 : i32
      %dma_start3A_64 = tpu.memref_slice %arg6[%add3A_48, %dma_start3A_63] : memref<10112x128xf32, #tpu.memory_space<vmem_shared>> -> memref<128x128xf32, #tpu.memory_space<vmem_shared>>
      %dma_start3A_65 = arith.constant 0 : i32
      %dma_start3A_66 = arith.constant 0 : i32
      %dma_start3A_67 = tpu.memref_slice %arg5[%dma_start3A_65, %dma_start3A_66] : memref<128x128xf32, #tpu.memory_space<vmem>> -> memref<128x128xf32, #tpu.memory_space<vmem>>
      %dma_start3A_68 = arith.constant 0 : i32
      %dma_start3A_69 = tpu.memref_slice %arg6[%add3A_48, %dma_start3A_68] : memref<10112x128xf32, #tpu.memory_space<vmem_shared>> -> memref<128x128xf32, #tpu.memory_space<vmem_shared>>
      tpu.enqueue_dma source(%dma_start3A_69 : memref<128x128xf32, #tpu.memory_space<vmem_shared>>) target(%dma_start3A_67 : memref<128x128xf32, #tpu.memory_space<vmem>>) target_semaphore(%run_scoped3A : memref<!tpu.dma_semaphore, #tpu.memory_space<semaphore_mem>>)
      %dma_wait3A = arith.constant 0 : i32
      %dma_wait3A_70 = arith.constant 0 : i32
      %dma_wait3A_71 = tpu.memref_slice %arg5[%dma_wait3A, %dma_wait3A_70] : memref<128x128xf32, #tpu.memory_space<vmem>> -> memref<128x128xf32, #tpu.memory_space<vmem>>
      %dma_wait3A_72 = arith.constant 0 : i32
      %dma_wait3A_73 = tpu.memref_slice %arg6[%add3A_48, %dma_wait3A_72] : memref<10112x128xf32, #tpu.memory_space<vmem_shared>> -> memref<128x128xf32, #tpu.memory_space<vmem_shared>>
      %dma_wait3A_74 = arith.constant 0 : i32
      %dma_wait3A_75 = arith.constant 0 : i32
      %dma_wait3A_76 = tpu.memref_slice %arg5[%dma_wait3A_74, %dma_wait3A_75] : memref<128x128xf32, #tpu.memory_space<vmem>> -> memref<128x128xf32, #tpu.memory_space<vmem>>
      %dma_wait3A_77 = arith.constant 0 : i32
      %dma_wait3A_78 = tpu.memref_slice %arg6[%add3A_48, %dma_wait3A_77] : memref<10112x128xf32, #tpu.memory_space<vmem_shared>> -> memref<128x128xf32, #tpu.memory_space<vmem_shared>>
      tpu.wait_dma2 semaphore(%run_scoped3A : memref<!tpu.dma_semaphore, #tpu.memory_space<semaphore_mem>>) src(%dma_wait3A_78 : memref<128x128xf32, #tpu.memory_space<vmem_shared>>) dst(%dma_wait3A_76 : memref<128x128xf32, #tpu.memory_space<vmem>>)
      tpu.yield
    }) : () -> ()
    "tpu.region"() ({
      %run_scoped3A = tpu.sem_alloc : memref<!tpu.dma_semaphore, #tpu.memory_space<semaphore_mem>>
      %dma_start3A = arith.constant 0 : i32
      %dma_start3A_61 = arith.constant 0 : i32
      %dma_start3A_62 = tpu.memref_slice %arg5[%dma_start3A, %dma_start3A_61] : memref<128x128xf32, #tpu.memory_space<vmem>> -> memref<128x128xf32, #tpu.memory_space<vmem>>
      %dma_start3A_63 = arith.constant 0 : i32
      %dma_start3A_64 = tpu.memref_slice %arg3[%arg0, %add3A_48, %dma_start3A_63] : memref<2x10112x128xf32, #tpu.memory_space<hbm>> -> memref<1x128x128xf32, #tpu.memory_space<hbm>>
      %dma_start3A_65 = tpu.memref_squeeze %dma_start3A_64 : memref<1x128x128xf32, #tpu.memory_space<hbm>> -> memref<128x128xf32, #tpu.memory_space<hbm>>
      %dma_start3A_66 = arith.constant 0 : i32
      %dma_start3A_67 = tpu.memref_slice %arg3[%arg0, %add3A_48, %dma_start3A_66] : memref<2x10112x128xf32, #tpu.memory_space<hbm>> -> memref<1x128x128xf32, #tpu.memory_space<hbm>>
      %dma_start3A_68 = tpu.memref_squeeze %dma_start3A_67 : memref<1x128x128xf32, #tpu.memory_space<hbm>> -> memref<128x128xf32, #tpu.memory_space<hbm>>
      %dma_start3A_69 = arith.constant 0 : i32
      %dma_start3A_70 = arith.constant 0 : i32
      %dma_start3A_71 = tpu.memref_slice %arg5[%dma_start3A_69, %dma_start3A_70] : memref<128x128xf32, #tpu.memory_space<vmem>> -> memref<128x128xf32, #tpu.memory_space<vmem>>
      tpu.enqueue_dma source(%dma_start3A_71 : memref<128x128xf32, #tpu.memory_space<vmem>>) target(%dma_start3A_68 : memref<128x128xf32, #tpu.memory_space<hbm>>) target_semaphore(%run_scoped3A : memref<!tpu.dma_semaphore, #tpu.memory_space<semaphore_mem>>)
      %dma_wait3A = arith.constant 0 : i32
      %dma_wait3A_72 = arith.constant 0 : i32
      %dma_wait3A_73 = tpu.memref_slice %arg5[%dma_wait3A, %dma_wait3A_72] : memref<128x128xf32, #tpu.memory_space<vmem>> -> memref<128x128xf32, #tpu.memory_space<vmem>>
      %dma_wait3A_74 = arith.constant 0 : i32
      %dma_wait3A_75 = tpu.memref_slice %arg3[%arg0, %add3A_48, %dma_wait3A_74] : memref<2x10112x128xf32, #tpu.memory_space<hbm>> -> memref<1x128x128xf32, #tpu.memory_space<hbm>>
      %dma_wait3A_76 = tpu.memref_squeeze %dma_wait3A_75 : memref<1x128x128xf32, #tpu.memory_space<hbm>> -> memref<128x128xf32, #tpu.memory_space<hbm>>
      %dma_wait3A_77 = arith.constant 0 : i32
      %dma_wait3A_78 = tpu.memref_slice %arg3[%arg0, %add3A_48, %dma_wait3A_77] : memref<2x10112x128xf32, #tpu.memory_space<hbm>> -> memref<1x128x128xf32, #tpu.memory_space<hbm>>
      %dma_wait3A_79 = tpu.memref_squeeze %dma_wait3A_78 : memref<1x128x128xf32, #tpu.memory_space<hbm>> -> memref<128x128xf32, #tpu.memory_space<hbm>>
      %dma_wait3A_80 = arith.constant 0 : i32
      %dma_wait3A_81 = arith.constant 0 : i32
      %dma_wait3A_82 = tpu.memref_slice %arg5[%dma_wait3A_80, %dma_wait3A_81] : memref<128x128xf32, #tpu.memory_space<vmem>> -> memref<128x128xf32, #tpu.memory_space<vmem>>
      tpu.wait_dma2 semaphore(%run_scoped3A : memref<!tpu.dma_semaphore, #tpu.memory_space<semaphore_mem>>) src(%dma_wait3A_82 : memref<128x128xf32, #tpu.memory_space<vmem>>) dst(%dma_wait3A_79 : memref<128x128xf32, #tpu.memory_space<hbm>>)
      tpu.yield
    }) : () -> ()
    %add3A_49 = arith.constant 256 : i32
    %add3A_50 = arith.addi %mul3A_9, %add3A_49 : i32
    %add3A_51 = arith.constant 0 : i32
    %add3A_52 = arith.addi %add3A_50, %add3A_51 : i32
    "tpu.region"() ({
      %run_scoped3A = tpu.sem_alloc : memref<!tpu.dma_semaphore, #tpu.memory_space<semaphore_mem>>
      %dma_start3A = arith.constant 0 : i32
      %dma_start3A_61 = arith.constant 0 : i32
      %dma_start3A_62 = tpu.memref_slice %arg5[%dma_start3A, %dma_start3A_61] : memref<128x128xf32, #tpu.memory_space<vmem>> -> memref<128x128xf32, #tpu.memory_space<vmem>>
      %dma_start3A_63 = arith.constant 0 : i32
      %dma_start3A_64 = tpu.memref_slice %arg6[%add3A_52, %dma_start3A_63] : memref<10112x128xf32, #tpu.memory_space<vmem_shared>> -> memref<128x128xf32, #tpu.memory_space<vmem_shared>>
      %dma_start3A_65 = arith.constant 0 : i32
      %dma_start3A_66 = arith.constant 0 : i32
      %dma_start3A_67 = tpu.memref_slice %arg5[%dma_start3A_65, %dma_start3A_66] : memref<128x128xf32, #tpu.memory_space<vmem>> -> memref<128x128xf32, #tpu.memory_space<vmem>>
      %dma_start3A_68 = arith.constant 0 : i32
      %dma_start3A_69 = tpu.memref_slice %arg6[%add3A_52, %dma_start3A_68] : memref<10112x128xf32, #tpu.memory_space<vmem_shared>> -> memref<128x128xf32, #tpu.memory_space<vmem_shared>>
      tpu.enqueue_dma source(%dma_start3A_69 : memref<128x128xf32, #tpu.memory_space<vmem_shared>>) target(%dma_start3A_67 : memref<128x128xf32, #tpu.memory_space<vmem>>) target_semaphore(%run_scoped3A : memref<!tpu.dma_semaphore, #tpu.memory_space<semaphore_mem>>)
      %dma_wait3A = arith.constant 0 : i32
      %dma_wait3A_70 = arith.constant 0 : i32
      %dma_wait3A_71 = tpu.memref_slice %arg5[%dma_wait3A, %dma_wait3A_70] : memref<128x128xf32, #tpu.memory_space<vmem>> -> memref<128x128xf32, #tpu.memory_space<vmem>>
      %dma_wait3A_72 = arith.constant 0 : i32
      %dma_wait3A_73 = tpu.memref_slice %arg6[%add3A_52, %dma_wait3A_72] : memref<10112x128xf32, #tpu.memory_space<vmem_shared>> -> memref<128x128xf32, #tpu.memory_space<vmem_shared>>
      %dma_wait3A_74 = arith.constant 0 : i32
      %dma_wait3A_75 = arith.constant 0 : i32
      %dma_wait3A_76 = tpu.memref_slice %arg5[%dma_wait3A_74, %dma_wait3A_75] : memref<128x128xf32, #tpu.memory_space<vmem>> -> memref<128x128xf32, #tpu.memory_space<vmem>>
      %dma_wait3A_77 = arith.constant 0 : i32
      %dma_wait3A_78 = tpu.memref_slice %arg6[%add3A_52, %dma_wait3A_77] : memref<10112x128xf32, #tpu.memory_space<vmem_shared>> -> memref<128x128xf32, #tpu.memory_space<vmem_shared>>
      tpu.wait_dma2 semaphore(%run_scoped3A : memref<!tpu.dma_semaphore, #tpu.memory_space<semaphore_mem>>) src(%dma_wait3A_78 : memref<128x128xf32, #tpu.memory_space<vmem_shared>>) dst(%dma_wait3A_76 : memref<128x128xf32, #tpu.memory_space<vmem>>)
      tpu.yield
    }) : () -> ()
    "tpu.region"() ({
      %run_scoped3A = tpu.sem_alloc : memref<!tpu.dma_semaphore, #tpu.memory_space<semaphore_mem>>
      %dma_start3A = arith.constant 0 : i32
      %dma_start3A_61 = arith.constant 0 : i32
      %dma_start3A_62 = tpu.memref_slice %arg5[%dma_start3A, %dma_start3A_61] : memref<128x128xf32, #tpu.memory_space<vmem>> -> memref<128x128xf32, #tpu.memory_space<vmem>>
      %dma_start3A_63 = arith.constant 0 : i32
      %dma_start3A_64 = tpu.memref_slice %arg3[%arg0, %add3A_52, %dma_start3A_63] : memref<2x10112x128xf32, #tpu.memory_space<hbm>> -> memref<1x128x128xf32, #tpu.memory_space<hbm>>
      %dma_start3A_65 = tpu.memref_squeeze %dma_start3A_64 : memref<1x128x128xf32, #tpu.memory_space<hbm>> -> memref<128x128xf32, #tpu.memory_space<hbm>>
      %dma_start3A_66 = arith.constant 0 : i32
      %dma_start3A_67 = tpu.memref_slice %arg3[%arg0, %add3A_52, %dma_start3A_66] : memref<2x10112x128xf32, #tpu.memory_space<hbm>> -> memref<1x128x128xf32, #tpu.memory_space<hbm>>
      %dma_start3A_68 = tpu.memref_squeeze %dma_start3A_67 : memref<1x128x128xf32, #tpu.memory_space<hbm>> -> memref<128x128xf32, #tpu.memory_space<hbm>>
      %dma_start3A_69 = arith.constant 0 : i32
      %dma_start3A_70 = arith.constant 0 : i32
      %dma_start3A_71 = tpu.memref_slice %arg5[%dma_start3A_69, %dma_start3A_70] : memref<128x128xf32, #tpu.memory_space<vmem>> -> memref<128x128xf32, #tpu.memory_space<vmem>>
      tpu.enqueue_dma source(%dma_start3A_71 : memref<128x128xf32, #tpu.memory_space<vmem>>) target(%dma_start3A_68 : memref<128x128xf32, #tpu.memory_space<hbm>>) target_semaphore(%run_scoped3A : memref<!tpu.dma_semaphore, #tpu.memory_space<semaphore_mem>>)
      %dma_wait3A = arith.constant 0 : i32
      %dma_wait3A_72 = arith.constant 0 : i32
      %dma_wait3A_73 = tpu.memref_slice %arg5[%dma_wait3A, %dma_wait3A_72] : memref<128x128xf32, #tpu.memory_space<vmem>> -> memref<128x128xf32, #tpu.memory_space<vmem>>
      %dma_wait3A_74 = arith.constant 0 : i32
      %dma_wait3A_75 = tpu.memref_slice %arg3[%arg0, %add3A_52, %dma_wait3A_74] : memref<2x10112x128xf32, #tpu.memory_space<hbm>> -> memref<1x128x128xf32, #tpu.memory_space<hbm>>
      %dma_wait3A_76 = tpu.memref_squeeze %dma_wait3A_75 : memref<1x128x128xf32, #tpu.memory_space<hbm>> -> memref<128x128xf32, #tpu.memory_space<hbm>>
      %dma_wait3A_77 = arith.constant 0 : i32
      %dma_wait3A_78 = tpu.memref_slice %arg3[%arg0, %add3A_52, %dma_wait3A_77] : memref<2x10112x128xf32, #tpu.memory_space<hbm>> -> memref<1x128x128xf32, #tpu.memory_space<hbm>>
      %dma_wait3A_79 = tpu.memref_squeeze %dma_wait3A_78 : memref<1x128x128xf32, #tpu.memory_space<hbm>> -> memref<128x128xf32, #tpu.memory_space<hbm>>
      %dma_wait3A_80 = arith.constant 0 : i32
      %dma_wait3A_81 = arith.constant 0 : i32
      %dma_wait3A_82 = tpu.memref_slice %arg5[%dma_wait3A_80, %dma_wait3A_81] : memref<128x128xf32, #tpu.memory_space<vmem>> -> memref<128x128xf32, #tpu.memory_space<vmem>>
      tpu.wait_dma2 semaphore(%run_scoped3A : memref<!tpu.dma_semaphore, #tpu.memory_space<semaphore_mem>>) src(%dma_wait3A_82 : memref<128x128xf32, #tpu.memory_space<vmem>>) dst(%dma_wait3A_79 : memref<128x128xf32, #tpu.memory_space<hbm>>)
      tpu.yield
    }) : () -> ()
    %add3A_53 = arith.constant 256 : i32
    %add3A_54 = arith.addi %mul3A_9, %add3A_53 : i32
    %add3A_55 = arith.constant 128 : i32
    %add3A_56 = arith.addi %add3A_54, %add3A_55 : i32
    "tpu.region"() ({
      %run_scoped3A = tpu.sem_alloc : memref<!tpu.dma_semaphore, #tpu.memory_space<semaphore_mem>>
      %dma_start3A = arith.constant 0 : i32
      %dma_start3A_61 = arith.constant 0 : i32
      %dma_start3A_62 = tpu.memref_slice %arg5[%dma_start3A, %dma_start3A_61] : memref<128x128xf32, #tpu.memory_space<vmem>> -> memref<128x128xf32, #tpu.memory_space<vmem>>
      %dma_start3A_63 = arith.constant 0 : i32
      %dma_start3A_64 = tpu.memref_slice %arg6[%add3A_56, %dma_start3A_63] : memref<10112x128xf32, #tpu.memory_space<vmem_shared>> -> memref<128x128xf32, #tpu.memory_space<vmem_shared>>
      %dma_start3A_65 = arith.constant 0 : i32
      %dma_start3A_66 = arith.constant 0 : i32
      %dma_start3A_67 = tpu.memref_slice %arg5[%dma_start3A_65, %dma_start3A_66] : memref<128x128xf32, #tpu.memory_space<vmem>> -> memref<128x128xf32, #tpu.memory_space<vmem>>
      %dma_start3A_68 = arith.constant 0 : i32
      %dma_start3A_69 = tpu.memref_slice %arg6[%add3A_56, %dma_start3A_68] : memref<10112x128xf32, #tpu.memory_space<vmem_shared>> -> memref<128x128xf32, #tpu.memory_space<vmem_shared>>
      tpu.enqueue_dma source(%dma_start3A_69 : memref<128x128xf32, #tpu.memory_space<vmem_shared>>) target(%dma_start3A_67 : memref<128x128xf32, #tpu.memory_space<vmem>>) target_semaphore(%run_scoped3A : memref<!tpu.dma_semaphore, #tpu.memory_space<semaphore_mem>>)
      %dma_wait3A = arith.constant 0 : i32
      %dma_wait3A_70 = arith.constant 0 : i32
      %dma_wait3A_71 = tpu.memref_slice %arg5[%dma_wait3A, %dma_wait3A_70] : memref<128x128xf32, #tpu.memory_space<vmem>> -> memref<128x128xf32, #tpu.memory_space<vmem>>
      %dma_wait3A_72 = arith.constant 0 : i32
      %dma_wait3A_73 = tpu.memref_slice %arg6[%add3A_56, %dma_wait3A_72] : memref<10112x128xf32, #tpu.memory_space<vmem_shared>> -> memref<128x128xf32, #tpu.memory_space<vmem_shared>>
      %dma_wait3A_74 = arith.constant 0 : i32
      %dma_wait3A_75 = arith.constant 0 : i32
      %dma_wait3A_76 = tpu.memref_slice %arg5[%dma_wait3A_74, %dma_wait3A_75] : memref<128x128xf32, #tpu.memory_space<vmem>> -> memref<128x128xf32, #tpu.memory_space<vmem>>
      %dma_wait3A_77 = arith.constant 0 : i32
      %dma_wait3A_78 = tpu.memref_slice %arg6[%add3A_56, %dma_wait3A_77] : memref<10112x128xf32, #tpu.memory_space<vmem_shared>> -> memref<128x128xf32, #tpu.memory_space<vmem_shared>>
      tpu.wait_dma2 semaphore(%run_scoped3A : memref<!tpu.dma_semaphore, #tpu.memory_space<semaphore_mem>>) src(%dma_wait3A_78 : memref<128x128xf32, #tpu.memory_space<vmem_shared>>) dst(%dma_wait3A_76 : memref<128x128xf32, #tpu.memory_space<vmem>>)
      tpu.yield
    }) : () -> ()
    "tpu.region"() ({
      %run_scoped3A = tpu.sem_alloc : memref<!tpu.dma_semaphore, #tpu.memory_space<semaphore_mem>>
      %dma_start3A = arith.constant 0 : i32
      %dma_start3A_61 = arith.constant 0 : i32
      %dma_start3A_62 = tpu.memref_slice %arg5[%dma_start3A, %dma_start3A_61] : memref<128x128xf32, #tpu.memory_space<vmem>> -> memref<128x128xf32, #tpu.memory_space<vmem>>
      %dma_start3A_63 = arith.constant 0 : i32
      %dma_start3A_64 = tpu.memref_slice %arg3[%arg0, %add3A_56, %dma_start3A_63] : memref<2x10112x128xf32, #tpu.memory_space<hbm>> -> memref<1x128x128xf32, #tpu.memory_space<hbm>>
      %dma_start3A_65 = tpu.memref_squeeze %dma_start3A_64 : memref<1x128x128xf32, #tpu.memory_space<hbm>> -> memref<128x128xf32, #tpu.memory_space<hbm>>
      %dma_start3A_66 = arith.constant 0 : i32
      %dma_start3A_67 = tpu.memref_slice %arg3[%arg0, %add3A_56, %dma_start3A_66] : memref<2x10112x128xf32, #tpu.memory_space<hbm>> -> memref<1x128x128xf32, #tpu.memory_space<hbm>>
      %dma_start3A_68 = tpu.memref_squeeze %dma_start3A_67 : memref<1x128x128xf32, #tpu.memory_space<hbm>> -> memref<128x128xf32, #tpu.memory_space<hbm>>
      %dma_start3A_69 = arith.constant 0 : i32
      %dma_start3A_70 = arith.constant 0 : i32
      %dma_start3A_71 = tpu.memref_slice %arg5[%dma_start3A_69, %dma_start3A_70] : memref<128x128xf32, #tpu.memory_space<vmem>> -> memref<128x128xf32, #tpu.memory_space<vmem>>
      tpu.enqueue_dma source(%dma_start3A_71 : memref<128x128xf32, #tpu.memory_space<vmem>>) target(%dma_start3A_68 : memref<128x128xf32, #tpu.memory_space<hbm>>) target_semaphore(%run_scoped3A : memref<!tpu.dma_semaphore, #tpu.memory_space<semaphore_mem>>)
      %dma_wait3A = arith.constant 0 : i32
      %dma_wait3A_72 = arith.constant 0 : i32
      %dma_wait3A_73 = tpu.memref_slice %arg5[%dma_wait3A, %dma_wait3A_72] : memref<128x128xf32, #tpu.memory_space<vmem>> -> memref<128x128xf32, #tpu.memory_space<vmem>>
      %dma_wait3A_74 = arith.constant 0 : i32
      %dma_wait3A_75 = tpu.memref_slice %arg3[%arg0, %add3A_56, %dma_wait3A_74] : memref<2x10112x128xf32, #tpu.memory_space<hbm>> -> memref<1x128x128xf32, #tpu.memory_space<hbm>>
      %dma_wait3A_76 = tpu.memref_squeeze %dma_wait3A_75 : memref<1x128x128xf32, #tpu.memory_space<hbm>> -> memref<128x128xf32, #tpu.memory_space<hbm>>
      %dma_wait3A_77 = arith.constant 0 : i32
      %dma_wait3A_78 = tpu.memref_slice %arg3[%arg0, %add3A_56, %dma_wait3A_77] : memref<2x10112x128xf32, #tpu.memory_space<hbm>> -> memref<1x128x128xf32, #tpu.memory_space<hbm>>
      %dma_wait3A_79 = tpu.memref_squeeze %dma_wait3A_78 : memref<1x128x128xf32, #tpu.memory_space<hbm>> -> memref<128x128xf32, #tpu.memory_space<hbm>>
      %dma_wait3A_80 = arith.constant 0 : i32
      %dma_wait3A_81 = arith.constant 0 : i32
      %dma_wait3A_82 = tpu.memref_slice %arg5[%dma_wait3A_80, %dma_wait3A_81] : memref<128x128xf32, #tpu.memory_space<vmem>> -> memref<128x128xf32, #tpu.memory_space<vmem>>
      tpu.wait_dma2 semaphore(%run_scoped3A : memref<!tpu.dma_semaphore, #tpu.memory_space<semaphore_mem>>) src(%dma_wait3A_82 : memref<128x128xf32, #tpu.memory_space<vmem>>) dst(%dma_wait3A_79 : memref<128x128xf32, #tpu.memory_space<hbm>>)
      tpu.yield
    }) : () -> ()
    %add3A_57 = arith.constant 512 : i32
    %add3A_58 = arith.addi %mul3A_9, %add3A_57 : i32
    %add3A_59 = arith.constant 0 : i32
    %add3A_60 = arith.addi %add3A_58, %add3A_59 : i32
    "tpu.region"() ({
      %run_scoped3A = tpu.sem_alloc : memref<!tpu.dma_semaphore, #tpu.memory_space<semaphore_mem>>
      %dma_start3A = arith.constant 0 : i32
      %dma_start3A_61 = arith.constant 0 : i32
      %dma_start3A_62 = tpu.memref_slice %arg5[%dma_start3A, %dma_start3A_61] : memref<128x128xf32, #tpu.memory_space<vmem>> -> memref<120x128xf32, #tpu.memory_space<vmem>>
      %dma_start3A_63 = arith.constant 0 : i32
      %dma_start3A_64 = tpu.memref_slice %arg6[%add3A_60, %dma_start3A_63] : memref<10112x128xf32, #tpu.memory_space<vmem_shared>> -> memref<120x128xf32, #tpu.memory_space<vmem_shared>>
      %dma_start3A_65 = arith.constant 0 : i32
      %dma_start3A_66 = arith.constant 0 : i32
      %dma_start3A_67 = tpu.memref_slice %arg5[%dma_start3A_65, %dma_start3A_66] : memref<128x128xf32, #tpu.memory_space<vmem>> -> memref<120x128xf32, #tpu.memory_space<vmem>>
      %dma_start3A_68 = arith.constant 0 : i32
      %dma_start3A_69 = tpu.memref_slice %arg6[%add3A_60, %dma_start3A_68] : memref<10112x128xf32, #tpu.memory_space<vmem_shared>> -> memref<120x128xf32, #tpu.memory_space<vmem_shared>>
      tpu.enqueue_dma source(%dma_start3A_69 : memref<120x128xf32, #tpu.memory_space<vmem_shared>>) target(%dma_start3A_67 : memref<120x128xf32, #tpu.memory_space<vmem>>) target_semaphore(%run_scoped3A : memref<!tpu.dma_semaphore, #tpu.memory_space<semaphore_mem>>)
      %dma_wait3A = arith.constant 0 : i32
      %dma_wait3A_70 = arith.constant 0 : i32
      %dma_wait3A_71 = tpu.memref_slice %arg5[%dma_wait3A, %dma_wait3A_70] : memref<128x128xf32, #tpu.memory_space<vmem>> -> memref<120x128xf32, #tpu.memory_space<vmem>>
      %dma_wait3A_72 = arith.constant 0 : i32
      %dma_wait3A_73 = tpu.memref_slice %arg6[%add3A_60, %dma_wait3A_72] : memref<10112x128xf32, #tpu.memory_space<vmem_shared>> -> memref<120x128xf32, #tpu.memory_space<vmem_shared>>
      %dma_wait3A_74 = arith.constant 0 : i32
      %dma_wait3A_75 = arith.constant 0 : i32
      %dma_wait3A_76 = tpu.memref_slice %arg5[%dma_wait3A_74, %dma_wait3A_75] : memref<128x128xf32, #tpu.memory_space<vmem>> -> memref<120x128xf32, #tpu.memory_space<vmem>>
      %dma_wait3A_77 = arith.constant 0 : i32
      %dma_wait3A_78 = tpu.memref_slice %arg6[%add3A_60, %dma_wait3A_77] : memref<10112x128xf32, #tpu.memory_space<vmem_shared>> -> memref<120x128xf32, #tpu.memory_space<vmem_shared>>
      tpu.wait_dma2 semaphore(%run_scoped3A : memref<!tpu.dma_semaphore, #tpu.memory_space<semaphore_mem>>) src(%dma_wait3A_78 : memref<120x128xf32, #tpu.memory_space<vmem_shared>>) dst(%dma_wait3A_76 : memref<120x128xf32, #tpu.memory_space<vmem>>)
      tpu.yield
    }) : () -> ()
    "tpu.region"() ({
      %run_scoped3A = tpu.sem_alloc : memref<!tpu.dma_semaphore, #tpu.memory_space<semaphore_mem>>
      %dma_start3A = arith.constant 0 : i32
      %dma_start3A_61 = arith.constant 0 : i32
      %dma_start3A_62 = tpu.memref_slice %arg5[%dma_start3A, %dma_start3A_61] : memref<128x128xf32, #tpu.memory_space<vmem>> -> memref<120x128xf32, #tpu.memory_space<vmem>>
      %dma_start3A_63 = arith.constant 0 : i32
      %dma_start3A_64 = tpu.memref_slice %arg3[%arg0, %add3A_60, %dma_start3A_63] : memref<2x10112x128xf32, #tpu.memory_space<hbm>> -> memref<1x120x128xf32, #tpu.memory_space<hbm>>
      %dma_start3A_65 = tpu.memref_squeeze %dma_start3A_64 : memref<1x120x128xf32, #tpu.memory_space<hbm>> -> memref<120x128xf32, #tpu.memory_space<hbm>>
      %dma_start3A_66 = arith.constant 0 : i32
      %dma_start3A_67 = tpu.memref_slice %arg3[%arg0, %add3A_60, %dma_start3A_66] : memref<2x10112x128xf32, #tpu.memory_space<hbm>> -> memref<1x120x128xf32, #tpu.memory_space<hbm>>
      %dma_start3A_68 = tpu.memref_squeeze %dma_start3A_67 : memref<1x120x128xf32, #tpu.memory_space<hbm>> -> memref<120x128xf32, #tpu.memory_space<hbm>>
      %dma_start3A_69 = arith.constant 0 : i32
      %dma_start3A_70 = arith.constant 0 : i32
      %dma_start3A_71 = tpu.memref_slice %arg5[%dma_start3A_69, %dma_start3A_70] : memref<128x128xf32, #tpu.memory_space<vmem>> -> memref<120x128xf32, #tpu.memory_space<vmem>>
      tpu.enqueue_dma source(%dma_start3A_71 : memref<120x128xf32, #tpu.memory_space<vmem>>) target(%dma_start3A_68 : memref<120x128xf32, #tpu.memory_space<hbm>>) target_semaphore(%run_scoped3A : memref<!tpu.dma_semaphore, #tpu.memory_space<semaphore_mem>>)
      %dma_wait3A = arith.constant 0 : i32
      %dma_wait3A_72 = arith.constant 0 : i32
      %dma_wait3A_73 = tpu.memref_slice %arg5[%dma_wait3A, %dma_wait3A_72] : memref<128x128xf32, #tpu.memory_space<vmem>> -> memref<120x128xf32, #tpu.memory_space<vmem>>
      %dma_wait3A_74 = arith.constant 0 : i32
      %dma_wait3A_75 = tpu.memref_slice %arg3[%arg0, %add3A_60, %dma_wait3A_74] : memref<2x10112x128xf32, #tpu.memory_space<hbm>> -> memref<1x120x128xf32, #tpu.memory_space<hbm>>
      %dma_wait3A_76 = tpu.memref_squeeze %dma_wait3A_75 : memref<1x120x128xf32, #tpu.memory_space<hbm>> -> memref<120x128xf32, #tpu.memory_space<hbm>>
      %dma_wait3A_77 = arith.constant 0 : i32
      %dma_wait3A_78 = tpu.memref_slice %arg3[%arg0, %add3A_60, %dma_wait3A_77] : memref<2x10112x128xf32, #tpu.memory_space<hbm>> -> memref<1x120x128xf32, #tpu.memory_space<hbm>>
      %dma_wait3A_79 = tpu.memref_squeeze %dma_wait3A_78 : memref<1x120x128xf32, #tpu.memory_space<hbm>> -> memref<120x128xf32, #tpu.memory_space<hbm>>
      %dma_wait3A_80 = arith.constant 0 : i32
      %dma_wait3A_81 = arith.constant 0 : i32
      %dma_wait3A_82 = tpu.memref_slice %arg5[%dma_wait3A_80, %dma_wait3A_81] : memref<128x128xf32, #tpu.memory_space<vmem>> -> memref<120x128xf32, #tpu.memory_space<vmem>>
      tpu.wait_dma2 semaphore(%run_scoped3A : memref<!tpu.dma_semaphore, #tpu.memory_space<semaphore_mem>>) src(%dma_wait3A_82 : memref<120x128xf32, #tpu.memory_space<vmem>>) dst(%dma_wait3A_79 : memref<120x128xf32, #tpu.memory_space<hbm>>)
      tpu.yield
    }) : () -> ()
    return
  }
}

#map = affine_map<(d0, d1) -> (0, 0)>
#map1 = affine_map<(d0, d1) -> (0)>
#map2 = affine_map<(d0, d1) -> (0, 0, 0)>
module attributes {stable_mosaic.version = 14 : i64} {
  func.func @_sc_body(%arg0: i32, %arg1: i32, %arg2: memref<10112x128xf32, #tpu.memory_space<hbm>>, %arg3: memref<327680xi32, #tpu.memory_space<hbm>>, %arg4: memref<327680xi32, #tpu.memory_space<hbm>>, %arg5: memref<2x10112x128xf32, #tpu.memory_space<hbm>>, %arg6: memref<256xi32, #tpu.memory_space<vmem>>, %arg7: memref<2x128xi32, #tpu.memory_space<vmem>>, %arg8: memref<256x128xf32, #tpu.memory_space<vmem>>, %arg9: memref<10112x128xf32, #tpu.memory_space<vmem_shared>>, %arg10: memref<!tpu.dma_semaphore, #tpu.memory_space<semaphore_mem>>) attributes {dimension_semantics = [#tpu.dimension_semantics<core_parallel>, #tpu.dimension_semantics<subcore_parallel>], iteration_bounds = array<i64: 2, 16>, scalar_prefetch = 0 : i64, scratch_operands = 5 : i64, tpu.core_type = #tpu.core_type<sc_vector_subcore>, window_params = [{transform_indices = #map}, {transform_indices = #map1}, {transform_indices = #map1}, {transform_indices = #map2}]} {
    %mul3A = arith.constant 16 : i32
    %mul3A_0 = arith.muli %arg0, %mul3A : i32
    %add3A = arith.addi %mul3A_0, %arg1 : i32
    %broadcast_in_dim3A = arith.constant 0.000000e+00 : f32
    %broadcast_in_dim3A_1 = vector.broadcast %broadcast_in_dim3A : f32 to vector<16xf32>
    %scan3A = arith.constant 0 : i32
    %scan3A_2 = arith.constant 256 : i32
    %scan3A_3 = arith.addi %scan3A, %scan3A_2 : i32
    %scan3A_4 = arith.constant 1 : i32
    scf.for %scan3A_26 = %scan3A to %scan3A_3 step %scan3A_4  : i32 {
      %swap3A = arith.index_cast %scan3A_26 : i32 to index
      %swap3A_27 = arith.constant 0 : index
      %swap3A_28 = tpu.vector_load %arg8[%swap3A, %swap3A_27] {strides = array<i32>} : memref<256x128xf32, #tpu.memory_space<vmem>>, vector<1x16xf32>,
      %swap3A_29 = vector.shape_cast %swap3A_28 : vector<1x16xf32> to vector<16xf32>
      %swap3A_30 = vector.shape_cast %broadcast_in_dim3A_1 : vector<16xf32> to vector<1x16xf32>
      tpu.vector_store %arg8[%swap3A, %swap3A_27], %swap3A_30 {strides = array<i32>} : memref<256x128xf32, #tpu.memory_space<vmem>>, vector<1x16xf32>,
      %swap3A_31 = arith.index_cast %scan3A_26 : i32 to index
      %swap3A_32 = arith.constant 16 : index
      %swap3A_33 = tpu.vector_load %arg8[%swap3A_31, %swap3A_32] {strides = array<i32>} : memref<256x128xf32, #tpu.memory_space<vmem>>, vector<1x16xf32>,
      %swap3A_34 = vector.shape_cast %swap3A_33 : vector<1x16xf32> to vector<16xf32>
      %swap3A_35 = vector.shape_cast %broadcast_in_dim3A_1 : vector<16xf32> to vector<1x16xf32>
      tpu.vector_store %arg8[%swap3A_31, %swap3A_32], %swap3A_35 {strides = array<i32>} : memref<256x128xf32, #tpu.memory_space<vmem>>, vector<1x16xf32>,
      %swap3A_36 = arith.index_cast %scan3A_26 : i32 to index
      %swap3A_37 = arith.constant 32 : index
      %swap3A_38 = tpu.vector_load %arg8[%swap3A_36, %swap3A_37] {strides = array<i32>} : memref<256x128xf32, #tpu.memory_space<vmem>>, vector<1x16xf32>,
      %swap3A_39 = vector.shape_cast %swap3A_38 : vector<1x16xf32> to vector<16xf32>
      %swap3A_40 = vector.shape_cast %broadcast_in_dim3A_1 : vector<16xf32> to vector<1x16xf32>
      tpu.vector_store %arg8[%swap3A_36, %swap3A_37], %swap3A_40 {strides = array<i32>} : memref<256x128xf32, #tpu.memory_space<vmem>>, vector<1x16xf32>,
      %swap3A_41 = arith.index_cast %scan3A_26 : i32 to index
      %swap3A_42 = arith.constant 48 : index
      %swap3A_43 = tpu.vector_load %arg8[%swap3A_41, %swap3A_42] {strides = array<i32>} : memref<256x128xf32, #tpu.memory_space<vmem>>, vector<1x16xf32>,
      %swap3A_44 = vector.shape_cast %swap3A_43 : vector<1x16xf32> to vector<16xf32>
      %swap3A_45 = vector.shape_cast %broadcast_in_dim3A_1 : vector<16xf32> to vector<1x16xf32>
      tpu.vector_store %arg8[%swap3A_41, %swap3A_42], %swap3A_45 {strides = array<i32>} : memref<256x128xf32, #tpu.memory_space<vmem>>, vector<1x16xf32>,
      %swap3A_46 = arith.index_cast %scan3A_26 : i32 to index
      %swap3A_47 = arith.constant 64 : index
      %swap3A_48 = tpu.vector_load %arg8[%swap3A_46, %swap3A_47] {strides = array<i32>} : memref<256x128xf32, #tpu.memory_space<vmem>>, vector<1x16xf32>,
      %swap3A_49 = vector.shape_cast %swap3A_48 : vector<1x16xf32> to vector<16xf32>
      %swap3A_50 = vector.shape_cast %broadcast_in_dim3A_1 : vector<16xf32> to vector<1x16xf32>
      tpu.vector_store %arg8[%swap3A_46, %swap3A_47], %swap3A_50 {strides = array<i32>} : memref<256x128xf32, #tpu.memory_space<vmem>>, vector<1x16xf32>,
      %swap3A_51 = arith.index_cast %scan3A_26 : i32 to index
      %swap3A_52 = arith.constant 80 : index
      %swap3A_53 = tpu.vector_load %arg8[%swap3A_51, %swap3A_52] {strides = array<i32>} : memref<256x128xf32, #tpu.memory_space<vmem>>, vector<1x16xf32>,
      %swap3A_54 = vector.shape_cast %swap3A_53 : vector<1x16xf32> to vector<16xf32>
      %swap3A_55 = vector.shape_cast %broadcast_in_dim3A_1 : vector<16xf32> to vector<1x16xf32>
      tpu.vector_store %arg8[%swap3A_51, %swap3A_52], %swap3A_55 {strides = array<i32>} : memref<256x128xf32, #tpu.memory_space<vmem>>, vector<1x16xf32>,
      %swap3A_56 = arith.index_cast %scan3A_26 : i32 to index
      %swap3A_57 = arith.constant 96 : index
      %swap3A_58 = tpu.vector_load %arg8[%swap3A_56, %swap3A_57] {strides = array<i32>} : memref<256x128xf32, #tpu.memory_space<vmem>>, vector<1x16xf32>,
      %swap3A_59 = vector.shape_cast %swap3A_58 : vector<1x16xf32> to vector<16xf32>
      %swap3A_60 = vector.shape_cast %broadcast_in_dim3A_1 : vector<16xf32> to vector<1x16xf32>
      tpu.vector_store %arg8[%swap3A_56, %swap3A_57], %swap3A_60 {strides = array<i32>} : memref<256x128xf32, #tpu.memory_space<vmem>>, vector<1x16xf32>,
      %swap3A_61 = arith.index_cast %scan3A_26 : i32 to index
      %swap3A_62 = arith.constant 112 : index
      %swap3A_63 = tpu.vector_load %arg8[%swap3A_61, %swap3A_62] {strides = array<i32>} : memref<256x128xf32, #tpu.memory_space<vmem>>, vector<1x16xf32>,
      %swap3A_64 = vector.shape_cast %swap3A_63 : vector<1x16xf32> to vector<16xf32>
      %swap3A_65 = vector.shape_cast %broadcast_in_dim3A_1 : vector<16xf32> to vector<1x16xf32>
      tpu.vector_store %arg8[%swap3A_61, %swap3A_62], %swap3A_65 {strides = array<i32>} : memref<256x128xf32, #tpu.memory_space<vmem>>, vector<1x16xf32>,
    }
    %scan3A_5 = arith.constant 256 : i32
    %mul3A_6 = arith.constant 632 : i32
    %mul3A_7 = arith.muli %arg1, %mul3A_6 : i32
    %add3A_8 = arith.constant 0 : i32
    %add3A_9 = arith.addi %mul3A_7, %add3A_8 : i32
    "tpu.region"() ({
      %run_scoped3A = tpu.sem_alloc : memref<!tpu.dma_semaphore, #tpu.memory_space<semaphore_mem>>
      %dma_start3A = arith.constant 0 : i32
      %dma_start3A_26 = arith.constant 0 : i32
      %dma_start3A_27 = tpu.memref_slice %arg8[%dma_start3A, %dma_start3A_26] : memref<256x128xf32, #tpu.memory_space<vmem>> -> memref<256x128xf32, #tpu.memory_space<vmem>>
      %dma_start3A_28 = arith.constant 0 : i32
      %dma_start3A_29 = tpu.memref_slice %arg9[%add3A_9, %dma_start3A_28] : memref<10112x128xf32, #tpu.memory_space<vmem_shared>> -> memref<256x128xf32, #tpu.memory_space<vmem_shared>>
      %dma_start3A_30 = arith.constant 0 : i32
      %dma_start3A_31 = tpu.memref_slice %arg9[%add3A_9, %dma_start3A_30] : memref<10112x128xf32, #tpu.memory_space<vmem_shared>> -> memref<256x128xf32, #tpu.memory_space<vmem_shared>>
      %dma_start3A_32 = arith.constant 0 : i32
      %dma_start3A_33 = arith.constant 0 : i32
      %dma_start3A_34 = tpu.memref_slice %arg8[%dma_start3A_32, %dma_start3A_33] : memref<256x128xf32, #tpu.memory_space<vmem>> -> memref<256x128xf32, #tpu.memory_space<vmem>>
      tpu.enqueue_dma source(%dma_start3A_34 : memref<256x128xf32, #tpu.memory_space<vmem>>) target(%dma_start3A_31 : memref<256x128xf32, #tpu.memory_space<vmem_shared>>) target_semaphore(%run_scoped3A : memref<!tpu.dma_semaphore, #tpu.memory_space<semaphore_mem>>)
      %dma_wait3A = arith.constant 0 : i32
      %dma_wait3A_35 = arith.constant 0 : i32
      %dma_wait3A_36 = tpu.memref_slice %arg8[%dma_wait3A, %dma_wait3A_35] : memref<256x128xf32, #tpu.memory_space<vmem>> -> memref<256x128xf32, #tpu.memory_space<vmem>>
      %dma_wait3A_37 = arith.constant 0 : i32
      %dma_wait3A_38 = tpu.memref_slice %arg9[%add3A_9, %dma_wait3A_37] : memref<10112x128xf32, #tpu.memory_space<vmem_shared>> -> memref<256x128xf32, #tpu.memory_space<vmem_shared>>
      %dma_wait3A_39 = arith.constant 0 : i32
      %dma_wait3A_40 = tpu.memref_slice %arg9[%add3A_9, %dma_wait3A_39] : memref<10112x128xf32, #tpu.memory_space<vmem_shared>> -> memref<256x128xf32, #tpu.memory_space<vmem_shared>>
      %dma_wait3A_41 = arith.constant 0 : i32
      %dma_wait3A_42 = arith.constant 0 : i32
      %dma_wait3A_43 = tpu.memref_slice %arg8[%dma_wait3A_41, %dma_wait3A_42] : memref<256x128xf32, #tpu.memory_space<vmem>> -> memref<256x128xf32, #tpu.memory_space<vmem>>
      tpu.wait_dma2 semaphore(%run_scoped3A : memref<!tpu.dma_semaphore, #tpu.memory_space<semaphore_mem>>) src(%dma_wait3A_43 : memref<256x128xf32, #tpu.memory_space<vmem>>) dst(%dma_wait3A_40 : memref<256x128xf32, #tpu.memory_space<vmem_shared>>)
      tpu.yield
    }) : () -> ()
    %add3A_10 = arith.constant 256 : i32
    %add3A_11 = arith.addi %mul3A_7, %add3A_10 : i32
    "tpu.region"() ({
      %run_scoped3A = tpu.sem_alloc : memref<!tpu.dma_semaphore, #tpu.memory_space<semaphore_mem>>
      %dma_start3A = arith.constant 0 : i32
      %dma_start3A_26 = arith.constant 0 : i32
      %dma_start3A_27 = tpu.memref_slice %arg8[%dma_start3A, %dma_start3A_26] : memref<256x128xf32, #tpu.memory_space<vmem>> -> memref<256x128xf32, #tpu.memory_space<vmem>>
      %dma_start3A_28 = arith.constant 0 : i32
      %dma_start3A_29 = tpu.memref_slice %arg9[%add3A_11, %dma_start3A_28] : memref<10112x128xf32, #tpu.memory_space<vmem_shared>> -> memref<256x128xf32, #tpu.memory_space<vmem_shared>>
      %dma_start3A_30 = arith.constant 0 : i32
      %dma_start3A_31 = tpu.memref_slice %arg9[%add3A_11, %dma_start3A_30] : memref<10112x128xf32, #tpu.memory_space<vmem_shared>> -> memref<256x128xf32, #tpu.memory_space<vmem_shared>>
      %dma_start3A_32 = arith.constant 0 : i32
      %dma_start3A_33 = arith.constant 0 : i32
      %dma_start3A_34 = tpu.memref_slice %arg8[%dma_start3A_32, %dma_start3A_33] : memref<256x128xf32, #tpu.memory_space<vmem>> -> memref<256x128xf32, #tpu.memory_space<vmem>>
      tpu.enqueue_dma source(%dma_start3A_34 : memref<256x128xf32, #tpu.memory_space<vmem>>) target(%dma_start3A_31 : memref<256x128xf32, #tpu.memory_space<vmem_shared>>) target_semaphore(%run_scoped3A : memref<!tpu.dma_semaphore, #tpu.memory_space<semaphore_mem>>)
      %dma_wait3A = arith.constant 0 : i32
      %dma_wait3A_35 = arith.constant 0 : i32
      %dma_wait3A_36 = tpu.memref_slice %arg8[%dma_wait3A, %dma_wait3A_35] : memref<256x128xf32, #tpu.memory_space<vmem>> -> memref<256x128xf32, #tpu.memory_space<vmem>>
      %dma_wait3A_37 = arith.constant 0 : i32
      %dma_wait3A_38 = tpu.memref_slice %arg9[%add3A_11, %dma_wait3A_37] : memref<10112x128xf32, #tpu.memory_space<vmem_shared>> -> memref<256x128xf32, #tpu.memory_space<vmem_shared>>
      %dma_wait3A_39 = arith.constant 0 : i32
      %dma_wait3A_40 = tpu.memref_slice %arg9[%add3A_11, %dma_wait3A_39] : memref<10112x128xf32, #tpu.memory_space<vmem_shared>> -> memref<256x128xf32, #tpu.memory_space<vmem_shared>>
      %dma_wait3A_41 = arith.constant 0 : i32
      %dma_wait3A_42 = arith.constant 0 : i32
      %dma_wait3A_43 = tpu.memref_slice %arg8[%dma_wait3A_41, %dma_wait3A_42] : memref<256x128xf32, #tpu.memory_space<vmem>> -> memref<256x128xf32, #tpu.memory_space<vmem>>
      tpu.wait_dma2 semaphore(%run_scoped3A : memref<!tpu.dma_semaphore, #tpu.memory_space<semaphore_mem>>) src(%dma_wait3A_43 : memref<256x128xf32, #tpu.memory_space<vmem>>) dst(%dma_wait3A_40 : memref<256x128xf32, #tpu.memory_space<vmem_shared>>)
      tpu.yield
    }) : () -> ()
    %add3A_12 = arith.constant 512 : i32
    %add3A_13 = arith.addi %mul3A_7, %add3A_12 : i32
    "tpu.region"() ({
      %run_scoped3A = tpu.sem_alloc : memref<!tpu.dma_semaphore, #tpu.memory_space<semaphore_mem>>
      %dma_start3A = arith.constant 0 : i32
      %dma_start3A_26 = arith.constant 0 : i32
      %dma_start3A_27 = tpu.memref_slice %arg8[%dma_start3A, %dma_start3A_26] : memref<256x128xf32, #tpu.memory_space<vmem>> -> memref<120x128xf32, #tpu.memory_space<vmem>>
      %dma_start3A_28 = arith.constant 0 : i32
      %dma_start3A_29 = tpu.memref_slice %arg9[%add3A_13, %dma_start3A_28] : memref<10112x128xf32, #tpu.memory_space<vmem_shared>> -> memref<120x128xf32, #tpu.memory_space<vmem_shared>>
      %dma_start3A_30 = arith.constant 0 : i32
      %dma_start3A_31 = tpu.memref_slice %arg9[%add3A_13, %dma_start3A_30] : memref<10112x128xf32, #tpu.memory_space<vmem_shared>> -> memref<120x128xf32, #tpu.memory_space<vmem_shared>>
      %dma_start3A_32 = arith.constant 0 : i32
      %dma_start3A_33 = arith.constant 0 : i32
      %dma_start3A_34 = tpu.memref_slice %arg8[%dma_start3A_32, %dma_start3A_33] : memref<256x128xf32, #tpu.memory_space<vmem>> -> memref<120x128xf32, #tpu.memory_space<vmem>>
      tpu.enqueue_dma source(%dma_start3A_34 : memref<120x128xf32, #tpu.memory_space<vmem>>) target(%dma_start3A_31 : memref<120x128xf32, #tpu.memory_space<vmem_shared>>) target_semaphore(%run_scoped3A : memref<!tpu.dma_semaphore, #tpu.memory_space<semaphore_mem>>)
      %dma_wait3A = arith.constant 0 : i32
      %dma_wait3A_35 = arith.constant 0 : i32
      %dma_wait3A_36 = tpu.memref_slice %arg8[%dma_wait3A, %dma_wait3A_35] : memref<256x128xf32, #tpu.memory_space<vmem>> -> memref<120x128xf32, #tpu.memory_space<vmem>>
      %dma_wait3A_37 = arith.constant 0 : i32
      %dma_wait3A_38 = tpu.memref_slice %arg9[%add3A_13, %dma_wait3A_37] : memref<10112x128xf32, #tpu.memory_space<vmem_shared>> -> memref<120x128xf32, #tpu.memory_space<vmem_shared>>
      %dma_wait3A_39 = arith.constant 0 : i32
      %dma_wait3A_40 = tpu.memref_slice %arg9[%add3A_13, %dma_wait3A_39] : memref<10112x128xf32, #tpu.memory_space<vmem_shared>> -> memref<120x128xf32, #tpu.memory_space<vmem_shared>>
      %dma_wait3A_41 = arith.constant 0 : i32
      %dma_wait3A_42 = arith.constant 0 : i32
      %dma_wait3A_43 = tpu.memref_slice %arg8[%dma_wait3A_41, %dma_wait3A_42] : memref<256x128xf32, #tpu.memory_space<vmem>> -> memref<120x128xf32, #tpu.memory_space<vmem>>
      tpu.wait_dma2 semaphore(%run_scoped3A : memref<!tpu.dma_semaphore, #tpu.memory_space<semaphore_mem>>) src(%dma_wait3A_43 : memref<120x128xf32, #tpu.memory_space<vmem>>) dst(%dma_wait3A_40 : memref<120x128xf32, #tpu.memory_space<vmem_shared>>)
      tpu.yield
    }) : () -> ()
    %barrier3A = arith.constant 0 : index
    tpu.barrier barrier_id(%barrier3A)
    %scan3A_14 = arith.constant 0 : i32
    %scan3A_15 = arith.constant 40 : i32
    %scan3A_16 = arith.addi %scan3A_14, %scan3A_15 : i32
    %scan3A_17 = arith.constant 1 : i32
    scf.for %scan3A_26 = %scan3A_14 to %scan3A_16 step %scan3A_17  : i32 {
      %mul3A_27 = arith.constant 10240 : i32
      %mul3A_28 = arith.muli %add3A, %mul3A_27 : i32
      %mul3A_29 = arith.constant 256 : i32
      %mul3A_30 = arith.muli %scan3A_26, %mul3A_29 : i32
      %add3A_31 = arith.addi %mul3A_28, %mul3A_30 : i32
      %multiple_of3A = tpu.assume_multiple %add3A_31, 8 : i32
      "tpu.region"() ({
        %run_scoped3A_43 = tpu.sem_alloc : memref<!tpu.dma_semaphore, #tpu.memory_space<semaphore_mem>>
        %dma_start3A_44 = tpu.memref_slice %arg3[%multiple_of3A] : memref<327680xi32, #tpu.memory_space<hbm>> -> memref<256xi32, #tpu.memory_space<hbm>>
        %dma_start3A_45 = tpu.memref_slice %arg3[%multiple_of3A] : memref<327680xi32, #tpu.memory_space<hbm>> -> memref<256xi32, #tpu.memory_space<hbm>>
        tpu.enqueue_dma source(%dma_start3A_45 : memref<256xi32, #tpu.memory_space<hbm>>) target(%arg6 : memref<256xi32, #tpu.memory_space<vmem>>) target_semaphore(%run_scoped3A_43 : memref<!tpu.dma_semaphore, #tpu.memory_space<semaphore_mem>>)
        %dma_wait3A_46 = tpu.memref_slice %arg3[%multiple_of3A] : memref<327680xi32, #tpu.memory_space<hbm>> -> memref<256xi32, #tpu.memory_space<hbm>>
        %dma_wait3A_47 = tpu.memref_slice %arg3[%multiple_of3A] : memref<327680xi32, #tpu.memory_space<hbm>> -> memref<256xi32, #tpu.memory_space<hbm>>
        tpu.wait_dma2 semaphore(%run_scoped3A_43 : memref<!tpu.dma_semaphore, #tpu.memory_space<semaphore_mem>>) src(%dma_wait3A_47 : memref<256xi32, #tpu.memory_space<hbm>>) dst(%arg6 : memref<256xi32, #tpu.memory_space<vmem>>)
        tpu.yield
      }) : () -> ()
      %add3A_32 = arith.constant 0 : i32
      %add3A_33 = arith.addi %multiple_of3A, %add3A_32 : i32
      %run_scoped3A = arith.constant 0 : i32
      "tpu.region"() ({
        %run_scoped3A_43 = tpu.sem_alloc : memref<!tpu.dma_semaphore, #tpu.memory_space<semaphore_mem>>
        %dma_start3A_44 = arith.constant 0 : i32
        %dma_start3A_45 = tpu.memref_slice %arg7[%run_scoped3A, %dma_start3A_44] : memref<2x128xi32, #tpu.memory_space<vmem>> -> memref<1x128xi32, #tpu.memory_space<vmem>>
        %dma_start3A_46 = tpu.memref_squeeze %dma_start3A_45 : memref<1x128xi32, #tpu.memory_space<vmem>> -> memref<128xi32, #tpu.memory_space<vmem>>
        %dma_start3A_47 = tpu.memref_slice %arg4[%add3A_33] : memref<327680xi32, #tpu.memory_space<hbm>> -> memref<128xi32, #tpu.memory_space<hbm>>
        %dma_start3A_48 = arith.constant 0 : i32
        %dma_start3A_49 = tpu.memref_slice %arg7[%run_scoped3A, %dma_start3A_48] : memref<2x128xi32, #tpu.memory_space<vmem>> -> memref<1x128xi32, #tpu.memory_space<vmem>>
        %dma_start3A_50 = tpu.memref_squeeze %dma_start3A_49 : memref<1x128xi32, #tpu.memory_space<vmem>> -> memref<128xi32, #tpu.memory_space<vmem>>
        %dma_start3A_51 = tpu.memref_slice %arg4[%add3A_33] : memref<327680xi32, #tpu.memory_space<hbm>> -> memref<128xi32, #tpu.memory_space<hbm>>
        tpu.enqueue_dma source(%dma_start3A_51 : memref<128xi32, #tpu.memory_space<hbm>>) target(%dma_start3A_50 : memref<128xi32, #tpu.memory_space<vmem>>) target_semaphore(%run_scoped3A_43 : memref<!tpu.dma_semaphore, #tpu.memory_space<semaphore_mem>>)
        %dma_wait3A_52 = arith.constant 0 : i32
        %dma_wait3A_53 = tpu.memref_slice %arg7[%run_scoped3A, %dma_wait3A_52] : memref<2x128xi32, #tpu.memory_space<vmem>> -> memref<1x128xi32, #tpu.memory_space<vmem>>
        %dma_wait3A_54 = tpu.memref_squeeze %dma_wait3A_53 : memref<1x128xi32, #tpu.memory_space<vmem>> -> memref<128xi32, #tpu.memory_space<vmem>>
        %dma_wait3A_55 = tpu.memref_slice %arg4[%add3A_33] : memref<327680xi32, #tpu.memory_space<hbm>> -> memref<128xi32, #tpu.memory_space<hbm>>
        %dma_wait3A_56 = arith.constant 0 : i32
        %dma_wait3A_57 = tpu.memref_slice %arg7[%run_scoped3A, %dma_wait3A_56] : memref<2x128xi32, #tpu.memory_space<vmem>> -> memref<1x128xi32, #tpu.memory_space<vmem>>
        %dma_wait3A_58 = tpu.memref_squeeze %dma_wait3A_57 : memref<1x128xi32, #tpu.memory_space<vmem>> -> memref<128xi32, #tpu.memory_space<vmem>>
        %dma_wait3A_59 = tpu.memref_slice %arg4[%add3A_33] : memref<327680xi32, #tpu.memory_space<hbm>> -> memref<128xi32, #tpu.memory_space<hbm>>
        tpu.wait_dma2 semaphore(%run_scoped3A_43 : memref<!tpu.dma_semaphore, #tpu.memory_space<semaphore_mem>>) src(%dma_wait3A_59 : memref<128xi32, #tpu.memory_space<hbm>>) dst(%dma_wait3A_58 : memref<128xi32, #tpu.memory_space<vmem>>)
        tpu.yield
      }) : () -> ()
      %add3A_34 = arith.constant 128 : i32
      %add3A_35 = arith.addi %multiple_of3A, %add3A_34 : i32
      %run_scoped3A_36 = arith.constant 1 : i32
      "tpu.region"() ({
        %run_scoped3A_43 = tpu.sem_alloc : memref<!tpu.dma_semaphore, #tpu.memory_space<semaphore_mem>>
        %dma_start3A_44 = arith.constant 0 : i32
        %dma_start3A_45 = tpu.memref_slice %arg7[%run_scoped3A_36, %dma_start3A_44] : memref<2x128xi32, #tpu.memory_space<vmem>> -> memref<1x128xi32, #tpu.memory_space<vmem>>
        %dma_start3A_46 = tpu.memref_squeeze %dma_start3A_45 : memref<1x128xi32, #tpu.memory_space<vmem>> -> memref<128xi32, #tpu.memory_space<vmem>>
        %dma_start3A_47 = tpu.memref_slice %arg4[%add3A_35] : memref<327680xi32, #tpu.memory_space<hbm>> -> memref<128xi32, #tpu.memory_space<hbm>>
        %dma_start3A_48 = arith.constant 0 : i32
        %dma_start3A_49 = tpu.memref_slice %arg7[%run_scoped3A_36, %dma_start3A_48] : memref<2x128xi32, #tpu.memory_space<vmem>> -> memref<1x128xi32, #tpu.memory_space<vmem>>
        %dma_start3A_50 = tpu.memref_squeeze %dma_start3A_49 : memref<1x128xi32, #tpu.memory_space<vmem>> -> memref<128xi32, #tpu.memory_space<vmem>>
        %dma_start3A_51 = tpu.memref_slice %arg4[%add3A_35] : memref<327680xi32, #tpu.memory_space<hbm>> -> memref<128xi32, #tpu.memory_space<hbm>>
        tpu.enqueue_dma source(%dma_start3A_51 : memref<128xi32, #tpu.memory_space<hbm>>) target(%dma_start3A_50 : memref<128xi32, #tpu.memory_space<vmem>>) target_semaphore(%run_scoped3A_43 : memref<!tpu.dma_semaphore, #tpu.memory_space<semaphore_mem>>)
        %dma_wait3A_52 = arith.constant 0 : i32
        %dma_wait3A_53 = tpu.memref_slice %arg7[%run_scoped3A_36, %dma_wait3A_52] : memref<2x128xi32, #tpu.memory_space<vmem>> -> memref<1x128xi32, #tpu.memory_space<vmem>>
        %dma_wait3A_54 = tpu.memref_squeeze %dma_wait3A_53 : memref<1x128xi32, #tpu.memory_space<vmem>> -> memref<128xi32, #tpu.memory_space<vmem>>
        %dma_wait3A_55 = tpu.memref_slice %arg4[%add3A_35] : memref<327680xi32, #tpu.memory_space<hbm>> -> memref<128xi32, #tpu.memory_space<hbm>>
        %dma_wait3A_56 = arith.constant 0 : i32
        %dma_wait3A_57 = tpu.memref_slice %arg7[%run_scoped3A_36, %dma_wait3A_56] : memref<2x128xi32, #tpu.memory_space<vmem>> -> memref<1x128xi32, #tpu.memory_space<vmem>>
        %dma_wait3A_58 = tpu.memref_squeeze %dma_wait3A_57 : memref<1x128xi32, #tpu.memory_space<vmem>> -> memref<128xi32, #tpu.memory_space<vmem>>
        %dma_wait3A_59 = tpu.memref_slice %arg4[%add3A_35] : memref<327680xi32, #tpu.memory_space<hbm>> -> memref<128xi32, #tpu.memory_space<hbm>>
        tpu.wait_dma2 semaphore(%run_scoped3A_43 : memref<!tpu.dma_semaphore, #tpu.memory_space<semaphore_mem>>) src(%dma_wait3A_59 : memref<128xi32, #tpu.memory_space<hbm>>) dst(%dma_wait3A_58 : memref<128xi32, #tpu.memory_space<vmem>>)
        tpu.yield
      }) : () -> ()
      %dma_start3A = arith.constant 0 : i32
      %dma_start3A_37 = arith.constant 0 : i32
      %dma_start3A_38 = tpu.memref_slice %arg2[%dma_start3A, %dma_start3A_37] : memref<10112x128xf32, #tpu.memory_space<hbm>> -> memref<10112x128xf32, #tpu.memory_space<hbm>>
      tpu.enqueue_indirect_dma source(%dma_start3A_38 : memref<10112x128xf32, #tpu.memory_space<hbm>>) target(%arg8 : memref<256x128xf32, #tpu.memory_space<vmem>>) offsets(%arg6 : memref<256xi32, #tpu.memory_space<vmem>>) semaphore(%arg10 : memref<!tpu.dma_semaphore, #tpu.memory_space<semaphore_mem>>)
      %dma_wait3A = arith.constant 0 : i32
      %dma_wait3A_39 = arith.constant 0 : i32
      %dma_wait3A_40 = tpu.memref_slice %arg2[%dma_wait3A, %dma_wait3A_39] : memref<10112x128xf32, #tpu.memory_space<hbm>> -> memref<10112x128xf32, #tpu.memory_space<hbm>>
      tpu.wait_indirect_dma semaphore(%arg10 : memref<!tpu.dma_semaphore, #tpu.memory_space<semaphore_mem>>) src(%dma_wait3A_40 : memref<10112x128xf32, #tpu.memory_space<hbm>>) dst(%arg8 : memref<256x128xf32, #tpu.memory_space<vmem>>)
      %run_scoped3A_41 = arith.constant 0 : i32
      "tpu.region"() ({
        %run_scoped3A_43 = tpu.sem_alloc : memref<!tpu.dma_semaphore, #tpu.memory_space<semaphore_mem>>
        %dma_start3A_44 = arith.constant 0 : i32
        %dma_start3A_45 = arith.constant 0 : i32
        %dma_start3A_46 = tpu.memref_slice %arg8[%dma_start3A_44, %dma_start3A_45] : memref<256x128xf32, #tpu.memory_space<vmem>> -> memref<128x128xf32, #tpu.memory_space<vmem>>
        %dma_start3A_47 = arith.constant 0 : i32
        %dma_start3A_48 = tpu.memref_slice %arg7[%run_scoped3A_41, %dma_start3A_47] : memref<2x128xi32, #tpu.memory_space<vmem>> -> memref<1x128xi32, #tpu.memory_space<vmem>>
        %dma_start3A_49 = tpu.memref_squeeze %dma_start3A_48 : memref<1x128xi32, #tpu.memory_space<vmem>> -> memref<128xi32, #tpu.memory_space<vmem>>
        %dma_start3A_50 = arith.constant 0 : i32
        %dma_start3A_51 = arith.constant 0 : i32
        %dma_start3A_52 = tpu.memref_slice %arg9[%dma_start3A_50, %dma_start3A_51] : memref<10112x128xf32, #tpu.memory_space<vmem_shared>> -> memref<10112x128xf32, #tpu.memory_space<vmem_shared>>
        tpu.enqueue_indirect_dma source(%dma_start3A_46 : memref<128x128xf32, #tpu.memory_space<vmem>>) target(%dma_start3A_52 : memref<10112x128xf32, #tpu.memory_space<vmem_shared>>) offsets(%dma_start3A_49 : memref<128xi32, #tpu.memory_space<vmem>>) semaphore(%run_scoped3A_43 : memref<!tpu.dma_semaphore, #tpu.memory_space<semaphore_mem>>) {add = true}
        %dma_wait3A_53 = arith.constant 0 : i32
        %dma_wait3A_54 = arith.constant 0 : i32
        %dma_wait3A_55 = tpu.memref_slice %arg8[%dma_wait3A_53, %dma_wait3A_54] : memref<256x128xf32, #tpu.memory_space<vmem>> -> memref<128x128xf32, #tpu.memory_space<vmem>>
        %dma_wait3A_56 = arith.constant 0 : i32
        %dma_wait3A_57 = tpu.memref_slice %arg7[%run_scoped3A_41, %dma_wait3A_56] : memref<2x128xi32, #tpu.memory_space<vmem>> -> memref<1x128xi32, #tpu.memory_space<vmem>>
        %dma_wait3A_58 = tpu.memref_squeeze %dma_wait3A_57 : memref<1x128xi32, #tpu.memory_space<vmem>> -> memref<128xi32, #tpu.memory_space<vmem>>
        %dma_wait3A_59 = arith.constant 0 : i32
        %dma_wait3A_60 = arith.constant 0 : i32
        %dma_wait3A_61 = tpu.memref_slice %arg9[%dma_wait3A_59, %dma_wait3A_60] : memref<10112x128xf32, #tpu.memory_space<vmem_shared>> -> memref<10112x128xf32, #tpu.memory_space<vmem_shared>>
        tpu.wait_indirect_dma semaphore(%run_scoped3A_43 : memref<!tpu.dma_semaphore, #tpu.memory_space<semaphore_mem>>) src(%dma_wait3A_55 : memref<128x128xf32, #tpu.memory_space<vmem>>) dst(%dma_wait3A_61 : memref<10112x128xf32, #tpu.memory_space<vmem_shared>>)
        tpu.yield
      }) : () -> ()
      %run_scoped3A_42 = arith.constant 1 : i32
      "tpu.region"() ({
        %run_scoped3A_43 = tpu.sem_alloc : memref<!tpu.dma_semaphore, #tpu.memory_space<semaphore_mem>>
        %dma_start3A_44 = arith.constant 128 : i32
        %dma_start3A_45 = arith.constant 0 : i32
        %dma_start3A_46 = tpu.memref_slice %arg8[%dma_start3A_44, %dma_start3A_45] : memref<256x128xf32, #tpu.memory_space<vmem>> -> memref<128x128xf32, #tpu.memory_space<vmem>>
        %dma_start3A_47 = arith.constant 0 : i32
        %dma_start3A_48 = tpu.memref_slice %arg7[%run_scoped3A_42, %dma_start3A_47] : memref<2x128xi32, #tpu.memory_space<vmem>> -> memref<1x128xi32, #tpu.memory_space<vmem>>
        %dma_start3A_49 = tpu.memref_squeeze %dma_start3A_48 : memref<1x128xi32, #tpu.memory_space<vmem>> -> memref<128xi32, #tpu.memory_space<vmem>>
        %dma_start3A_50 = arith.constant 0 : i32
        %dma_start3A_51 = arith.constant 0 : i32
        %dma_start3A_52 = tpu.memref_slice %arg9[%dma_start3A_50, %dma_start3A_51] : memref<10112x128xf32, #tpu.memory_space<vmem_shared>> -> memref<10112x128xf32, #tpu.memory_space<vmem_shared>>
        tpu.enqueue_indirect_dma source(%dma_start3A_46 : memref<128x128xf32, #tpu.memory_space<vmem>>) target(%dma_start3A_52 : memref<10112x128xf32, #tpu.memory_space<vmem_shared>>) offsets(%dma_start3A_49 : memref<128xi32, #tpu.memory_space<vmem>>) semaphore(%run_scoped3A_43 : memref<!tpu.dma_semaphore, #tpu.memory_space<semaphore_mem>>) {add = true}
        %dma_wait3A_53 = arith.constant 128 : i32
        %dma_wait3A_54 = arith.constant 0 : i32
        %dma_wait3A_55 = tpu.memref_slice %arg8[%dma_wait3A_53, %dma_wait3A_54] : memref<256x128xf32, #tpu.memory_space<vmem>> -> memref<128x128xf32, #tpu.memory_space<vmem>>
        %dma_wait3A_56 = arith.constant 0 : i32
        %dma_wait3A_57 = tpu.memref_slice %arg7[%run_scoped3A_42, %dma_wait3A_56] : memref<2x128xi32, #tpu.memory_space<vmem>> -> memref<1x128xi32, #tpu.memory_space<vmem>>
        %dma_wait3A_58 = tpu.memref_squeeze %dma_wait3A_57 : memref<1x128xi32, #tpu.memory_space<vmem>> -> memref<128xi32, #tpu.memory_space<vmem>>
        %dma_wait3A_59 = arith.constant 0 : i32
        %dma_wait3A_60 = arith.constant 0 : i32
        %dma_wait3A_61 = tpu.memref_slice %arg9[%dma_wait3A_59, %dma_wait3A_60] : memref<10112x128xf32, #tpu.memory_space<vmem_shared>> -> memref<10112x128xf32, #tpu.memory_space<vmem_shared>>
        tpu.wait_indirect_dma semaphore(%run_scoped3A_43 : memref<!tpu.dma_semaphore, #tpu.memory_space<semaphore_mem>>) src(%dma_wait3A_55 : memref<128x128xf32, #tpu.memory_space<vmem>>) dst(%dma_wait3A_61 : memref<10112x128xf32, #tpu.memory_space<vmem_shared>>)
        tpu.yield
      }) : () -> ()
    }
    %scan3A_18 = arith.constant 40 : i32
    %barrier3A_19 = arith.constant 0 : index
    tpu.barrier barrier_id(%barrier3A_19)
    %add3A_20 = arith.constant 0 : i32
    %add3A_21 = arith.addi %mul3A_7, %add3A_20 : i32
    "tpu.region"() ({
      %run_scoped3A = tpu.sem_alloc : memref<!tpu.dma_semaphore, #tpu.memory_space<semaphore_mem>>
      %dma_start3A = arith.constant 0 : i32
      %dma_start3A_26 = arith.constant 0 : i32
      %dma_start3A_27 = tpu.memref_slice %arg8[%dma_start3A, %dma_start3A_26] : memref<256x128xf32, #tpu.memory_space<vmem>> -> memref<256x128xf32, #tpu.memory_space<vmem>>
      %dma_start3A_28 = arith.constant 0 : i32
      %dma_start3A_29 = tpu.memref_slice %arg9[%add3A_21, %dma_start3A_28] : memref<10112x128xf32, #tpu.memory_space<vmem_shared>> -> memref<256x128xf32, #tpu.memory_space<vmem_shared>>
      %dma_start3A_30 = arith.constant 0 : i32
      %dma_start3A_31 = arith.constant 0 : i32
      %dma_start3A_32 = tpu.memref_slice %arg8[%dma_start3A_30, %dma_start3A_31] : memref<256x128xf32, #tpu.memory_space<vmem>> -> memref<256x128xf32, #tpu.memory_space<vmem>>
      %dma_start3A_33 = arith.constant 0 : i32
      %dma_start3A_34 = tpu.memref_slice %arg9[%add3A_21, %dma_start3A_33] : memref<10112x128xf32, #tpu.memory_space<vmem_shared>> -> memref<256x128xf32, #tpu.memory_space<vmem_shared>>
      tpu.enqueue_dma source(%dma_start3A_34 : memref<256x128xf32, #tpu.memory_space<vmem_shared>>) target(%dma_start3A_32 : memref<256x128xf32, #tpu.memory_space<vmem>>) target_semaphore(%run_scoped3A : memref<!tpu.dma_semaphore, #tpu.memory_space<semaphore_mem>>)
      %dma_wait3A = arith.constant 0 : i32
      %dma_wait3A_35 = arith.constant 0 : i32
      %dma_wait3A_36 = tpu.memref_slice %arg8[%dma_wait3A, %dma_wait3A_35] : memref<256x128xf32, #tpu.memory_space<vmem>> -> memref<256x128xf32, #tpu.memory_space<vmem>>
      %dma_wait3A_37 = arith.constant 0 : i32
      %dma_wait3A_38 = tpu.memref_slice %arg9[%add3A_21, %dma_wait3A_37] : memref<10112x128xf32, #tpu.memory_space<vmem_shared>> -> memref<256x128xf32, #tpu.memory_space<vmem_shared>>
      %dma_wait3A_39 = arith.constant 0 : i32
      %dma_wait3A_40 = arith.constant 0 : i32
      %dma_wait3A_41 = tpu.memref_slice %arg8[%dma_wait3A_39, %dma_wait3A_40] : memref<256x128xf32, #tpu.memory_space<vmem>> -> memref<256x128xf32, #tpu.memory_space<vmem>>
      %dma_wait3A_42 = arith.constant 0 : i32
      %dma_wait3A_43 = tpu.memref_slice %arg9[%add3A_21, %dma_wait3A_42] : memref<10112x128xf32, #tpu.memory_space<vmem_shared>> -> memref<256x128xf32, #tpu.memory_space<vmem_shared>>
      tpu.wait_dma2 semaphore(%run_scoped3A : memref<!tpu.dma_semaphore, #tpu.memory_space<semaphore_mem>>) src(%dma_wait3A_43 : memref<256x128xf32, #tpu.memory_space<vmem_shared>>) dst(%dma_wait3A_41 : memref<256x128xf32, #tpu.memory_space<vmem>>)
      tpu.yield
    }) : () -> ()
    "tpu.region"() ({
      %run_scoped3A = tpu.sem_alloc : memref<!tpu.dma_semaphore, #tpu.memory_space<semaphore_mem>>
      %dma_start3A = arith.constant 0 : i32
      %dma_start3A_26 = arith.constant 0 : i32
      %dma_start3A_27 = tpu.memref_slice %arg8[%dma_start3A, %dma_start3A_26] : memref<256x128xf32, #tpu.memory_space<vmem>> -> memref<256x128xf32, #tpu.memory_space<vmem>>
      %dma_start3A_28 = arith.constant 0 : i32
      %dma_start3A_29 = tpu.memref_slice %arg5[%arg0, %add3A_21, %dma_start3A_28] : memref<2x10112x128xf32, #tpu.memory_space<hbm>> -> memref<1x256x128xf32, #tpu.memory_space<hbm>>
      %dma_start3A_30 = tpu.memref_squeeze %dma_start3A_29 : memref<1x256x128xf32, #tpu.memory_space<hbm>> -> memref<256x128xf32, #tpu.memory_space<hbm>>
      %dma_start3A_31 = arith.constant 0 : i32
      %dma_start3A_32 = tpu.memref_slice %arg5[%arg0, %add3A_21, %dma_start3A_31] : memref<2x10112x128xf32, #tpu.memory_space<hbm>> -> memref<1x256x128xf32, #tpu.memory_space<hbm>>
      %dma_start3A_33 = tpu.memref_squeeze %dma_start3A_32 : memref<1x256x128xf32, #tpu.memory_space<hbm>> -> memref<256x128xf32, #tpu.memory_space<hbm>>
      %dma_start3A_34 = arith.constant 0 : i32
      %dma_start3A_35 = arith.constant 0 : i32
      %dma_start3A_36 = tpu.memref_slice %arg8[%dma_start3A_34, %dma_start3A_35] : memref<256x128xf32, #tpu.memory_space<vmem>> -> memref<256x128xf32, #tpu.memory_space<vmem>>
      tpu.enqueue_dma source(%dma_start3A_36 : memref<256x128xf32, #tpu.memory_space<vmem>>) target(%dma_start3A_33 : memref<256x128xf32, #tpu.memory_space<hbm>>) target_semaphore(%run_scoped3A : memref<!tpu.dma_semaphore, #tpu.memory_space<semaphore_mem>>)
      %dma_wait3A = arith.constant 0 : i32
      %dma_wait3A_37 = arith.constant 0 : i32
      %dma_wait3A_38 = tpu.memref_slice %arg8[%dma_wait3A, %dma_wait3A_37] : memref<256x128xf32, #tpu.memory_space<vmem>> -> memref<256x128xf32, #tpu.memory_space<vmem>>
      %dma_wait3A_39 = arith.constant 0 : i32
      %dma_wait3A_40 = tpu.memref_slice %arg5[%arg0, %add3A_21, %dma_wait3A_39] : memref<2x10112x128xf32, #tpu.memory_space<hbm>> -> memref<1x256x128xf32, #tpu.memory_space<hbm>>
      %dma_wait3A_41 = tpu.memref_squeeze %dma_wait3A_40 : memref<1x256x128xf32, #tpu.memory_space<hbm>> -> memref<256x128xf32, #tpu.memory_space<hbm>>
      %dma_wait3A_42 = arith.constant 0 : i32
      %dma_wait3A_43 = tpu.memref_slice %arg5[%arg0, %add3A_21, %dma_wait3A_42] : memref<2x10112x128xf32, #tpu.memory_space<hbm>> -> memref<1x256x128xf32, #tpu.memory_space<hbm>>
      %dma_wait3A_44 = tpu.memref_squeeze %dma_wait3A_43 : memref<1x256x128xf32, #tpu.memory_space<hbm>> -> memref<256x128xf32, #tpu.memory_space<hbm>>
      %dma_wait3A_45 = arith.constant 0 : i32
      %dma_wait3A_46 = arith.constant 0 : i32
      %dma_wait3A_47 = tpu.memref_slice %arg8[%dma_wait3A_45, %dma_wait3A_46] : memref<256x128xf32, #tpu.memory_space<vmem>> -> memref<256x128xf32, #tpu.memory_space<vmem>>
      tpu.wait_dma2 semaphore(%run_scoped3A : memref<!tpu.dma_semaphore, #tpu.memory_space<semaphore_mem>>) src(%dma_wait3A_47 : memref<256x128xf32, #tpu.memory_space<vmem>>) dst(%dma_wait3A_44 : memref<256x128xf32, #tpu.memory_space<hbm>>)
      tpu.yield
    }) : () -> ()
    %add3A_22 = arith.constant 256 : i32
    %add3A_23 = arith.addi %mul3A_7, %add3A_22 : i32
    "tpu.region"() ({
      %run_scoped3A = tpu.sem_alloc : memref<!tpu.dma_semaphore, #tpu.memory_space<semaphore_mem>>
      %dma_start3A = arith.constant 0 : i32
      %dma_start3A_26 = arith.constant 0 : i32
      %dma_start3A_27 = tpu.memref_slice %arg8[%dma_start3A, %dma_start3A_26] : memref<256x128xf32, #tpu.memory_space<vmem>> -> memref<256x128xf32, #tpu.memory_space<vmem>>
      %dma_start3A_28 = arith.constant 0 : i32
      %dma_start3A_29 = tpu.memref_slice %arg9[%add3A_23, %dma_start3A_28] : memref<10112x128xf32, #tpu.memory_space<vmem_shared>> -> memref<256x128xf32, #tpu.memory_space<vmem_shared>>
      %dma_start3A_30 = arith.constant 0 : i32
      %dma_start3A_31 = arith.constant 0 : i32
      %dma_start3A_32 = tpu.memref_slice %arg8[%dma_start3A_30, %dma_start3A_31] : memref<256x128xf32, #tpu.memory_space<vmem>> -> memref<256x128xf32, #tpu.memory_space<vmem>>
      %dma_start3A_33 = arith.constant 0 : i32
      %dma_start3A_34 = tpu.memref_slice %arg9[%add3A_23, %dma_start3A_33] : memref<10112x128xf32, #tpu.memory_space<vmem_shared>> -> memref<256x128xf32, #tpu.memory_space<vmem_shared>>
      tpu.enqueue_dma source(%dma_start3A_34 : memref<256x128xf32, #tpu.memory_space<vmem_shared>>) target(%dma_start3A_32 : memref<256x128xf32, #tpu.memory_space<vmem>>) target_semaphore(%run_scoped3A : memref<!tpu.dma_semaphore, #tpu.memory_space<semaphore_mem>>)
      %dma_wait3A = arith.constant 0 : i32
      %dma_wait3A_35 = arith.constant 0 : i32
      %dma_wait3A_36 = tpu.memref_slice %arg8[%dma_wait3A, %dma_wait3A_35] : memref<256x128xf32, #tpu.memory_space<vmem>> -> memref<256x128xf32, #tpu.memory_space<vmem>>
      %dma_wait3A_37 = arith.constant 0 : i32
      %dma_wait3A_38 = tpu.memref_slice %arg9[%add3A_23, %dma_wait3A_37] : memref<10112x128xf32, #tpu.memory_space<vmem_shared>> -> memref<256x128xf32, #tpu.memory_space<vmem_shared>>
      %dma_wait3A_39 = arith.constant 0 : i32
      %dma_wait3A_40 = arith.constant 0 : i32
      %dma_wait3A_41 = tpu.memref_slice %arg8[%dma_wait3A_39, %dma_wait3A_40] : memref<256x128xf32, #tpu.memory_space<vmem>> -> memref<256x128xf32, #tpu.memory_space<vmem>>
      %dma_wait3A_42 = arith.constant 0 : i32
      %dma_wait3A_43 = tpu.memref_slice %arg9[%add3A_23, %dma_wait3A_42] : memref<10112x128xf32, #tpu.memory_space<vmem_shared>> -> memref<256x128xf32, #tpu.memory_space<vmem_shared>>
      tpu.wait_dma2 semaphore(%run_scoped3A : memref<!tpu.dma_semaphore, #tpu.memory_space<semaphore_mem>>) src(%dma_wait3A_43 : memref<256x128xf32, #tpu.memory_space<vmem_shared>>) dst(%dma_wait3A_41 : memref<256x128xf32, #tpu.memory_space<vmem>>)
      tpu.yield
    }) : () -> ()
    "tpu.region"() ({
      %run_scoped3A = tpu.sem_alloc : memref<!tpu.dma_semaphore, #tpu.memory_space<semaphore_mem>>
      %dma_start3A = arith.constant 0 : i32
      %dma_start3A_26 = arith.constant 0 : i32
      %dma_start3A_27 = tpu.memref_slice %arg8[%dma_start3A, %dma_start3A_26] : memref<256x128xf32, #tpu.memory_space<vmem>> -> memref<256x128xf32, #tpu.memory_space<vmem>>
      %dma_start3A_28 = arith.constant 0 : i32
      %dma_start3A_29 = tpu.memref_slice %arg5[%arg0, %add3A_23, %dma_start3A_28] : memref<2x10112x128xf32, #tpu.memory_space<hbm>> -> memref<1x256x128xf32, #tpu.memory_space<hbm>>
      %dma_start3A_30 = tpu.memref_squeeze %dma_start3A_29 : memref<1x256x128xf32, #tpu.memory_space<hbm>> -> memref<256x128xf32, #tpu.memory_space<hbm>>
      %dma_start3A_31 = arith.constant 0 : i32
      %dma_start3A_32 = tpu.memref_slice %arg5[%arg0, %add3A_23, %dma_start3A_31] : memref<2x10112x128xf32, #tpu.memory_space<hbm>> -> memref<1x256x128xf32, #tpu.memory_space<hbm>>
      %dma_start3A_33 = tpu.memref_squeeze %dma_start3A_32 : memref<1x256x128xf32, #tpu.memory_space<hbm>> -> memref<256x128xf32, #tpu.memory_space<hbm>>
      %dma_start3A_34 = arith.constant 0 : i32
      %dma_start3A_35 = arith.constant 0 : i32
      %dma_start3A_36 = tpu.memref_slice %arg8[%dma_start3A_34, %dma_start3A_35] : memref<256x128xf32, #tpu.memory_space<vmem>> -> memref<256x128xf32, #tpu.memory_space<vmem>>
      tpu.enqueue_dma source(%dma_start3A_36 : memref<256x128xf32, #tpu.memory_space<vmem>>) target(%dma_start3A_33 : memref<256x128xf32, #tpu.memory_space<hbm>>) target_semaphore(%run_scoped3A : memref<!tpu.dma_semaphore, #tpu.memory_space<semaphore_mem>>)
      %dma_wait3A = arith.constant 0 : i32
      %dma_wait3A_37 = arith.constant 0 : i32
      %dma_wait3A_38 = tpu.memref_slice %arg8[%dma_wait3A, %dma_wait3A_37] : memref<256x128xf32, #tpu.memory_space<vmem>> -> memref<256x128xf32, #tpu.memory_space<vmem>>
      %dma_wait3A_39 = arith.constant 0 : i32
      %dma_wait3A_40 = tpu.memref_slice %arg5[%arg0, %add3A_23, %dma_wait3A_39] : memref<2x10112x128xf32, #tpu.memory_space<hbm>> -> memref<1x256x128xf32, #tpu.memory_space<hbm>>
      %dma_wait3A_41 = tpu.memref_squeeze %dma_wait3A_40 : memref<1x256x128xf32, #tpu.memory_space<hbm>> -> memref<256x128xf32, #tpu.memory_space<hbm>>
      %dma_wait3A_42 = arith.constant 0 : i32
      %dma_wait3A_43 = tpu.memref_slice %arg5[%arg0, %add3A_23, %dma_wait3A_42] : memref<2x10112x128xf32, #tpu.memory_space<hbm>> -> memref<1x256x128xf32, #tpu.memory_space<hbm>>
      %dma_wait3A_44 = tpu.memref_squeeze %dma_wait3A_43 : memref<1x256x128xf32, #tpu.memory_space<hbm>> -> memref<256x128xf32, #tpu.memory_space<hbm>>
      %dma_wait3A_45 = arith.constant 0 : i32
      %dma_wait3A_46 = arith.constant 0 : i32
      %dma_wait3A_47 = tpu.memref_slice %arg8[%dma_wait3A_45, %dma_wait3A_46] : memref<256x128xf32, #tpu.memory_space<vmem>> -> memref<256x128xf32, #tpu.memory_space<vmem>>
      tpu.wait_dma2 semaphore(%run_scoped3A : memref<!tpu.dma_semaphore, #tpu.memory_space<semaphore_mem>>) src(%dma_wait3A_47 : memref<256x128xf32, #tpu.memory_space<vmem>>) dst(%dma_wait3A_44 : memref<256x128xf32, #tpu.memory_space<hbm>>)
      tpu.yield
    }) : () -> ()
    %add3A_24 = arith.constant 512 : i32
    %add3A_25 = arith.addi %mul3A_7, %add3A_24 : i32
    "tpu.region"() ({
      %run_scoped3A = tpu.sem_alloc : memref<!tpu.dma_semaphore, #tpu.memory_space<semaphore_mem>>
      %dma_start3A = arith.constant 0 : i32
      %dma_start3A_26 = arith.constant 0 : i32
      %dma_start3A_27 = tpu.memref_slice %arg8[%dma_start3A, %dma_start3A_26] : memref<256x128xf32, #tpu.memory_space<vmem>> -> memref<120x128xf32, #tpu.memory_space<vmem>>
      %dma_start3A_28 = arith.constant 0 : i32
      %dma_start3A_29 = tpu.memref_slice %arg9[%add3A_25, %dma_start3A_28] : memref<10112x128xf32, #tpu.memory_space<vmem_shared>> -> memref<120x128xf32, #tpu.memory_space<vmem_shared>>
      %dma_start3A_30 = arith.constant 0 : i32
      %dma_start3A_31 = arith.constant 0 : i32
      %dma_start3A_32 = tpu.memref_slice %arg8[%dma_start3A_30, %dma_start3A_31] : memref<256x128xf32, #tpu.memory_space<vmem>> -> memref<120x128xf32, #tpu.memory_space<vmem>>
      %dma_start3A_33 = arith.constant 0 : i32
      %dma_start3A_34 = tpu.memref_slice %arg9[%add3A_25, %dma_start3A_33] : memref<10112x128xf32, #tpu.memory_space<vmem_shared>> -> memref<120x128xf32, #tpu.memory_space<vmem_shared>>
      tpu.enqueue_dma source(%dma_start3A_34 : memref<120x128xf32, #tpu.memory_space<vmem_shared>>) target(%dma_start3A_32 : memref<120x128xf32, #tpu.memory_space<vmem>>) target_semaphore(%run_scoped3A : memref<!tpu.dma_semaphore, #tpu.memory_space<semaphore_mem>>)
      %dma_wait3A = arith.constant 0 : i32
      %dma_wait3A_35 = arith.constant 0 : i32
      %dma_wait3A_36 = tpu.memref_slice %arg8[%dma_wait3A, %dma_wait3A_35] : memref<256x128xf32, #tpu.memory_space<vmem>> -> memref<120x128xf32, #tpu.memory_space<vmem>>
      %dma_wait3A_37 = arith.constant 0 : i32
      %dma_wait3A_38 = tpu.memref_slice %arg9[%add3A_25, %dma_wait3A_37] : memref<10112x128xf32, #tpu.memory_space<vmem_shared>> -> memref<120x128xf32, #tpu.memory_space<vmem_shared>>
      %dma_wait3A_39 = arith.constant 0 : i32
      %dma_wait3A_40 = arith.constant 0 : i32
      %dma_wait3A_41 = tpu.memref_slice %arg8[%dma_wait3A_39, %dma_wait3A_40] : memref<256x128xf32, #tpu.memory_space<vmem>> -> memref<120x128xf32, #tpu.memory_space<vmem>>
      %dma_wait3A_42 = arith.constant 0 : i32
      %dma_wait3A_43 = tpu.memref_slice %arg9[%add3A_25, %dma_wait3A_42] : memref<10112x128xf32, #tpu.memory_space<vmem_shared>> -> memref<120x128xf32, #tpu.memory_space<vmem_shared>>
      tpu.wait_dma2 semaphore(%run_scoped3A : memref<!tpu.dma_semaphore, #tpu.memory_space<semaphore_mem>>) src(%dma_wait3A_43 : memref<120x128xf32, #tpu.memory_space<vmem_shared>>) dst(%dma_wait3A_41 : memref<120x128xf32, #tpu.memory_space<vmem>>)
      tpu.yield
    }) : () -> ()
    "tpu.region"() ({
      %run_scoped3A = tpu.sem_alloc : memref<!tpu.dma_semaphore, #tpu.memory_space<semaphore_mem>>
      %dma_start3A = arith.constant 0 : i32
      %dma_start3A_26 = arith.constant 0 : i32
      %dma_start3A_27 = tpu.memref_slice %arg8[%dma_start3A, %dma_start3A_26] : memref<256x128xf32, #tpu.memory_space<vmem>> -> memref<120x128xf32, #tpu.memory_space<vmem>>
      %dma_start3A_28 = arith.constant 0 : i32
      %dma_start3A_29 = tpu.memref_slice %arg5[%arg0, %add3A_25, %dma_start3A_28] : memref<2x10112x128xf32, #tpu.memory_space<hbm>> -> memref<1x120x128xf32, #tpu.memory_space<hbm>>
      %dma_start3A_30 = tpu.memref_squeeze %dma_start3A_29 : memref<1x120x128xf32, #tpu.memory_space<hbm>> -> memref<120x128xf32, #tpu.memory_space<hbm>>
      %dma_start3A_31 = arith.constant 0 : i32
      %dma_start3A_32 = tpu.memref_slice %arg5[%arg0, %add3A_25, %dma_start3A_31] : memref<2x10112x128xf32, #tpu.memory_space<hbm>> -> memref<1x120x128xf32, #tpu.memory_space<hbm>>
      %dma_start3A_33 = tpu.memref_squeeze %dma_start3A_32 : memref<1x120x128xf32, #tpu.memory_space<hbm>> -> memref<120x128xf32, #tpu.memory_space<hbm>>
      %dma_start3A_34 = arith.constant 0 : i32
      %dma_start3A_35 = arith.constant 0 : i32
      %dma_start3A_36 = tpu.memref_slice %arg8[%dma_start3A_34, %dma_start3A_35] : memref<256x128xf32, #tpu.memory_space<vmem>> -> memref<120x128xf32, #tpu.memory_space<vmem>>
      tpu.enqueue_dma source(%dma_start3A_36 : memref<120x128xf32, #tpu.memory_space<vmem>>) target(%dma_start3A_33 : memref<120x128xf32, #tpu.memory_space<hbm>>) target_semaphore(%run_scoped3A : memref<!tpu.dma_semaphore, #tpu.memory_space<semaphore_mem>>)
      %dma_wait3A = arith.constant 0 : i32
      %dma_wait3A_37 = arith.constant 0 : i32
      %dma_wait3A_38 = tpu.memref_slice %arg8[%dma_wait3A, %dma_wait3A_37] : memref<256x128xf32, #tpu.memory_space<vmem>> -> memref<120x128xf32, #tpu.memory_space<vmem>>
      %dma_wait3A_39 = arith.constant 0 : i32
      %dma_wait3A_40 = tpu.memref_slice %arg5[%arg0, %add3A_25, %dma_wait3A_39] : memref<2x10112x128xf32, #tpu.memory_space<hbm>> -> memref<1x120x128xf32, #tpu.memory_space<hbm>>
      %dma_wait3A_41 = tpu.memref_squeeze %dma_wait3A_40 : memref<1x120x128xf32, #tpu.memory_space<hbm>> -> memref<120x128xf32, #tpu.memory_space<hbm>>
      %dma_wait3A_42 = arith.constant 0 : i32
      %dma_wait3A_43 = tpu.memref_slice %arg5[%arg0, %add3A_25, %dma_wait3A_42] : memref<2x10112x128xf32, #tpu.memory_space<hbm>> -> memref<1x120x128xf32, #tpu.memory_space<hbm>>
      %dma_wait3A_44 = tpu.memref_squeeze %dma_wait3A_43 : memref<1x120x128xf32, #tpu.memory_space<hbm>> -> memref<120x128xf32, #tpu.memory_space<hbm>>
      %dma_wait3A_45 = arith.constant 0 : i32
      %dma_wait3A_46 = arith.constant 0 : i32
      %dma_wait3A_47 = tpu.memref_slice %arg8[%dma_wait3A_45, %dma_wait3A_46] : memref<256x128xf32, #tpu.memory_space<vmem>> -> memref<120x128xf32, #tpu.memory_space<vmem>>
      tpu.wait_dma2 semaphore(%run_scoped3A : memref<!tpu.dma_semaphore, #tpu.memory_space<semaphore_mem>>) src(%dma_wait3A_47 : memref<120x128xf32, #tpu.memory_space<vmem>>) dst(%dma_wait3A_44 : memref<120x128xf32, #tpu.memory_space<hbm>>)
      tpu.yield
    }) : () -> ()
    return
  }
}

#map = affine_map<(d0, d1) -> (0, 0)>
#map1 = affine_map<(d0, d1) -> (0)>
#map2 = affine_map<(d0, d1) -> (0, 0, 0)>
module attributes {stable_mosaic.version = 14 : i64} {
  func.func @_sc_body(%arg0: i32, %arg1: i32, %arg2: memref<10112x128xf32, #tpu.memory_space<hbm>>, %arg3: memref<327680xi32, #tpu.memory_space<hbm>>, %arg4: memref<327680xi32, #tpu.memory_space<hbm>>, %arg5: memref<2x10112x128xf32, #tpu.memory_space<hbm>>, %arg6: memref<256xi32, #tpu.memory_space<vmem>>, %arg7: memref<2x128xi32, #tpu.memory_space<vmem>>, %arg8: memref<256x128xf32, #tpu.memory_space<vmem>>, %arg9: memref<10112x128xf32, #tpu.memory_space<vmem_shared>>, %arg10: memref<!tpu.dma_semaphore, #tpu.memory_space<semaphore_mem>>) attributes {dimension_semantics = [#tpu.dimension_semantics<core_parallel>, #tpu.dimension_semantics<subcore_parallel>], iteration_bounds = array<i64: 2, 16>, scalar_prefetch = 0 : i64, scratch_operands = 5 : i64, tpu.core_type = #tpu.core_type<sc_vector_subcore>, window_params = [{transform_indices = #map}, {transform_indices = #map1}, {transform_indices = #map1}, {transform_indices = #map2}]} {
    %mul3A = arith.constant 16 : i32
    %mul3A_0 = arith.muli %arg0, %mul3A : i32
    %add3A = arith.addi %mul3A_0, %arg1 : i32
    %broadcast_in_dim3A = arith.constant 0.000000e+00 : f32
    %broadcast_in_dim3A_1 = vector.broadcast %broadcast_in_dim3A : f32 to vector<16xf32>
    %scan3A = arith.constant 0 : i32
    %scan3A_2 = arith.constant 256 : i32
    %scan3A_3 = arith.addi %scan3A, %scan3A_2 : i32
    %scan3A_4 = arith.constant 1 : i32
    scf.for %scan3A_26 = %scan3A to %scan3A_3 step %scan3A_4  : i32 {
      %swap3A = arith.index_cast %scan3A_26 : i32 to index
      %swap3A_27 = arith.constant 0 : index
      %swap3A_28 = tpu.vector_load %arg8[%swap3A, %swap3A_27] {strides = array<i32>} : memref<256x128xf32, #tpu.memory_space<vmem>>, vector<1x16xf32>,
      %swap3A_29 = vector.shape_cast %swap3A_28 : vector<1x16xf32> to vector<16xf32>
      %swap3A_30 = vector.shape_cast %broadcast_in_dim3A_1 : vector<16xf32> to vector<1x16xf32>
      tpu.vector_store %arg8[%swap3A, %swap3A_27], %swap3A_30 {strides = array<i32>} : memref<256x128xf32, #tpu.memory_space<vmem>>, vector<1x16xf32>,
      %swap3A_31 = arith.index_cast %scan3A_26 : i32 to index
      %swap3A_32 = arith.constant 16 : index
      %swap3A_33 = tpu.vector_load %arg8[%swap3A_31, %swap3A_32] {strides = array<i32>} : memref<256x128xf32, #tpu.memory_space<vmem>>, vector<1x16xf32>,
      %swap3A_34 = vector.shape_cast %swap3A_33 : vector<1x16xf32> to vector<16xf32>
      %swap3A_35 = vector.shape_cast %broadcast_in_dim3A_1 : vector<16xf32> to vector<1x16xf32>
      tpu.vector_store %arg8[%swap3A_31, %swap3A_32], %swap3A_35 {strides = array<i32>} : memref<256x128xf32, #tpu.memory_space<vmem>>, vector<1x16xf32>,
      %swap3A_36 = arith.index_cast %scan3A_26 : i32 to index
      %swap3A_37 = arith.constant 32 : index
      %swap3A_38 = tpu.vector_load %arg8[%swap3A_36, %swap3A_37] {strides = array<i32>} : memref<256x128xf32, #tpu.memory_space<vmem>>, vector<1x16xf32>,
      %swap3A_39 = vector.shape_cast %swap3A_38 : vector<1x16xf32> to vector<16xf32>
      %swap3A_40 = vector.shape_cast %broadcast_in_dim3A_1 : vector<16xf32> to vector<1x16xf32>
      tpu.vector_store %arg8[%swap3A_36, %swap3A_37], %swap3A_40 {strides = array<i32>} : memref<256x128xf32, #tpu.memory_space<vmem>>, vector<1x16xf32>,
      %swap3A_41 = arith.index_cast %scan3A_26 : i32 to index
      %swap3A_42 = arith.constant 48 : index
      %swap3A_43 = tpu.vector_load %arg8[%swap3A_41, %swap3A_42] {strides = array<i32>} : memref<256x128xf32, #tpu.memory_space<vmem>>, vector<1x16xf32>,
      %swap3A_44 = vector.shape_cast %swap3A_43 : vector<1x16xf32> to vector<16xf32>
      %swap3A_45 = vector.shape_cast %broadcast_in_dim3A_1 : vector<16xf32> to vector<1x16xf32>
      tpu.vector_store %arg8[%swap3A_41, %swap3A_42], %swap3A_45 {strides = array<i32>} : memref<256x128xf32, #tpu.memory_space<vmem>>, vector<1x16xf32>,
      %swap3A_46 = arith.index_cast %scan3A_26 : i32 to index
      %swap3A_47 = arith.constant 64 : index
      %swap3A_48 = tpu.vector_load %arg8[%swap3A_46, %swap3A_47] {strides = array<i32>} : memref<256x128xf32, #tpu.memory_space<vmem>>, vector<1x16xf32>,
      %swap3A_49 = vector.shape_cast %swap3A_48 : vector<1x16xf32> to vector<16xf32>
      %swap3A_50 = vector.shape_cast %broadcast_in_dim3A_1 : vector<16xf32> to vector<1x16xf32>
      tpu.vector_store %arg8[%swap3A_46, %swap3A_47], %swap3A_50 {strides = array<i32>} : memref<256x128xf32, #tpu.memory_space<vmem>>, vector<1x16xf32>,
      %swap3A_51 = arith.index_cast %scan3A_26 : i32 to index
      %swap3A_52 = arith.constant 80 : index
      %swap3A_53 = tpu.vector_load %arg8[%swap3A_51, %swap3A_52] {strides = array<i32>} : memref<256x128xf32, #tpu.memory_space<vmem>>, vector<1x16xf32>,
      %swap3A_54 = vector.shape_cast %swap3A_53 : vector<1x16xf32> to vector<16xf32>
      %swap3A_55 = vector.shape_cast %broadcast_in_dim3A_1 : vector<16xf32> to vector<1x16xf32>
      tpu.vector_store %arg8[%swap3A_51, %swap3A_52], %swap3A_55 {strides = array<i32>} : memref<256x128xf32, #tpu.memory_space<vmem>>, vector<1x16xf32>,
      %swap3A_56 = arith.index_cast %scan3A_26 : i32 to index
      %swap3A_57 = arith.constant 96 : index
      %swap3A_58 = tpu.vector_load %arg8[%swap3A_56, %swap3A_57] {strides = array<i32>} : memref<256x128xf32, #tpu.memory_space<vmem>>, vector<1x16xf32>,
      %swap3A_59 = vector.shape_cast %swap3A_58 : vector<1x16xf32> to vector<16xf32>
      %swap3A_60 = vector.shape_cast %broadcast_in_dim3A_1 : vector<16xf32> to vector<1x16xf32>
      tpu.vector_store %arg8[%swap3A_56, %swap3A_57], %swap3A_60 {strides = array<i32>} : memref<256x128xf32, #tpu.memory_space<vmem>>, vector<1x16xf32>,
      %swap3A_61 = arith.index_cast %scan3A_26 : i32 to index
      %swap3A_62 = arith.constant 112 : index
      %swap3A_63 = tpu.vector_load %arg8[%swap3A_61, %swap3A_62] {strides = array<i32>} : memref<256x128xf32, #tpu.memory_space<vmem>>, vector<1x16xf32>,
      %swap3A_64 = vector.shape_cast %swap3A_63 : vector<1x16xf32> to vector<16xf32>
      %swap3A_65 = vector.shape_cast %broadcast_in_dim3A_1 : vector<16xf32> to vector<1x16xf32>
      tpu.vector_store %arg8[%swap3A_61, %swap3A_62], %swap3A_65 {strides = array<i32>} : memref<256x128xf32, #tpu.memory_space<vmem>>, vector<1x16xf32>,
    }
    %scan3A_5 = arith.constant 256 : i32
    %mul3A_6 = arith.constant 632 : i32
    %mul3A_7 = arith.muli %arg1, %mul3A_6 : i32
    %add3A_8 = arith.constant 0 : i32
    %add3A_9 = arith.addi %mul3A_7, %add3A_8 : i32
    "tpu.region"() ({
      %run_scoped3A = tpu.sem_alloc : memref<!tpu.dma_semaphore, #tpu.memory_space<semaphore_mem>>
      %dma_start3A = arith.constant 0 : i32
      %dma_start3A_26 = arith.constant 0 : i32
      %dma_start3A_27 = tpu.memref_slice %arg8[%dma_start3A, %dma_start3A_26] : memref<256x128xf32, #tpu.memory_space<vmem>> -> memref<256x128xf32, #tpu.memory_space<vmem>>
      %dma_start3A_28 = arith.constant 0 : i32
      %dma_start3A_29 = tpu.memref_slice %arg9[%add3A_9, %dma_start3A_28] : memref<10112x128xf32, #tpu.memory_space<vmem_shared>> -> memref<256x128xf32, #tpu.memory_space<vmem_shared>>
      %dma_start3A_30 = arith.constant 0 : i32
      %dma_start3A_31 = tpu.memref_slice %arg9[%add3A_9, %dma_start3A_30] : memref<10112x128xf32, #tpu.memory_space<vmem_shared>> -> memref<256x128xf32, #tpu.memory_space<vmem_shared>>
      %dma_start3A_32 = arith.constant 0 : i32
      %dma_start3A_33 = arith.constant 0 : i32
      %dma_start3A_34 = tpu.memref_slice %arg8[%dma_start3A_32, %dma_start3A_33] : memref<256x128xf32, #tpu.memory_space<vmem>> -> memref<256x128xf32, #tpu.memory_space<vmem>>
      tpu.enqueue_dma source(%dma_start3A_34 : memref<256x128xf32, #tpu.memory_space<vmem>>) target(%dma_start3A_31 : memref<256x128xf32, #tpu.memory_space<vmem_shared>>) target_semaphore(%run_scoped3A : memref<!tpu.dma_semaphore, #tpu.memory_space<semaphore_mem>>)
      %dma_wait3A = arith.constant 0 : i32
      %dma_wait3A_35 = arith.constant 0 : i32
      %dma_wait3A_36 = tpu.memref_slice %arg8[%dma_wait3A, %dma_wait3A_35] : memref<256x128xf32, #tpu.memory_space<vmem>> -> memref<256x128xf32, #tpu.memory_space<vmem>>
      %dma_wait3A_37 = arith.constant 0 : i32
      %dma_wait3A_38 = tpu.memref_slice %arg9[%add3A_9, %dma_wait3A_37] : memref<10112x128xf32, #tpu.memory_space<vmem_shared>> -> memref<256x128xf32, #tpu.memory_space<vmem_shared>>
      %dma_wait3A_39 = arith.constant 0 : i32
      %dma_wait3A_40 = tpu.memref_slice %arg9[%add3A_9, %dma_wait3A_39] : memref<10112x128xf32, #tpu.memory_space<vmem_shared>> -> memref<256x128xf32, #tpu.memory_space<vmem_shared>>
      %dma_wait3A_41 = arith.constant 0 : i32
      %dma_wait3A_42 = arith.constant 0 : i32
      %dma_wait3A_43 = tpu.memref_slice %arg8[%dma_wait3A_41, %dma_wait3A_42] : memref<256x128xf32, #tpu.memory_space<vmem>> -> memref<256x128xf32, #tpu.memory_space<vmem>>
      tpu.wait_dma2 semaphore(%run_scoped3A : memref<!tpu.dma_semaphore, #tpu.memory_space<semaphore_mem>>) src(%dma_wait3A_43 : memref<256x128xf32, #tpu.memory_space<vmem>>) dst(%dma_wait3A_40 : memref<256x128xf32, #tpu.memory_space<vmem_shared>>)
      tpu.yield
    }) : () -> ()
    %add3A_10 = arith.constant 256 : i32
    %add3A_11 = arith.addi %mul3A_7, %add3A_10 : i32
    "tpu.region"() ({
      %run_scoped3A = tpu.sem_alloc : memref<!tpu.dma_semaphore, #tpu.memory_space<semaphore_mem>>
      %dma_start3A = arith.constant 0 : i32
      %dma_start3A_26 = arith.constant 0 : i32
      %dma_start3A_27 = tpu.memref_slice %arg8[%dma_start3A, %dma_start3A_26] : memref<256x128xf32, #tpu.memory_space<vmem>> -> memref<256x128xf32, #tpu.memory_space<vmem>>
      %dma_start3A_28 = arith.constant 0 : i32
      %dma_start3A_29 = tpu.memref_slice %arg9[%add3A_11, %dma_start3A_28] : memref<10112x128xf32, #tpu.memory_space<vmem_shared>> -> memref<256x128xf32, #tpu.memory_space<vmem_shared>>
      %dma_start3A_30 = arith.constant 0 : i32
      %dma_start3A_31 = tpu.memref_slice %arg9[%add3A_11, %dma_start3A_30] : memref<10112x128xf32, #tpu.memory_space<vmem_shared>> -> memref<256x128xf32, #tpu.memory_space<vmem_shared>>
      %dma_start3A_32 = arith.constant 0 : i32
      %dma_start3A_33 = arith.constant 0 : i32
      %dma_start3A_34 = tpu.memref_slice %arg8[%dma_start3A_32, %dma_start3A_33] : memref<256x128xf32, #tpu.memory_space<vmem>> -> memref<256x128xf32, #tpu.memory_space<vmem>>
      tpu.enqueue_dma source(%dma_start3A_34 : memref<256x128xf32, #tpu.memory_space<vmem>>) target(%dma_start3A_31 : memref<256x128xf32, #tpu.memory_space<vmem_shared>>) target_semaphore(%run_scoped3A : memref<!tpu.dma_semaphore, #tpu.memory_space<semaphore_mem>>)
      %dma_wait3A = arith.constant 0 : i32
      %dma_wait3A_35 = arith.constant 0 : i32
      %dma_wait3A_36 = tpu.memref_slice %arg8[%dma_wait3A, %dma_wait3A_35] : memref<256x128xf32, #tpu.memory_space<vmem>> -> memref<256x128xf32, #tpu.memory_space<vmem>>
      %dma_wait3A_37 = arith.constant 0 : i32
      %dma_wait3A_38 = tpu.memref_slice %arg9[%add3A_11, %dma_wait3A_37] : memref<10112x128xf32, #tpu.memory_space<vmem_shared>> -> memref<256x128xf32, #tpu.memory_space<vmem_shared>>
      %dma_wait3A_39 = arith.constant 0 : i32
      %dma_wait3A_40 = tpu.memref_slice %arg9[%add3A_11, %dma_wait3A_39] : memref<10112x128xf32, #tpu.memory_space<vmem_shared>> -> memref<256x128xf32, #tpu.memory_space<vmem_shared>>
      %dma_wait3A_41 = arith.constant 0 : i32
      %dma_wait3A_42 = arith.constant 0 : i32
      %dma_wait3A_43 = tpu.memref_slice %arg8[%dma_wait3A_41, %dma_wait3A_42] : memref<256x128xf32, #tpu.memory_space<vmem>> -> memref<256x128xf32, #tpu.memory_space<vmem>>
      tpu.wait_dma2 semaphore(%run_scoped3A : memref<!tpu.dma_semaphore, #tpu.memory_space<semaphore_mem>>) src(%dma_wait3A_43 : memref<256x128xf32, #tpu.memory_space<vmem>>) dst(%dma_wait3A_40 : memref<256x128xf32, #tpu.memory_space<vmem_shared>>)
      tpu.yield
    }) : () -> ()
    %add3A_12 = arith.constant 512 : i32
    %add3A_13 = arith.addi %mul3A_7, %add3A_12 : i32
    "tpu.region"() ({
      %run_scoped3A = tpu.sem_alloc : memref<!tpu.dma_semaphore, #tpu.memory_space<semaphore_mem>>
      %dma_start3A = arith.constant 0 : i32
      %dma_start3A_26 = arith.constant 0 : i32
      %dma_start3A_27 = tpu.memref_slice %arg8[%dma_start3A, %dma_start3A_26] : memref<256x128xf32, #tpu.memory_space<vmem>> -> memref<120x128xf32, #tpu.memory_space<vmem>>
      %dma_start3A_28 = arith.constant 0 : i32
      %dma_start3A_29 = tpu.memref_slice %arg9[%add3A_13, %dma_start3A_28] : memref<10112x128xf32, #tpu.memory_space<vmem_shared>> -> memref<120x128xf32, #tpu.memory_space<vmem_shared>>
      %dma_start3A_30 = arith.constant 0 : i32
      %dma_start3A_31 = tpu.memref_slice %arg9[%add3A_13, %dma_start3A_30] : memref<10112x128xf32, #tpu.memory_space<vmem_shared>> -> memref<120x128xf32, #tpu.memory_space<vmem_shared>>
      %dma_start3A_32 = arith.constant 0 : i32
      %dma_start3A_33 = arith.constant 0 : i32
      %dma_start3A_34 = tpu.memref_slice %arg8[%dma_start3A_32, %dma_start3A_33] : memref<256x128xf32, #tpu.memory_space<vmem>> -> memref<120x128xf32, #tpu.memory_space<vmem>>
      tpu.enqueue_dma source(%dma_start3A_34 : memref<120x128xf32, #tpu.memory_space<vmem>>) target(%dma_start3A_31 : memref<120x128xf32, #tpu.memory_space<vmem_shared>>) target_semaphore(%run_scoped3A : memref<!tpu.dma_semaphore, #tpu.memory_space<semaphore_mem>>)
      %dma_wait3A = arith.constant 0 : i32
      %dma_wait3A_35 = arith.constant 0 : i32
      %dma_wait3A_36 = tpu.memref_slice %arg8[%dma_wait3A, %dma_wait3A_35] : memref<256x128xf32, #tpu.memory_space<vmem>> -> memref<120x128xf32, #tpu.memory_space<vmem>>
      %dma_wait3A_37 = arith.constant 0 : i32
      %dma_wait3A_38 = tpu.memref_slice %arg9[%add3A_13, %dma_wait3A_37] : memref<10112x128xf32, #tpu.memory_space<vmem_shared>> -> memref<120x128xf32, #tpu.memory_space<vmem_shared>>
      %dma_wait3A_39 = arith.constant 0 : i32
      %dma_wait3A_40 = tpu.memref_slice %arg9[%add3A_13, %dma_wait3A_39] : memref<10112x128xf32, #tpu.memory_space<vmem_shared>> -> memref<120x128xf32, #tpu.memory_space<vmem_shared>>
      %dma_wait3A_41 = arith.constant 0 : i32
      %dma_wait3A_42 = arith.constant 0 : i32
      %dma_wait3A_43 = tpu.memref_slice %arg8[%dma_wait3A_41, %dma_wait3A_42] : memref<256x128xf32, #tpu.memory_space<vmem>> -> memref<120x128xf32, #tpu.memory_space<vmem>>
      tpu.wait_dma2 semaphore(%run_scoped3A : memref<!tpu.dma_semaphore, #tpu.memory_space<semaphore_mem>>) src(%dma_wait3A_43 : memref<120x128xf32, #tpu.memory_space<vmem>>) dst(%dma_wait3A_40 : memref<120x128xf32, #tpu.memory_space<vmem_shared>>)
      tpu.yield
    }) : () -> ()
    %barrier3A = arith.constant 0 : index
    tpu.barrier barrier_id(%barrier3A)
    %scan3A_14 = arith.constant 0 : i32
    %scan3A_15 = arith.constant 40 : i32
    %scan3A_16 = arith.addi %scan3A_14, %scan3A_15 : i32
    %scan3A_17 = arith.constant 1 : i32
    scf.for %scan3A_26 = %scan3A_14 to %scan3A_16 step %scan3A_17  : i32 {
      %mul3A_27 = arith.constant 10240 : i32
      %mul3A_28 = arith.muli %add3A, %mul3A_27 : i32
      %mul3A_29 = arith.constant 256 : i32
      %mul3A_30 = arith.muli %scan3A_26, %mul3A_29 : i32
      %add3A_31 = arith.addi %mul3A_28, %mul3A_30 : i32
      %multiple_of3A = tpu.assume_multiple %add3A_31, 8 : i32
      "tpu.region"() ({
        %run_scoped3A_43 = tpu.sem_alloc : memref<!tpu.dma_semaphore, #tpu.memory_space<semaphore_mem>>
        %dma_start3A_44 = tpu.memref_slice %arg3[%multiple_of3A] : memref<327680xi32, #tpu.memory_space<hbm>> -> memref<256xi32, #tpu.memory_space<hbm>>
        %dma_start3A_45 = tpu.memref_slice %arg3[%multiple_of3A] : memref<327680xi32, #tpu.memory_space<hbm>> -> memref<256xi32, #tpu.memory_space<hbm>>
        tpu.enqueue_dma source(%dma_start3A_45 : memref<256xi32, #tpu.memory_space<hbm>>) target(%arg6 : memref<256xi32, #tpu.memory_space<vmem>>) target_semaphore(%run_scoped3A_43 : memref<!tpu.dma_semaphore, #tpu.memory_space<semaphore_mem>>)
        %dma_wait3A_46 = tpu.memref_slice %arg3[%multiple_of3A] : memref<327680xi32, #tpu.memory_space<hbm>> -> memref<256xi32, #tpu.memory_space<hbm>>
        %dma_wait3A_47 = tpu.memref_slice %arg3[%multiple_of3A] : memref<327680xi32, #tpu.memory_space<hbm>> -> memref<256xi32, #tpu.memory_space<hbm>>
        tpu.wait_dma2 semaphore(%run_scoped3A_43 : memref<!tpu.dma_semaphore, #tpu.memory_space<semaphore_mem>>) src(%dma_wait3A_47 : memref<256xi32, #tpu.memory_space<hbm>>) dst(%arg6 : memref<256xi32, #tpu.memory_space<vmem>>)
        tpu.yield
      }) : () -> ()
      %add3A_32 = arith.constant 0 : i32
      %add3A_33 = arith.addi %multiple_of3A, %add3A_32 : i32
      %run_scoped3A = arith.constant 0 : i32
      "tpu.region"() ({
        %run_scoped3A_43 = tpu.sem_alloc : memref<!tpu.dma_semaphore, #tpu.memory_space<semaphore_mem>>
        %dma_start3A_44 = arith.constant 0 : i32
        %dma_start3A_45 = tpu.memref_slice %arg7[%run_scoped3A, %dma_start3A_44] : memref<2x128xi32, #tpu.memory_space<vmem>> -> memref<1x128xi32, #tpu.memory_space<vmem>>
        %dma_start3A_46 = tpu.memref_squeeze %dma_start3A_45 : memref<1x128xi32, #tpu.memory_space<vmem>> -> memref<128xi32, #tpu.memory_space<vmem>>
        %dma_start3A_47 = tpu.memref_slice %arg4[%add3A_33] : memref<327680xi32, #tpu.memory_space<hbm>> -> memref<128xi32, #tpu.memory_space<hbm>>
        %dma_start3A_48 = arith.constant 0 : i32
        %dma_start3A_49 = tpu.memref_slice %arg7[%run_scoped3A, %dma_start3A_48] : memref<2x128xi32, #tpu.memory_space<vmem>> -> memref<1x128xi32, #tpu.memory_space<vmem>>
        %dma_start3A_50 = tpu.memref_squeeze %dma_start3A_49 : memref<1x128xi32, #tpu.memory_space<vmem>> -> memref<128xi32, #tpu.memory_space<vmem>>
        %dma_start3A_51 = tpu.memref_slice %arg4[%add3A_33] : memref<327680xi32, #tpu.memory_space<hbm>> -> memref<128xi32, #tpu.memory_space<hbm>>
        tpu.enqueue_dma source(%dma_start3A_51 : memref<128xi32, #tpu.memory_space<hbm>>) target(%dma_start3A_50 : memref<128xi32, #tpu.memory_space<vmem>>) target_semaphore(%run_scoped3A_43 : memref<!tpu.dma_semaphore, #tpu.memory_space<semaphore_mem>>)
        %dma_wait3A_52 = arith.constant 0 : i32
        %dma_wait3A_53 = tpu.memref_slice %arg7[%run_scoped3A, %dma_wait3A_52] : memref<2x128xi32, #tpu.memory_space<vmem>> -> memref<1x128xi32, #tpu.memory_space<vmem>>
        %dma_wait3A_54 = tpu.memref_squeeze %dma_wait3A_53 : memref<1x128xi32, #tpu.memory_space<vmem>> -> memref<128xi32, #tpu.memory_space<vmem>>
        %dma_wait3A_55 = tpu.memref_slice %arg4[%add3A_33] : memref<327680xi32, #tpu.memory_space<hbm>> -> memref<128xi32, #tpu.memory_space<hbm>>
        %dma_wait3A_56 = arith.constant 0 : i32
        %dma_wait3A_57 = tpu.memref_slice %arg7[%run_scoped3A, %dma_wait3A_56] : memref<2x128xi32, #tpu.memory_space<vmem>> -> memref<1x128xi32, #tpu.memory_space<vmem>>
        %dma_wait3A_58 = tpu.memref_squeeze %dma_wait3A_57 : memref<1x128xi32, #tpu.memory_space<vmem>> -> memref<128xi32, #tpu.memory_space<vmem>>
        %dma_wait3A_59 = tpu.memref_slice %arg4[%add3A_33] : memref<327680xi32, #tpu.memory_space<hbm>> -> memref<128xi32, #tpu.memory_space<hbm>>
        tpu.wait_dma2 semaphore(%run_scoped3A_43 : memref<!tpu.dma_semaphore, #tpu.memory_space<semaphore_mem>>) src(%dma_wait3A_59 : memref<128xi32, #tpu.memory_space<hbm>>) dst(%dma_wait3A_58 : memref<128xi32, #tpu.memory_space<vmem>>)
        tpu.yield
      }) : () -> ()
      %add3A_34 = arith.constant 128 : i32
      %add3A_35 = arith.addi %multiple_of3A, %add3A_34 : i32
      %run_scoped3A_36 = arith.constant 1 : i32
      "tpu.region"() ({
        %run_scoped3A_43 = tpu.sem_alloc : memref<!tpu.dma_semaphore, #tpu.memory_space<semaphore_mem>>
        %dma_start3A_44 = arith.constant 0 : i32
        %dma_start3A_45 = tpu.memref_slice %arg7[%run_scoped3A_36, %dma_start3A_44] : memref<2x128xi32, #tpu.memory_space<vmem>> -> memref<1x128xi32, #tpu.memory_space<vmem>>
        %dma_start3A_46 = tpu.memref_squeeze %dma_start3A_45 : memref<1x128xi32, #tpu.memory_space<vmem>> -> memref<128xi32, #tpu.memory_space<vmem>>
        %dma_start3A_47 = tpu.memref_slice %arg4[%add3A_35] : memref<327680xi32, #tpu.memory_space<hbm>> -> memref<128xi32, #tpu.memory_space<hbm>>
        %dma_start3A_48 = arith.constant 0 : i32
        %dma_start3A_49 = tpu.memref_slice %arg7[%run_scoped3A_36, %dma_start3A_48] : memref<2x128xi32, #tpu.memory_space<vmem>> -> memref<1x128xi32, #tpu.memory_space<vmem>>
        %dma_start3A_50 = tpu.memref_squeeze %dma_start3A_49 : memref<1x128xi32, #tpu.memory_space<vmem>> -> memref<128xi32, #tpu.memory_space<vmem>>
        %dma_start3A_51 = tpu.memref_slice %arg4[%add3A_35] : memref<327680xi32, #tpu.memory_space<hbm>> -> memref<128xi32, #tpu.memory_space<hbm>>
        tpu.enqueue_dma source(%dma_start3A_51 : memref<128xi32, #tpu.memory_space<hbm>>) target(%dma_start3A_50 : memref<128xi32, #tpu.memory_space<vmem>>) target_semaphore(%run_scoped3A_43 : memref<!tpu.dma_semaphore, #tpu.memory_space<semaphore_mem>>)
        %dma_wait3A_52 = arith.constant 0 : i32
        %dma_wait3A_53 = tpu.memref_slice %arg7[%run_scoped3A_36, %dma_wait3A_52] : memref<2x128xi32, #tpu.memory_space<vmem>> -> memref<1x128xi32, #tpu.memory_space<vmem>>
        %dma_wait3A_54 = tpu.memref_squeeze %dma_wait3A_53 : memref<1x128xi32, #tpu.memory_space<vmem>> -> memref<128xi32, #tpu.memory_space<vmem>>
        %dma_wait3A_55 = tpu.memref_slice %arg4[%add3A_35] : memref<327680xi32, #tpu.memory_space<hbm>> -> memref<128xi32, #tpu.memory_space<hbm>>
        %dma_wait3A_56 = arith.constant 0 : i32
        %dma_wait3A_57 = tpu.memref_slice %arg7[%run_scoped3A_36, %dma_wait3A_56] : memref<2x128xi32, #tpu.memory_space<vmem>> -> memref<1x128xi32, #tpu.memory_space<vmem>>
        %dma_wait3A_58 = tpu.memref_squeeze %dma_wait3A_57 : memref<1x128xi32, #tpu.memory_space<vmem>> -> memref<128xi32, #tpu.memory_space<vmem>>
        %dma_wait3A_59 = tpu.memref_slice %arg4[%add3A_35] : memref<327680xi32, #tpu.memory_space<hbm>> -> memref<128xi32, #tpu.memory_space<hbm>>
        tpu.wait_dma2 semaphore(%run_scoped3A_43 : memref<!tpu.dma_semaphore, #tpu.memory_space<semaphore_mem>>) src(%dma_wait3A_59 : memref<128xi32, #tpu.memory_space<hbm>>) dst(%dma_wait3A_58 : memref<128xi32, #tpu.memory_space<vmem>>)
        tpu.yield
      }) : () -> ()
      %dma_start3A = arith.constant 0 : i32
      %dma_start3A_37 = arith.constant 0 : i32
      %dma_start3A_38 = tpu.memref_slice %arg2[%dma_start3A, %dma_start3A_37] : memref<10112x128xf32, #tpu.memory_space<hbm>> -> memref<10112x128xf32, #tpu.memory_space<hbm>>
      tpu.enqueue_indirect_dma source(%dma_start3A_38 : memref<10112x128xf32, #tpu.memory_space<hbm>>) target(%arg8 : memref<256x128xf32, #tpu.memory_space<vmem>>) offsets(%arg6 : memref<256xi32, #tpu.memory_space<vmem>>) semaphore(%arg10 : memref<!tpu.dma_semaphore, #tpu.memory_space<semaphore_mem>>)
      %dma_wait3A = arith.constant 0 : i32
      %dma_wait3A_39 = arith.constant 0 : i32
      %dma_wait3A_40 = tpu.memref_slice %arg2[%dma_wait3A, %dma_wait3A_39] : memref<10112x128xf32, #tpu.memory_space<hbm>> -> memref<10112x128xf32, #tpu.memory_space<hbm>>
      tpu.wait_indirect_dma semaphore(%arg10 : memref<!tpu.dma_semaphore, #tpu.memory_space<semaphore_mem>>) src(%dma_wait3A_40 : memref<10112x128xf32, #tpu.memory_space<hbm>>) dst(%arg8 : memref<256x128xf32, #tpu.memory_space<vmem>>)
      %run_scoped3A_41 = arith.constant 0 : i32
      "tpu.region"() ({
        %run_scoped3A_43 = tpu.sem_alloc : memref<!tpu.dma_semaphore, #tpu.memory_space<semaphore_mem>>
        %dma_start3A_44 = arith.constant 0 : i32
        %dma_start3A_45 = arith.constant 0 : i32
        %dma_start3A_46 = tpu.memref_slice %arg8[%dma_start3A_44, %dma_start3A_45] : memref<256x128xf32, #tpu.memory_space<vmem>> -> memref<128x128xf32, #tpu.memory_space<vmem>>
        %dma_start3A_47 = arith.constant 0 : i32
        %dma_start3A_48 = tpu.memref_slice %arg7[%run_scoped3A_41, %dma_start3A_47] : memref<2x128xi32, #tpu.memory_space<vmem>> -> memref<1x128xi32, #tpu.memory_space<vmem>>
        %dma_start3A_49 = tpu.memref_squeeze %dma_start3A_48 : memref<1x128xi32, #tpu.memory_space<vmem>> -> memref<128xi32, #tpu.memory_space<vmem>>
        %dma_start3A_50 = arith.constant 0 : i32
        %dma_start3A_51 = arith.constant 0 : i32
        %dma_start3A_52 = tpu.memref_slice %arg9[%dma_start3A_50, %dma_start3A_51] : memref<10112x128xf32, #tpu.memory_space<vmem_shared>> -> memref<10112x128xf32, #tpu.memory_space<vmem_shared>>
        tpu.enqueue_indirect_dma source(%dma_start3A_46 : memref<128x128xf32, #tpu.memory_space<vmem>>) target(%dma_start3A_52 : memref<10112x128xf32, #tpu.memory_space<vmem_shared>>) offsets(%dma_start3A_49 : memref<128xi32, #tpu.memory_space<vmem>>) semaphore(%run_scoped3A_43 : memref<!tpu.dma_semaphore, #tpu.memory_space<semaphore_mem>>) {add = true}
        %dma_wait3A_53 = arith.constant 0 : i32
        %dma_wait3A_54 = arith.constant 0 : i32
        %dma_wait3A_55 = tpu.memref_slice %arg8[%dma_wait3A_53, %dma_wait3A_54] : memref<256x128xf32, #tpu.memory_space<vmem>> -> memref<128x128xf32, #tpu.memory_space<vmem>>
        %dma_wait3A_56 = arith.constant 0 : i32
        %dma_wait3A_57 = tpu.memref_slice %arg7[%run_scoped3A_41, %dma_wait3A_56] : memref<2x128xi32, #tpu.memory_space<vmem>> -> memref<1x128xi32, #tpu.memory_space<vmem>>
        %dma_wait3A_58 = tpu.memref_squeeze %dma_wait3A_57 : memref<1x128xi32, #tpu.memory_space<vmem>> -> memref<128xi32, #tpu.memory_space<vmem>>
        %dma_wait3A_59 = arith.constant 0 : i32
        %dma_wait3A_60 = arith.constant 0 : i32
        %dma_wait3A_61 = tpu.memref_slice %arg9[%dma_wait3A_59, %dma_wait3A_60] : memref<10112x128xf32, #tpu.memory_space<vmem_shared>> -> memref<10112x128xf32, #tpu.memory_space<vmem_shared>>
        tpu.wait_indirect_dma semaphore(%run_scoped3A_43 : memref<!tpu.dma_semaphore, #tpu.memory_space<semaphore_mem>>) src(%dma_wait3A_55 : memref<128x128xf32, #tpu.memory_space<vmem>>) dst(%dma_wait3A_61 : memref<10112x128xf32, #tpu.memory_space<vmem_shared>>)
        tpu.yield
      }) : () -> ()
      %run_scoped3A_42 = arith.constant 1 : i32
      "tpu.region"() ({
        %run_scoped3A_43 = tpu.sem_alloc : memref<!tpu.dma_semaphore, #tpu.memory_space<semaphore_mem>>
        %dma_start3A_44 = arith.constant 128 : i32
        %dma_start3A_45 = arith.constant 0 : i32
        %dma_start3A_46 = tpu.memref_slice %arg8[%dma_start3A_44, %dma_start3A_45] : memref<256x128xf32, #tpu.memory_space<vmem>> -> memref<128x128xf32, #tpu.memory_space<vmem>>
        %dma_start3A_47 = arith.constant 0 : i32
        %dma_start3A_48 = tpu.memref_slice %arg7[%run_scoped3A_42, %dma_start3A_47] : memref<2x128xi32, #tpu.memory_space<vmem>> -> memref<1x128xi32, #tpu.memory_space<vmem>>
        %dma_start3A_49 = tpu.memref_squeeze %dma_start3A_48 : memref<1x128xi32, #tpu.memory_space<vmem>> -> memref<128xi32, #tpu.memory_space<vmem>>
        %dma_start3A_50 = arith.constant 0 : i32
        %dma_start3A_51 = arith.constant 0 : i32
        %dma_start3A_52 = tpu.memref_slice %arg9[%dma_start3A_50, %dma_start3A_51] : memref<10112x128xf32, #tpu.memory_space<vmem_shared>> -> memref<10112x128xf32, #tpu.memory_space<vmem_shared>>
        tpu.enqueue_indirect_dma source(%dma_start3A_46 : memref<128x128xf32, #tpu.memory_space<vmem>>) target(%dma_start3A_52 : memref<10112x128xf32, #tpu.memory_space<vmem_shared>>) offsets(%dma_start3A_49 : memref<128xi32, #tpu.memory_space<vmem>>) semaphore(%run_scoped3A_43 : memref<!tpu.dma_semaphore, #tpu.memory_space<semaphore_mem>>) {add = true}
        %dma_wait3A_53 = arith.constant 128 : i32
        %dma_wait3A_54 = arith.constant 0 : i32
        %dma_wait3A_55 = tpu.memref_slice %arg8[%dma_wait3A_53, %dma_wait3A_54] : memref<256x128xf32, #tpu.memory_space<vmem>> -> memref<128x128xf32, #tpu.memory_space<vmem>>
        %dma_wait3A_56 = arith.constant 0 : i32
        %dma_wait3A_57 = tpu.memref_slice %arg7[%run_scoped3A_42, %dma_wait3A_56] : memref<2x128xi32, #tpu.memory_space<vmem>> -> memref<1x128xi32, #tpu.memory_space<vmem>>
        %dma_wait3A_58 = tpu.memref_squeeze %dma_wait3A_57 : memref<1x128xi32, #tpu.memory_space<vmem>> -> memref<128xi32, #tpu.memory_space<vmem>>
        %dma_wait3A_59 = arith.constant 0 : i32
        %dma_wait3A_60 = arith.constant 0 : i32
        %dma_wait3A_61 = tpu.memref_slice %arg9[%dma_wait3A_59, %dma_wait3A_60] : memref<10112x128xf32, #tpu.memory_space<vmem_shared>> -> memref<10112x128xf32, #tpu.memory_space<vmem_shared>>
        tpu.wait_indirect_dma semaphore(%run_scoped3A_43 : memref<!tpu.dma_semaphore, #tpu.memory_space<semaphore_mem>>) src(%dma_wait3A_55 : memref<128x128xf32, #tpu.memory_space<vmem>>) dst(%dma_wait3A_61 : memref<10112x128xf32, #tpu.memory_space<vmem_shared>>)
        tpu.yield
      }) : () -> ()
    }
    %scan3A_18 = arith.constant 40 : i32
    %barrier3A_19 = arith.constant 0 : index
    tpu.barrier barrier_id(%barrier3A_19)
    %add3A_20 = arith.constant 0 : i32
    %add3A_21 = arith.addi %mul3A_7, %add3A_20 : i32
    "tpu.region"() ({
      %run_scoped3A = tpu.sem_alloc : memref<!tpu.dma_semaphore, #tpu.memory_space<semaphore_mem>>
      %dma_start3A = arith.constant 0 : i32
      %dma_start3A_26 = arith.constant 0 : i32
      %dma_start3A_27 = tpu.memref_slice %arg8[%dma_start3A, %dma_start3A_26] : memref<256x128xf32, #tpu.memory_space<vmem>> -> memref<256x128xf32, #tpu.memory_space<vmem>>
      %dma_start3A_28 = arith.constant 0 : i32
      %dma_start3A_29 = tpu.memref_slice %arg9[%add3A_21, %dma_start3A_28] : memref<10112x128xf32, #tpu.memory_space<vmem_shared>> -> memref<256x128xf32, #tpu.memory_space<vmem_shared>>
      %dma_start3A_30 = arith.constant 0 : i32
      %dma_start3A_31 = arith.constant 0 : i32
      %dma_start3A_32 = tpu.memref_slice %arg8[%dma_start3A_30, %dma_start3A_31] : memref<256x128xf32, #tpu.memory_space<vmem>> -> memref<256x128xf32, #tpu.memory_space<vmem>>
      %dma_start3A_33 = arith.constant 0 : i32
      %dma_start3A_34 = tpu.memref_slice %arg9[%add3A_21, %dma_start3A_33] : memref<10112x128xf32, #tpu.memory_space<vmem_shared>> -> memref<256x128xf32, #tpu.memory_space<vmem_shared>>
      tpu.enqueue_dma source(%dma_start3A_34 : memref<256x128xf32, #tpu.memory_space<vmem_shared>>) target(%dma_start3A_32 : memref<256x128xf32, #tpu.memory_space<vmem>>) target_semaphore(%run_scoped3A : memref<!tpu.dma_semaphore, #tpu.memory_space<semaphore_mem>>)
      %dma_wait3A = arith.constant 0 : i32
      %dma_wait3A_35 = arith.constant 0 : i32
      %dma_wait3A_36 = tpu.memref_slice %arg8[%dma_wait3A, %dma_wait3A_35] : memref<256x128xf32, #tpu.memory_space<vmem>> -> memref<256x128xf32, #tpu.memory_space<vmem>>
      %dma_wait3A_37 = arith.constant 0 : i32
      %dma_wait3A_38 = tpu.memref_slice %arg9[%add3A_21, %dma_wait3A_37] : memref<10112x128xf32, #tpu.memory_space<vmem_shared>> -> memref<256x128xf32, #tpu.memory_space<vmem_shared>>
      %dma_wait3A_39 = arith.constant 0 : i32
      %dma_wait3A_40 = arith.constant 0 : i32
      %dma_wait3A_41 = tpu.memref_slice %arg8[%dma_wait3A_39, %dma_wait3A_40] : memref<256x128xf32, #tpu.memory_space<vmem>> -> memref<256x128xf32, #tpu.memory_space<vmem>>
      %dma_wait3A_42 = arith.constant 0 : i32
      %dma_wait3A_43 = tpu.memref_slice %arg9[%add3A_21, %dma_wait3A_42] : memref<10112x128xf32, #tpu.memory_space<vmem_shared>> -> memref<256x128xf32, #tpu.memory_space<vmem_shared>>
      tpu.wait_dma2 semaphore(%run_scoped3A : memref<!tpu.dma_semaphore, #tpu.memory_space<semaphore_mem>>) src(%dma_wait3A_43 : memref<256x128xf32, #tpu.memory_space<vmem_shared>>) dst(%dma_wait3A_41 : memref<256x128xf32, #tpu.memory_space<vmem>>)
      tpu.yield
    }) : () -> ()
    "tpu.region"() ({
      %run_scoped3A = tpu.sem_alloc : memref<!tpu.dma_semaphore, #tpu.memory_space<semaphore_mem>>
      %dma_start3A = arith.constant 0 : i32
      %dma_start3A_26 = arith.constant 0 : i32
      %dma_start3A_27 = tpu.memref_slice %arg8[%dma_start3A, %dma_start3A_26] : memref<256x128xf32, #tpu.memory_space<vmem>> -> memref<256x128xf32, #tpu.memory_space<vmem>>
      %dma_start3A_28 = arith.constant 0 : i32
      %dma_start3A_29 = tpu.memref_slice %arg5[%arg0, %add3A_21, %dma_start3A_28] : memref<2x10112x128xf32, #tpu.memory_space<hbm>> -> memref<1x256x128xf32, #tpu.memory_space<hbm>>
      %dma_start3A_30 = tpu.memref_squeeze %dma_start3A_29 : memref<1x256x128xf32, #tpu.memory_space<hbm>> -> memref<256x128xf32, #tpu.memory_space<hbm>>
      %dma_start3A_31 = arith.constant 0 : i32
      %dma_start3A_32 = tpu.memref_slice %arg5[%arg0, %add3A_21, %dma_start3A_31] : memref<2x10112x128xf32, #tpu.memory_space<hbm>> -> memref<1x256x128xf32, #tpu.memory_space<hbm>>
      %dma_start3A_33 = tpu.memref_squeeze %dma_start3A_32 : memref<1x256x128xf32, #tpu.memory_space<hbm>> -> memref<256x128xf32, #tpu.memory_space<hbm>>
      %dma_start3A_34 = arith.constant 0 : i32
      %dma_start3A_35 = arith.constant 0 : i32
      %dma_start3A_36 = tpu.memref_slice %arg8[%dma_start3A_34, %dma_start3A_35] : memref<256x128xf32, #tpu.memory_space<vmem>> -> memref<256x128xf32, #tpu.memory_space<vmem>>
      tpu.enqueue_dma source(%dma_start3A_36 : memref<256x128xf32, #tpu.memory_space<vmem>>) target(%dma_start3A_33 : memref<256x128xf32, #tpu.memory_space<hbm>>) target_semaphore(%run_scoped3A : memref<!tpu.dma_semaphore, #tpu.memory_space<semaphore_mem>>)
      %dma_wait3A = arith.constant 0 : i32
      %dma_wait3A_37 = arith.constant 0 : i32
      %dma_wait3A_38 = tpu.memref_slice %arg8[%dma_wait3A, %dma_wait3A_37] : memref<256x128xf32, #tpu.memory_space<vmem>> -> memref<256x128xf32, #tpu.memory_space<vmem>>
      %dma_wait3A_39 = arith.constant 0 : i32
      %dma_wait3A_40 = tpu.memref_slice %arg5[%arg0, %add3A_21, %dma_wait3A_39] : memref<2x10112x128xf32, #tpu.memory_space<hbm>> -> memref<1x256x128xf32, #tpu.memory_space<hbm>>
      %dma_wait3A_41 = tpu.memref_squeeze %dma_wait3A_40 : memref<1x256x128xf32, #tpu.memory_space<hbm>> -> memref<256x128xf32, #tpu.memory_space<hbm>>
      %dma_wait3A_42 = arith.constant 0 : i32
      %dma_wait3A_43 = tpu.memref_slice %arg5[%arg0, %add3A_21, %dma_wait3A_42] : memref<2x10112x128xf32, #tpu.memory_space<hbm>> -> memref<1x256x128xf32, #tpu.memory_space<hbm>>
      %dma_wait3A_44 = tpu.memref_squeeze %dma_wait3A_43 : memref<1x256x128xf32, #tpu.memory_space<hbm>> -> memref<256x128xf32, #tpu.memory_space<hbm>>
      %dma_wait3A_45 = arith.constant 0 : i32
      %dma_wait3A_46 = arith.constant 0 : i32
      %dma_wait3A_47 = tpu.memref_slice %arg8[%dma_wait3A_45, %dma_wait3A_46] : memref<256x128xf32, #tpu.memory_space<vmem>> -> memref<256x128xf32, #tpu.memory_space<vmem>>
      tpu.wait_dma2 semaphore(%run_scoped3A : memref<!tpu.dma_semaphore, #tpu.memory_space<semaphore_mem>>) src(%dma_wait3A_47 : memref<256x128xf32, #tpu.memory_space<vmem>>) dst(%dma_wait3A_44 : memref<256x128xf32, #tpu.memory_space<hbm>>)
      tpu.yield
    }) : () -> ()
    %add3A_22 = arith.constant 256 : i32
    %add3A_23 = arith.addi %mul3A_7, %add3A_22 : i32
    "tpu.region"() ({
      %run_scoped3A = tpu.sem_alloc : memref<!tpu.dma_semaphore, #tpu.memory_space<semaphore_mem>>
      %dma_start3A = arith.constant 0 : i32
      %dma_start3A_26 = arith.constant 0 : i32
      %dma_start3A_27 = tpu.memref_slice %arg8[%dma_start3A, %dma_start3A_26] : memref<256x128xf32, #tpu.memory_space<vmem>> -> memref<256x128xf32, #tpu.memory_space<vmem>>
      %dma_start3A_28 = arith.constant 0 : i32
      %dma_start3A_29 = tpu.memref_slice %arg9[%add3A_23, %dma_start3A_28] : memref<10112x128xf32, #tpu.memory_space<vmem_shared>> -> memref<256x128xf32, #tpu.memory_space<vmem_shared>>
      %dma_start3A_30 = arith.constant 0 : i32
      %dma_start3A_31 = arith.constant 0 : i32
      %dma_start3A_32 = tpu.memref_slice %arg8[%dma_start3A_30, %dma_start3A_31] : memref<256x128xf32, #tpu.memory_space<vmem>> -> memref<256x128xf32, #tpu.memory_space<vmem>>
      %dma_start3A_33 = arith.constant 0 : i32
      %dma_start3A_34 = tpu.memref_slice %arg9[%add3A_23, %dma_start3A_33] : memref<10112x128xf32, #tpu.memory_space<vmem_shared>> -> memref<256x128xf32, #tpu.memory_space<vmem_shared>>
      tpu.enqueue_dma source(%dma_start3A_34 : memref<256x128xf32, #tpu.memory_space<vmem_shared>>) target(%dma_start3A_32 : memref<256x128xf32, #tpu.memory_space<vmem>>) target_semaphore(%run_scoped3A : memref<!tpu.dma_semaphore, #tpu.memory_space<semaphore_mem>>)
      %dma_wait3A = arith.constant 0 : i32
      %dma_wait3A_35 = arith.constant 0 : i32
      %dma_wait3A_36 = tpu.memref_slice %arg8[%dma_wait3A, %dma_wait3A_35] : memref<256x128xf32, #tpu.memory_space<vmem>> -> memref<256x128xf32, #tpu.memory_space<vmem>>
      %dma_wait3A_37 = arith.constant 0 : i32
      %dma_wait3A_38 = tpu.memref_slice %arg9[%add3A_23, %dma_wait3A_37] : memref<10112x128xf32, #tpu.memory_space<vmem_shared>> -> memref<256x128xf32, #tpu.memory_space<vmem_shared>>
      %dma_wait3A_39 = arith.constant 0 : i32
      %dma_wait3A_40 = arith.constant 0 : i32
      %dma_wait3A_41 = tpu.memref_slice %arg8[%dma_wait3A_39, %dma_wait3A_40] : memref<256x128xf32, #tpu.memory_space<vmem>> -> memref<256x128xf32, #tpu.memory_space<vmem>>
      %dma_wait3A_42 = arith.constant 0 : i32
      %dma_wait3A_43 = tpu.memref_slice %arg9[%add3A_23, %dma_wait3A_42] : memref<10112x128xf32, #tpu.memory_space<vmem_shared>> -> memref<256x128xf32, #tpu.memory_space<vmem_shared>>
      tpu.wait_dma2 semaphore(%run_scoped3A : memref<!tpu.dma_semaphore, #tpu.memory_space<semaphore_mem>>) src(%dma_wait3A_43 : memref<256x128xf32, #tpu.memory_space<vmem_shared>>) dst(%dma_wait3A_41 : memref<256x128xf32, #tpu.memory_space<vmem>>)
      tpu.yield
    }) : () -> ()
    "tpu.region"() ({
      %run_scoped3A = tpu.sem_alloc : memref<!tpu.dma_semaphore, #tpu.memory_space<semaphore_mem>>
      %dma_start3A = arith.constant 0 : i32
      %dma_start3A_26 = arith.constant 0 : i32
      %dma_start3A_27 = tpu.memref_slice %arg8[%dma_start3A, %dma_start3A_26] : memref<256x128xf32, #tpu.memory_space<vmem>> -> memref<256x128xf32, #tpu.memory_space<vmem>>
      %dma_start3A_28 = arith.constant 0 : i32
      %dma_start3A_29 = tpu.memref_slice %arg5[%arg0, %add3A_23, %dma_start3A_28] : memref<2x10112x128xf32, #tpu.memory_space<hbm>> -> memref<1x256x128xf32, #tpu.memory_space<hbm>>
      %dma_start3A_30 = tpu.memref_squeeze %dma_start3A_29 : memref<1x256x128xf32, #tpu.memory_space<hbm>> -> memref<256x128xf32, #tpu.memory_space<hbm>>
      %dma_start3A_31 = arith.constant 0 : i32
      %dma_start3A_32 = tpu.memref_slice %arg5[%arg0, %add3A_23, %dma_start3A_31] : memref<2x10112x128xf32, #tpu.memory_space<hbm>> -> memref<1x256x128xf32, #tpu.memory_space<hbm>>
      %dma_start3A_33 = tpu.memref_squeeze %dma_start3A_32 : memref<1x256x128xf32, #tpu.memory_space<hbm>> -> memref<256x128xf32, #tpu.memory_space<hbm>>
      %dma_start3A_34 = arith.constant 0 : i32
      %dma_start3A_35 = arith.constant 0 : i32
      %dma_start3A_36 = tpu.memref_slice %arg8[%dma_start3A_34, %dma_start3A_35] : memref<256x128xf32, #tpu.memory_space<vmem>> -> memref<256x128xf32, #tpu.memory_space<vmem>>
      tpu.enqueue_dma source(%dma_start3A_36 : memref<256x128xf32, #tpu.memory_space<vmem>>) target(%dma_start3A_33 : memref<256x128xf32, #tpu.memory_space<hbm>>) target_semaphore(%run_scoped3A : memref<!tpu.dma_semaphore, #tpu.memory_space<semaphore_mem>>)
      %dma_wait3A = arith.constant 0 : i32
      %dma_wait3A_37 = arith.constant 0 : i32
      %dma_wait3A_38 = tpu.memref_slice %arg8[%dma_wait3A, %dma_wait3A_37] : memref<256x128xf32, #tpu.memory_space<vmem>> -> memref<256x128xf32, #tpu.memory_space<vmem>>
      %dma_wait3A_39 = arith.constant 0 : i32
      %dma_wait3A_40 = tpu.memref_slice %arg5[%arg0, %add3A_23, %dma_wait3A_39] : memref<2x10112x128xf32, #tpu.memory_space<hbm>> -> memref<1x256x128xf32, #tpu.memory_space<hbm>>
      %dma_wait3A_41 = tpu.memref_squeeze %dma_wait3A_40 : memref<1x256x128xf32, #tpu.memory_space<hbm>> -> memref<256x128xf32, #tpu.memory_space<hbm>>
      %dma_wait3A_42 = arith.constant 0 : i32
      %dma_wait3A_43 = tpu.memref_slice %arg5[%arg0, %add3A_23, %dma_wait3A_42] : memref<2x10112x128xf32, #tpu.memory_space<hbm>> -> memref<1x256x128xf32, #tpu.memory_space<hbm>>
      %dma_wait3A_44 = tpu.memref_squeeze %dma_wait3A_43 : memref<1x256x128xf32, #tpu.memory_space<hbm>> -> memref<256x128xf32, #tpu.memory_space<hbm>>
      %dma_wait3A_45 = arith.constant 0 : i32
      %dma_wait3A_46 = arith.constant 0 : i32
      %dma_wait3A_47 = tpu.memref_slice %arg8[%dma_wait3A_45, %dma_wait3A_46] : memref<256x128xf32, #tpu.memory_space<vmem>> -> memref<256x128xf32, #tpu.memory_space<vmem>>
      tpu.wait_dma2 semaphore(%run_scoped3A : memref<!tpu.dma_semaphore, #tpu.memory_space<semaphore_mem>>) src(%dma_wait3A_47 : memref<256x128xf32, #tpu.memory_space<vmem>>) dst(%dma_wait3A_44 : memref<256x128xf32, #tpu.memory_space<hbm>>)
      tpu.yield
    }) : () -> ()
    %add3A_24 = arith.constant 512 : i32
    %add3A_25 = arith.addi %mul3A_7, %add3A_24 : i32
    "tpu.region"() ({
      %run_scoped3A = tpu.sem_alloc : memref<!tpu.dma_semaphore, #tpu.memory_space<semaphore_mem>>
      %dma_start3A = arith.constant 0 : i32
      %dma_start3A_26 = arith.constant 0 : i32
      %dma_start3A_27 = tpu.memref_slice %arg8[%dma_start3A, %dma_start3A_26] : memref<256x128xf32, #tpu.memory_space<vmem>> -> memref<120x128xf32, #tpu.memory_space<vmem>>
      %dma_start3A_28 = arith.constant 0 : i32
      %dma_start3A_29 = tpu.memref_slice %arg9[%add3A_25, %dma_start3A_28] : memref<10112x128xf32, #tpu.memory_space<vmem_shared>> -> memref<120x128xf32, #tpu.memory_space<vmem_shared>>
      %dma_start3A_30 = arith.constant 0 : i32
      %dma_start3A_31 = arith.constant 0 : i32
      %dma_start3A_32 = tpu.memref_slice %arg8[%dma_start3A_30, %dma_start3A_31] : memref<256x128xf32, #tpu.memory_space<vmem>> -> memref<120x128xf32, #tpu.memory_space<vmem>>
      %dma_start3A_33 = arith.constant 0 : i32
      %dma_start3A_34 = tpu.memref_slice %arg9[%add3A_25, %dma_start3A_33] : memref<10112x128xf32, #tpu.memory_space<vmem_shared>> -> memref<120x128xf32, #tpu.memory_space<vmem_shared>>
      tpu.enqueue_dma source(%dma_start3A_34 : memref<120x128xf32, #tpu.memory_space<vmem_shared>>) target(%dma_start3A_32 : memref<120x128xf32, #tpu.memory_space<vmem>>) target_semaphore(%run_scoped3A : memref<!tpu.dma_semaphore, #tpu.memory_space<semaphore_mem>>)
      %dma_wait3A = arith.constant 0 : i32
      %dma_wait3A_35 = arith.constant 0 : i32
      %dma_wait3A_36 = tpu.memref_slice %arg8[%dma_wait3A, %dma_wait3A_35] : memref<256x128xf32, #tpu.memory_space<vmem>> -> memref<120x128xf32, #tpu.memory_space<vmem>>
      %dma_wait3A_37 = arith.constant 0 : i32
      %dma_wait3A_38 = tpu.memref_slice %arg9[%add3A_25, %dma_wait3A_37] : memref<10112x128xf32, #tpu.memory_space<vmem_shared>> -> memref<120x128xf32, #tpu.memory_space<vmem_shared>>
      %dma_wait3A_39 = arith.constant 0 : i32
      %dma_wait3A_40 = arith.constant 0 : i32
      %dma_wait3A_41 = tpu.memref_slice %arg8[%dma_wait3A_39, %dma_wait3A_40] : memref<256x128xf32, #tpu.memory_space<vmem>> -> memref<120x128xf32, #tpu.memory_space<vmem>>
      %dma_wait3A_42 = arith.constant 0 : i32
      %dma_wait3A_43 = tpu.memref_slice %arg9[%add3A_25, %dma_wait3A_42] : memref<10112x128xf32, #tpu.memory_space<vmem_shared>> -> memref<120x128xf32, #tpu.memory_space<vmem_shared>>
      tpu.wait_dma2 semaphore(%run_scoped3A : memref<!tpu.dma_semaphore, #tpu.memory_space<semaphore_mem>>) src(%dma_wait3A_43 : memref<120x128xf32, #tpu.memory_space<vmem_shared>>) dst(%dma_wait3A_41 : memref<120x128xf32, #tpu.memory_space<vmem>>)
      tpu.yield
    }) : () -> ()
    "tpu.region"() ({
      %run_scoped3A = tpu.sem_alloc : memref<!tpu.dma_semaphore, #tpu.memory_space<semaphore_mem>>
      %dma_start3A = arith.constant 0 : i32
      %dma_start3A_26 = arith.constant 0 : i32
      %dma_start3A_27 = tpu.memref_slice %arg8[%dma_start3A, %dma_start3A_26] : memref<256x128xf32, #tpu.memory_space<vmem>> -> memref<120x128xf32, #tpu.memory_space<vmem>>
      %dma_start3A_28 = arith.constant 0 : i32
      %dma_start3A_29 = tpu.memref_slice %arg5[%arg0, %add3A_25, %dma_start3A_28] : memref<2x10112x128xf32, #tpu.memory_space<hbm>> -> memref<1x120x128xf32, #tpu.memory_space<hbm>>
      %dma_start3A_30 = tpu.memref_squeeze %dma_start3A_29 : memref<1x120x128xf32, #tpu.memory_space<hbm>> -> memref<120x128xf32, #tpu.memory_space<hbm>>
      %dma_start3A_31 = arith.constant 0 : i32
      %dma_start3A_32 = tpu.memref_slice %arg5[%arg0, %add3A_25, %dma_start3A_31] : memref<2x10112x128xf32, #tpu.memory_space<hbm>> -> memref<1x120x128xf32, #tpu.memory_space<hbm>>
      %dma_start3A_33 = tpu.memref_squeeze %dma_start3A_32 : memref<1x120x128xf32, #tpu.memory_space<hbm>> -> memref<120x128xf32, #tpu.memory_space<hbm>>
      %dma_start3A_34 = arith.constant 0 : i32
      %dma_start3A_35 = arith.constant 0 : i32
      %dma_start3A_36 = tpu.memref_slice %arg8[%dma_start3A_34, %dma_start3A_35] : memref<256x128xf32, #tpu.memory_space<vmem>> -> memref<120x128xf32, #tpu.memory_space<vmem>>
      tpu.enqueue_dma source(%dma_start3A_36 : memref<120x128xf32, #tpu.memory_space<vmem>>) target(%dma_start3A_33 : memref<120x128xf32, #tpu.memory_space<hbm>>) target_semaphore(%run_scoped3A : memref<!tpu.dma_semaphore, #tpu.memory_space<semaphore_mem>>)
      %dma_wait3A = arith.constant 0 : i32
      %dma_wait3A_37 = arith.constant 0 : i32
      %dma_wait3A_38 = tpu.memref_slice %arg8[%dma_wait3A, %dma_wait3A_37] : memref<256x128xf32, #tpu.memory_space<vmem>> -> memref<120x128xf32, #tpu.memory_space<vmem>>
      %dma_wait3A_39 = arith.constant 0 : i32
      %dma_wait3A_40 = tpu.memref_slice %arg5[%arg0, %add3A_25, %dma_wait3A_39] : memref<2x10112x128xf32, #tpu.memory_space<hbm>> -> memref<1x120x128xf32, #tpu.memory_space<hbm>>
      %dma_wait3A_41 = tpu.memref_squeeze %dma_wait3A_40 : memref<1x120x128xf32, #tpu.memory_space<hbm>> -> memref<120x128xf32, #tpu.memory_space<hbm>>
      %dma_wait3A_42 = arith.constant 0 : i32
      %dma_wait3A_43 = tpu.memref_slice %arg5[%arg0, %add3A_25, %dma_wait3A_42] : memref<2x10112x128xf32, #tpu.memory_space<hbm>> -> memref<1x120x128xf32, #tpu.memory_space<hbm>>
      %dma_wait3A_44 = tpu.memref_squeeze %dma_wait3A_43 : memref<1x120x128xf32, #tpu.memory_space<hbm>> -> memref<120x128xf32, #tpu.memory_space<hbm>>
      %dma_wait3A_45 = arith.constant 0 : i32
      %dma_wait3A_46 = arith.constant 0 : i32
      %dma_wait3A_47 = tpu.memref_slice %arg8[%dma_wait3A_45, %dma_wait3A_46] : memref<256x128xf32, #tpu.memory_space<vmem>> -> memref<120x128xf32, #tpu.memory_space<vmem>>
      tpu.wait_dma2 semaphore(%run_scoped3A : memref<!tpu.dma_semaphore, #tpu.memory_space<semaphore_mem>>) src(%dma_wait3A_47 : memref<120x128xf32, #tpu.memory_space<vmem>>) dst(%dma_wait3A_44 : memref<120x128xf32, #tpu.memory_space<hbm>>)
      tpu.yield
    }) : () -> ()
    return
  }
}

module attributes {stable_mosaic.version = 14 : i64} {
  func.func @_tc_body(%arg0: i32, %arg1: memref<1264x128xf32, #tpu.memory_space<vmem>>, %arg2: memref<1264x128xf32, #tpu.memory_space<vmem>>, %arg3: memref<1264x128xf32, #tpu.memory_space<vmem>>, %arg4: memref<1264x128xf32, #tpu.memory_space<vmem>>, %arg5: memref<1264x128xf32, #tpu.memory_space<vmem>>, %arg6: memref<128x128xf32, #tpu.memory_space<vmem>>, %arg7: memref<1x128xf32, #tpu.memory_space<vmem>>, %arg8: memref<128x128xf32, #tpu.memory_space<vmem>>, %arg9: memref<1264x128xf32, #tpu.memory_space<vmem>>) attributes {dimension_semantics = [#tpu.dimension_semantics<arbitrary>], iteration_bounds = array<i64: 8>, scalar_prefetch = 0 : i64, scratch_operands = 0 : i64, tpu.core_type = #tpu.core_type<tc>, window_params = [{transform_indices = @transform_0, window_bounds = array<i64: 1264, 128>}, {transform_indices = @transform_1, window_bounds = array<i64: 1264, 128>}, {transform_indices = @transform_2, window_bounds = array<i64: 1264, 128>}, {transform_indices = @transform_3, window_bounds = array<i64: 1264, 128>}, {transform_indices = @transform_4, window_bounds = array<i64: 1264, 128>}, {pipeline_mode = #tpu.pipeline_mode<synchronous>, transform_indices = @transform_5, window_bounds = array<i64: 128, 128>}, {pipeline_mode = #tpu.pipeline_mode<synchronous>, transform_indices = @transform_6, window_bounds = array<i64: 1, 128>}, {pipeline_mode = #tpu.pipeline_mode<synchronous>, transform_indices = @transform_7, window_bounds = array<i64: 128, 128>}, {transform_indices = @transform_8, window_bounds = array<i64: 1264, 128>}]} {
    %get3A = arith.constant 0 : index
    %get3A_0 = arith.constant 0 : index
    %get3A_1 = vector.load %arg1[%get3A, %get3A_0] : memref<1264x128xf32, #tpu.memory_space<vmem>>, vector<1264x128xf32>
    %get3A_2 = arith.constant 0 : index
    %get3A_3 = arith.constant 0 : index
    %get3A_4 = vector.load %arg2[%get3A_2, %get3A_3] : memref<1264x128xf32, #tpu.memory_space<vmem>>, vector<1264x128xf32>
    %add3A = arith.addf %get3A_1, %get3A_4 : vector<1264x128xf32>
    %get3A_5 = arith.constant 0 : index
    %get3A_6 = arith.constant 0 : index
    %get3A_7 = vector.load %arg3[%get3A_5, %get3A_6] : memref<1264x128xf32, #tpu.memory_space<vmem>>, vector<1264x128xf32>
    %get3A_8 = arith.constant 0 : index
    %get3A_9 = arith.constant 0 : index
    %get3A_10 = vector.load %arg4[%get3A_8, %get3A_9] : memref<1264x128xf32, #tpu.memory_space<vmem>>, vector<1264x128xf32>
    %add3A_11 = arith.addf %get3A_7, %get3A_10 : vector<1264x128xf32>
    %slice3A = vector.extract_strided_slice %add3A_11 {offsets = [0, 0], sizes = [1264, 1], strides = [1, 1]} : vector<1264x128xf32> to vector<1264x1xf32>
    %max3A = arith.constant 1.000000e+00 : f32
    %max3A_12 = vector.broadcast %max3A : f32 to vector<1264x1xf32>
    %max3A_13 = arith.maximumf %slice3A, %max3A_12 : vector<1264x1xf32>
    %div3A = vector.broadcast %max3A_13 : vector<1264x1xf32> to vector<1264x128xf32>
    %div3A_14 = arith.divf %add3A, %div3A : vector<1264x128xf32>
    %get3A_15 = arith.constant 0 : index
    %get3A_16 = arith.constant 0 : index
    %get3A_17 = vector.load %arg6[%get3A_15, %get3A_16] : memref<128x128xf32, #tpu.memory_space<vmem>>, vector<128x128xf32>
    %dot_general3A = arith.constant dense<0.000000e+00> : vector<1264x128xf32>
    %dot_general3A_18 = tpu.matmul %div3A_14, %get3A_17, %dot_general3A {dimension_numbers = #tpu.dot_dimension_numbers<[1], [0], [0], [1], [0, 0, 1, 1], [], []>, transpose_lhs_hint = false} : vector<1264x128xf32>, vector<128x128xf32>, vector<1264x128xf32> -> vector<1264x128xf32>
    %get3A_19 = arith.constant 0 : index
    %get3A_20 = arith.constant 0 : index
    %get3A_21 = vector.load %arg5[%get3A_19, %get3A_20] : memref<1264x128xf32, #tpu.memory_space<vmem>>, vector<1264x128xf32>
    %get3A_22 = arith.constant 0 : index
    %get3A_23 = arith.constant 0 : index
    %get3A_24 = vector.load %arg8[%get3A_22, %get3A_23] : memref<128x128xf32, #tpu.memory_space<vmem>>, vector<128x128xf32>
    %dot_general3A_25 = arith.constant dense<0.000000e+00> : vector<1264x128xf32>
    %dot_general3A_26 = tpu.matmul %get3A_21, %get3A_24, %dot_general3A_25 {dimension_numbers = #tpu.dot_dimension_numbers<[1], [0], [0], [1], [0, 0, 1, 1], [], []>, transpose_lhs_hint = false} : vector<1264x128xf32>, vector<128x128xf32>, vector<1264x128xf32> -> vector<1264x128xf32>
    %add3A_27 = arith.addf %dot_general3A_18, %dot_general3A_26 : vector<1264x128xf32>
    %get3A_28 = arith.constant 0 : index
    %get3A_29 = arith.constant 0 : index
    %get3A_30 = vector.load %arg7[%get3A_28, %get3A_29] : memref<1x128xf32, #tpu.memory_space<vmem>>, vector<1x128xf32>
    %add3A_31 = vector.broadcast %get3A_30 : vector<1x128xf32> to vector<1264x128xf32>
    %add3A_32 = arith.addf %add3A_27, %add3A_31 : vector<1264x128xf32>
    %max3A_33 = arith.constant 0.000000e+00 : f32
    %max3A_34 = vector.broadcast %max3A_33 : f32 to vector<1264x128xf32>
    %max3A_35 = arith.maximumf %add3A_32, %max3A_34 : vector<1264x128xf32>
    %swap3A = arith.constant 0 : index
    %swap3A_36 = arith.constant 0 : index
    %swap3A_37 = vector.load %arg9[%swap3A, %swap3A_36] : memref<1264x128xf32, #tpu.memory_space<vmem>>, vector<1264x128xf32>
    tpu.vector_store %arg9[%swap3A, %swap3A_36], %max3A_35 {strides = array<i32>} : memref<1264x128xf32, #tpu.memory_space<vmem>>, vector<1264x128xf32>,
    return
  }
  func.func @transform_0(%arg0: i32) -> (i32, i32) {
    %c0_i32 = arith.constant 0 : i32
    %c0_i32_0 = arith.constant 0 : i32
    return %arg0, %c0_i32 : i32, i32
  }
  func.func @transform_1(%arg0: i32) -> (i32, i32) {
    %c0_i32 = arith.constant 0 : i32
    %c0_i32_0 = arith.constant 0 : i32
    return %arg0, %c0_i32 : i32, i32
  }
  func.func @transform_2(%arg0: i32) -> (i32, i32) {
    %c0_i32 = arith.constant 0 : i32
    %c0_i32_0 = arith.constant 0 : i32
    return %arg0, %c0_i32 : i32, i32
  }
  func.func @transform_3(%arg0: i32) -> (i32, i32) {
    %c0_i32 = arith.constant 0 : i32
    %c0_i32_0 = arith.constant 0 : i32
    return %arg0, %c0_i32 : i32, i32
  }
  func.func @transform_4(%arg0: i32) -> (i32, i32) {
    %c0_i32 = arith.constant 0 : i32
    %c0_i32_0 = arith.constant 0 : i32
    return %arg0, %c0_i32 : i32, i32
  }
  func.func @transform_5(%arg0: i32) -> (i32, i32) {
    %c0_i32 = arith.constant 0 : i32
    %c0_i32_0 = arith.constant 0 : i32
    %c0_i32_1 = arith.constant 0 : i32
    return %c0_i32, %c0_i32_0 : i32, i32
  }
  func.func @transform_6(%arg0: i32) -> (i32, i32) {
    %c0_i32 = arith.constant 0 : i32
    %c0_i32_0 = arith.constant 0 : i32
    %c0_i32_1 = arith.constant 0 : i32
    return %c0_i32, %c0_i32_0 : i32, i32
  }
  func.func @transform_7(%arg0: i32) -> (i32, i32) {
    %c0_i32 = arith.constant 0 : i32
    %c0_i32_0 = arith.constant 0 : i32
    %c0_i32_1 = arith.constant 0 : i32
    return %c0_i32, %c0_i32_0 : i32, i32
  }
  func.func @transform_8(%arg0: i32) -> (i32, i32) {
    %c0_i32 = arith.constant 0 : i32
    %c0_i32_0 = arith.constant 0 : i32
    return %arg0, %c0_i32 : i32, i32
  }
}

module attributes {stable_mosaic.version = 14 : i64} {
  func.func @_tc_body(%arg0: i32, %arg1: memref<1264x128xf32, #tpu.memory_space<vmem>>, %arg2: memref<1264x128xf32, #tpu.memory_space<vmem>>, %arg3: memref<1264x128xf32, #tpu.memory_space<vmem>>, %arg4: memref<1264x128xf32, #tpu.memory_space<vmem>>, %arg5: memref<1264x128xf32, #tpu.memory_space<vmem>>, %arg6: memref<128x128xf32, #tpu.memory_space<vmem>>, %arg7: memref<1x128xf32, #tpu.memory_space<vmem>>, %arg8: memref<128x128xf32, #tpu.memory_space<vmem>>, %arg9: memref<1264x128xf32, #tpu.memory_space<vmem>>) attributes {dimension_semantics = [#tpu.dimension_semantics<arbitrary>], iteration_bounds = array<i64: 8>, scalar_prefetch = 0 : i64, scratch_operands = 0 : i64, tpu.core_type = #tpu.core_type<tc>, window_params = [{transform_indices = @transform_0, window_bounds = array<i64: 1264, 128>}, {transform_indices = @transform_1, window_bounds = array<i64: 1264, 128>}, {transform_indices = @transform_2, window_bounds = array<i64: 1264, 128>}, {transform_indices = @transform_3, window_bounds = array<i64: 1264, 128>}, {transform_indices = @transform_4, window_bounds = array<i64: 1264, 128>}, {pipeline_mode = #tpu.pipeline_mode<synchronous>, transform_indices = @transform_5, window_bounds = array<i64: 128, 128>}, {pipeline_mode = #tpu.pipeline_mode<synchronous>, transform_indices = @transform_6, window_bounds = array<i64: 1, 128>}, {pipeline_mode = #tpu.pipeline_mode<synchronous>, transform_indices = @transform_7, window_bounds = array<i64: 128, 128>}, {transform_indices = @transform_8, window_bounds = array<i64: 1264, 128>}]} {
    %get3A = arith.constant 0 : index
    %get3A_0 = arith.constant 0 : index
    %get3A_1 = vector.load %arg1[%get3A, %get3A_0] : memref<1264x128xf32, #tpu.memory_space<vmem>>, vector<1264x128xf32>
    %get3A_2 = arith.constant 0 : index
    %get3A_3 = arith.constant 0 : index
    %get3A_4 = vector.load %arg2[%get3A_2, %get3A_3] : memref<1264x128xf32, #tpu.memory_space<vmem>>, vector<1264x128xf32>
    %add3A = arith.addf %get3A_1, %get3A_4 : vector<1264x128xf32>
    %get3A_5 = arith.constant 0 : index
    %get3A_6 = arith.constant 0 : index
    %get3A_7 = vector.load %arg3[%get3A_5, %get3A_6] : memref<1264x128xf32, #tpu.memory_space<vmem>>, vector<1264x128xf32>
    %get3A_8 = arith.constant 0 : index
    %get3A_9 = arith.constant 0 : index
    %get3A_10 = vector.load %arg4[%get3A_8, %get3A_9] : memref<1264x128xf32, #tpu.memory_space<vmem>>, vector<1264x128xf32>
    %add3A_11 = arith.addf %get3A_7, %get3A_10 : vector<1264x128xf32>
    %slice3A = vector.extract_strided_slice %add3A_11 {offsets = [0, 0], sizes = [1264, 1], strides = [1, 1]} : vector<1264x128xf32> to vector<1264x1xf32>
    %max3A = arith.constant 1.000000e+00 : f32
    %max3A_12 = vector.broadcast %max3A : f32 to vector<1264x1xf32>
    %max3A_13 = arith.maximumf %slice3A, %max3A_12 : vector<1264x1xf32>
    %div3A = vector.broadcast %max3A_13 : vector<1264x1xf32> to vector<1264x128xf32>
    %div3A_14 = arith.divf %add3A, %div3A : vector<1264x128xf32>
    %get3A_15 = arith.constant 0 : index
    %get3A_16 = arith.constant 0 : index
    %get3A_17 = vector.load %arg6[%get3A_15, %get3A_16] : memref<128x128xf32, #tpu.memory_space<vmem>>, vector<128x128xf32>
    %dot_general3A = arith.constant dense<0.000000e+00> : vector<1264x128xf32>
    %dot_general3A_18 = tpu.matmul %div3A_14, %get3A_17, %dot_general3A {dimension_numbers = #tpu.dot_dimension_numbers<[1], [0], [0], [1], [0, 0, 1, 1], [], []>, transpose_lhs_hint = false} : vector<1264x128xf32>, vector<128x128xf32>, vector<1264x128xf32> -> vector<1264x128xf32>
    %get3A_19 = arith.constant 0 : index
    %get3A_20 = arith.constant 0 : index
    %get3A_21 = vector.load %arg5[%get3A_19, %get3A_20] : memref<1264x128xf32, #tpu.memory_space<vmem>>, vector<1264x128xf32>
    %get3A_22 = arith.constant 0 : index
    %get3A_23 = arith.constant 0 : index
    %get3A_24 = vector.load %arg8[%get3A_22, %get3A_23] : memref<128x128xf32, #tpu.memory_space<vmem>>, vector<128x128xf32>
    %dot_general3A_25 = arith.constant dense<0.000000e+00> : vector<1264x128xf32>
    %dot_general3A_26 = tpu.matmul %get3A_21, %get3A_24, %dot_general3A_25 {dimension_numbers = #tpu.dot_dimension_numbers<[1], [0], [0], [1], [0, 0, 1, 1], [], []>, transpose_lhs_hint = false} : vector<1264x128xf32>, vector<128x128xf32>, vector<1264x128xf32> -> vector<1264x128xf32>
    %add3A_27 = arith.addf %dot_general3A_18, %dot_general3A_26 : vector<1264x128xf32>
    %get3A_28 = arith.constant 0 : index
    %get3A_29 = arith.constant 0 : index
    %get3A_30 = vector.load %arg7[%get3A_28, %get3A_29] : memref<1x128xf32, #tpu.memory_space<vmem>>, vector<1x128xf32>
    %add3A_31 = vector.broadcast %get3A_30 : vector<1x128xf32> to vector<1264x128xf32>
    %add3A_32 = arith.addf %add3A_27, %add3A_31 : vector<1264x128xf32>
    %swap3A = arith.constant 0 : index
    %swap3A_33 = arith.constant 0 : index
    %swap3A_34 = vector.load %arg9[%swap3A, %swap3A_33] : memref<1264x128xf32, #tpu.memory_space<vmem>>, vector<1264x128xf32>
    tpu.vector_store %arg9[%swap3A, %swap3A_33], %add3A_32 {strides = array<i32>} : memref<1264x128xf32, #tpu.memory_space<vmem>>, vector<1264x128xf32>,
    return
  }
  func.func @transform_0(%arg0: i32) -> (i32, i32) {
    %c0_i32 = arith.constant 0 : i32
    %c0_i32_0 = arith.constant 0 : i32
    return %arg0, %c0_i32 : i32, i32
  }
  func.func @transform_1(%arg0: i32) -> (i32, i32) {
    %c0_i32 = arith.constant 0 : i32
    %c0_i32_0 = arith.constant 0 : i32
    return %arg0, %c0_i32 : i32, i32
  }
  func.func @transform_2(%arg0: i32) -> (i32, i32) {
    %c0_i32 = arith.constant 0 : i32
    %c0_i32_0 = arith.constant 0 : i32
    return %arg0, %c0_i32 : i32, i32
  }
  func.func @transform_3(%arg0: i32) -> (i32, i32) {
    %c0_i32 = arith.constant 0 : i32
    %c0_i32_0 = arith.constant 0 : i32
    return %arg0, %c0_i32 : i32, i32
  }
  func.func @transform_4(%arg0: i32) -> (i32, i32) {
    %c0_i32 = arith.constant 0 : i32
    %c0_i32_0 = arith.constant 0 : i32
    return %arg0, %c0_i32 : i32, i32
  }
  func.func @transform_5(%arg0: i32) -> (i32, i32) {
    %c0_i32 = arith.constant 0 : i32
    %c0_i32_0 = arith.constant 0 : i32
    %c0_i32_1 = arith.constant 0 : i32
    return %c0_i32, %c0_i32_0 : i32, i32
  }
  func.func @transform_6(%arg0: i32) -> (i32, i32) {
    %c0_i32 = arith.constant 0 : i32
    %c0_i32_0 = arith.constant 0 : i32
    %c0_i32_1 = arith.constant 0 : i32
    return %c0_i32, %c0_i32_0 : i32, i32
  }
  func.func @transform_7(%arg0: i32) -> (i32, i32) {
    %c0_i32 = arith.constant 0 : i32
    %c0_i32_0 = arith.constant 0 : i32
    %c0_i32_1 = arith.constant 0 : i32
    return %c0_i32, %c0_i32_0 : i32, i32
  }
  func.func @transform_8(%arg0: i32) -> (i32, i32) {
    %c0_i32 = arith.constant 0 : i32
    %c0_i32_0 = arith.constant 0 : i32
    return %arg0, %c0_i32 : i32, i32
  }
}

</mosaic_0001>

<sc_bundles>
// kernel: kernel.10.cloned.1.call-start
scs
__scs_entry_jumppad:
0x0: {  	(pc) =	sbr.rel $0x88, $3  }
0x1: {  	(tag) =	ssettag $0x0;
	lr =	simm.s32 $0x1  }
0x2: {  	[smem:$0x3F99] =	sst lr;
	_ =	strace $0xD0000000  }
0x3: {  	_ = 	snop  }
0x4: {  	_ = 	snop  }
0x5: {  	_ = 	snop  }
0x6: {  	_ = 	snop  }
0x7: {  	_ = 	snop  }
__scs_overlays_trampoline_lowered:
0x8: {  	[smem:$0x3FA8] =	sst s0  }
0x9: {  	[smem:$0x3FA9] =	sst s1  }
0xa: {  	[smem:$0x3FAA] =	sst s2  }
0xb: {  	[smem:$0x3FAB] =	sst s3  }
0xc: {  	[smem:$0x3FAC] =	sst s4  }
0xd: {  	[smem:$0x3FAD] =	sst s5  }
0xe: {  	[smem:$0x3FAE] =	sst s6  }
0xf: {  	[smem:$0x3FAF] =	sst s7  }
0x10: {  	[smem:$0x3FB0] =	sst s8  }
0x11: {  	[smem:$0x3FB1] =	sst s9;
	s0 =	simm.s32 @!p0 $0x0  }
0x12: {  	s1 =	sld [smem:$0x3F97];
	s0 =	simm.s32 @p0 $0x1  }
0x13: {  	[smem:$0x3FB2] =	sst s0;
	s0 =	simm.s32 @!p1 $0x0  }
0x14: {  	s2 =	sld [smem:$0x3F96];
	s0 =	simm.s32 @p1 $0x1  }
0x15: {  	[smem:$0x3FB3] =	sst s0;
	s0 =	simm.s32 @!p2 $0x0  }
0x16: {  	s3 =	sld [smem:$0x3FDB];
	s0 =	simm.s32 @p2 $0x1  }
0x17: {  	s4 =	simm.s32 $0x1BF5;
	[smem:$0x3FB5] =	sst s0  }
0x18: {  	s0 =	sld [smem:$0x3F98];
	_ =	swait.ge [sflag:s4], $0x0  }
0x19: {  	s7 =	sld [smem:$0x3F99]  }
0x1a: {  	s8 =	sadd.s32 $0xFFFFE003, lr  }
0x1b: {  	s9 =	sadd.s32 $0xFFFFFEF7, lr;
	s5 =	simm.s32 $0xFFFFFFFF;
	p2 =	slt.u32 s8, $0xFFFFF086  }
0x1c: {  	p1 =	slt.u32 s9, $0xF7A;
	s5 =	simm.s32 @!p2 $0x0  }
0x1d: {  	s5 =	simm.s32 @p1 $0x1;
	p0 =	seq.s32 s7, s2  }
0x1e: {  	s7 =	smul.u32 @!p0 $0xF7A, s2;
	p2 =	seq.s32 @!p0 s5, $0x0  }
0x1f: {  	s9 =	smul.u32 $0xF7A, s1;
	s8 =	simm.s32 @!p0 $0x1BF5;
	p2 =	por !p2, p0  }
0x20: {  	[sflag:s8] =	ssyncset.s32 @!p0 $0xFFFFF086;
	s6 =	sadd.s32 @!p0 s3, s7;
	s7 =	simm.s32 @!p0 $0x108  }
0x21: {  	s3 =	sadd.s32 s3, s9;
	s6 =	sadd.s32 @!p0 $0x88, s6;
	s7 =	simm.s32 @p2 $0x1082  }
0x22: {  	[simem:s7], [sflag:s8] =	dma.local @!p0 [hbm:s6], $0xF7A  }
0x23: {  	s9 =	sor.u32 $0xD0000000, s2;
	s6 =	simm.s32 $0x108;
	_ =	swait.ge @!p0 [sflag:s8], $0x0  }
0x24: {  	s3 =	sadd.s32 $0x88, s3;
	s6 =	simm.s32 @!p1 $0x1082;
	[sflag:s4] =	ssyncset.s32 $0xFFFFF086  }
0x25: {  	[simem:s6], [sflag:s4] =	dma.local [hbm:s3], $0xF7A  }
0x26: {  	[smem:$0x3F99] =	sst s1;
	(tag) =	ssettag s2;
	_ =	strace s9  }
0x27: {  	s1 =	sld [smem:$0x3FA9]  }
0x28: {  	s2 =	sld [smem:$0x3FAA]  }
0x29: {  	s4 =	sld [smem:$0x3FAC]  }
0x2a: {  	p0 =	seq.s32 s5, $0x0;
	s5 =	sld [smem:$0x3FAD]  }
0x2b: {  	s6 =	sld [smem:$0x3FAE]  }
0x2c: {  	s7 =	sld [smem:$0x3FAF]  }
0x2d: {  	s3 =	simm.s32 $0x108;
	s8 =	sld [smem:$0x3FB0]  }
0x2e: {  	s3 =	simm.s32 @!p0 $0x1082;
	s9 =	sld [smem:$0x3FB1]  }
0x2f: {  	lr =	sadd.s32 s0, s3;
	s0 =	sld [smem:$0x3FA8]  }
0x30: {  	s3 =	sld [smem:$0x3FAB]  }
0x31: {  	[smem:$0x3FB4] =	sst s10  }
0x32: {  	s10 =	sld [smem:$0x3FB2];
	_ =	sdelay $0x3  }
0x33: {  	p0 =	seq.s32 s10, $0x1;
	s10 =	sld [smem:$0x3FB4];
	_ =	sdelay $0x3  }
0x34: {  	[smem:$0x3FB4] =	sst s10  }
0x35: {  	s10 =	sld [smem:$0x3FB3];
	_ =	sdelay $0x3  }
0x36: {  	p1 =	seq.s32 s10, $0x1;
	s10 =	sld [smem:$0x3FB4];
	_ =	sdelay $0x3  }
0x37: {  	[smem:$0x3FB4] =	sst s10  }
0x38: {  	s10 =	sld [smem:$0x3FB5]  }
0x39: {  	_ = 	snop;
	(pc) =	sbr.ind lr, $3  }
0x3a: {  	_ = 	snop  }
0x3b: {  	_ = 	snop  }
0x3c: {  	p2 =	seq.s32 s10, $0x1;
	s10 =	sld [smem:$0x3FB4]  }
0x3d: {  	_ =	shalt  }
0x3e: {  	_ =	shalt  }
0x3f: {  	_ =	shalt  }
0x40: {  	_ =	shalt  }
0x41: {  	_ =	shalt  }
0x42: {  	_ =	shalt  }
0x43: {  	_ =	shalt  }
0x44: {  	_ =	shalt  }
0x45: {  	_ =	shalt  }
0x46: {  	_ =	shalt  }
0x47: {  	_ =	shalt  }
0x48: {  	_ =	shalt  }
0x49: {  	_ =	shalt  }
0x4a: {  	_ =	shalt  }
0x4b: {  	_ =	shalt  }
0x4c: {  	_ =	shalt  }
0x4d: {  	_ =	shalt  }
0x4e: {  	_ =	shalt  }
0x4f: {  	_ =	shalt  }
0x50: {  	_ =	shalt  }
0x51: {  	_ =	shalt  }
0x52: {  	_ =	shalt  }
0x53: {  	_ =	shalt  }
0x54: {  	_ =	shalt  }
0x55: {  	_ =	shalt  }
0x56: {  	_ =	shalt  }
0x57: {  	_ =	shalt  }
0x58: {  	_ =	shalt  }
0x59: {  	_ =	shalt  }
0x5a: {  	_ =	shalt  }
0x5b: {  	_ =	shalt  }
0x5c: {  	_ =	shalt  }
0x5d: {  	_ =	shalt  }
0x5e: {  	_ =	shalt  }
0x5f: {  	_ =	shalt  }
0x60: {  	_ =	shalt  }
0x61: {  	_ =	shalt  }
0x62: {  	_ =	shalt  }
0x63: {  	_ =	shalt  }
0x64: {  	_ =	shalt  }
0x65: {  	_ =	shalt  }
0x66: {  	_ =	shalt  }
0x67: {  	_ =	shalt  }
0x68: {  	_ =	shalt  }
0x69: {  	_ =	shalt  }
0x6a: {  	_ =	shalt  }
0x6b: {  	_ =	shalt  }
0x6c: {  	_ =	shalt  }
0x6d: {  	_ =	shalt  }
0x6e: {  	_ =	shalt  }
0x6f: {  	_ =	shalt  }
0x70: {  	_ =	shalt  }
0x71: {  	_ =	shalt  }
0x72: {  	_ =	shalt  }
0x73: {  	_ =	shalt  }
0x74: {  	_ =	shalt  }
0x75: {  	_ =	shalt  }
0x76: {  	_ =	shalt  }
0x77: {  	_ =	shalt  }
0x78: {  	_ =	shalt  }
0x79: {  	_ =	shalt  }
0x7a: {  	_ =	shalt  }
0x7b: {  	_ =	shalt  }
0x7c: {  	_ =	shalt  }
0x7d: {  	_ =	shalt  }
0x7e: {  	_ =	shalt  }
0x7f: {  	_ =	shalt  }
0x80: {  	_ =	shalt  }
0x81: {  	_ =	shalt  }
0x82: {  	_ =	shalt  }
0x83: {  	_ =	shalt  }
0x84: {  	_ =	shalt  }
0x85: {  	_ =	shalt  }
0x86: {  	_ =	shalt  }
0x87: {  	_ =	shalt  }
.Lfunc_end0:
.L_simem_size_0:
called_computation.1_lowered:
.L_overlay_start_0:
0x88: {  	s2 =	sld [smem:$0x3FD9]  }
0x89: {  	s3 =	sld [smem:$0x3FFE];
	_ =	sdelay $0x1  }
0x8a: {  	s1 =	srdreg.scid  }
0x8b: {  	s0 =	sand.u32 $0x1, s1  }
0x8c: {  	s17 =	sshll.u32 s0, $0xA;
	s2 =	sadd.s32 s3, s2  }
0x8d: {  	s2 =	sadd.s32 s2, s17  }
0x8e: {  	[smem:$0x3FC0] =	sst s2  }
0x8f: {  	_ = 	snop  }
0x90: {  	s2 =	sld [smem:$0x3FD0];
	(tm) =	ssettm $0x1  }
0x91: {  	s18 =	sld [smem:$0x3FFB];
	_ =	sdelay $0x3  }
0x92: {  	_ =	strace s18  }
0x93: {  	s3 =	sld [smem:$0x3FFC];
	_ =	sdelay $0x3  }
0x94: {  	_ =	strace s3  }
0x95: {  	s3 =	sld [smem:$0x3FFD];
	_ =	sdelay $0x3  }
0x96: {  	_ =	strace s3  }
0x97: {  	_ =	strace $0x8FFFFFFF  }
0x98: {  	s19 =	sld [smem:$0x3FDB];
	_ =	sdelay $0x1  }
0x99: {  	s4 =	simm.s32 $_scs_section_size  }
0x9a: {  	s5 =	simm.s32 $_size__tile_overlayer_lowered;
	s6 =	simm.s32 $_tile_overlayer_lowered  }
0x9b: {  	s22 =	simm.s32 $0x1BFF;
	s21 =	sshll.u32 s6, $0x1;
	s3 =	sadd.s32 s4, s19  }
0x9c: {  	s7 =	simm.s32 $0x0;
	s20 =	sshll.u32 s5, $0x1;
	s5 =	sadd.s32 s21, s3  }
0x9d: {  	[timem:s7], [sflag:s22] =	dma.local [hbm:s5], s20  }
0x9e: {  	_ =	swait.ge [sflag:s22], s20  }
0x9f: {  	s4 =	ssub.s32 $0x0, s20;
	[sflag:s22] =	ssyncset.done $0x0  }
0xa0: {  	[sflag:s22] =	ssyncadd.s32 s4;
	_ =	sdelay $0x1  }
0xa1: {  	s23 =	simm.s32 $0x1B8B  }
0xa2: {  	_ =	swait.ge [sflag:s23], $0x1  }
0xa3: {  	[sflag:s23] =	ssyncset.done $0x0  }
0xa4: {  	s25 =	simm.s32 $0x1B8E;
	s24 =	sld [smem:$0x3FFE];
	[sflag:s23] =	ssyncadd.s32 $0xFFFFFFFF  }
0xa5: {  	s26 =	simm.s32 $execute0_lowered;
	[smem:$0x3FD2] =	sst s25  }
0xa6: {  	s5 =	sshll.u32 s26, $0x1;
	_ =	strace $0x80000046;
	[dreg:$0x1] =	wrdreg $0xFFFFFFFF  }
0xa7: {  	s28 =	simm.s32 $_size_execute0_lowered;
	s3 =	sadd.s32 s3, s5;
	[dreg:$0x0] =	wrdreg $0x0  }
0xa8: {  	s5 =	sshll.u32 s28, $0x1;
	[dreg:$0x2] =	wrdreg s3  }
0xa9: {  	[dreg:$0x3] =	wrdreg s5  }
0xaa: {  	[dreg:$0x4] =	wrdreg $0xC0  }
0xab: {  	_ =	task [dreg:s7], $0x5FFFF  }
0xac: {  	[dreg:$0x1] =	wrdreg $0xFFFFFFFF  }
0xad: {  	[dreg:$0x0] =	wrdreg $0x60  }
0xae: {  	[dreg:$0x2] =	wrdreg s24  }
0xaf: {  	[dreg:$0x3] =	wrdreg s2  }
0xb0: {  	[dreg:$0x4] =	wrdreg $0x82000  }
0xb1: {  	[dreg:$0x5] =	wrdreg $0xA  }
0xb2: {  	_ =	task.clear_ibuf [dreg:s7], $0x6FFFF;
	_ =	strace $0x90000046  }
0xb3: {  	s29 =	simm.s32 $0xA;
	_ =	strace $0x80000048  }
0xb4: {  	_ =	swait.ge [sflag:s29], $0x1  }
0xb5: {  	[sflag:s29] =	ssyncadd.s32 $0xFFFFFFFF  }
0xb6: {  	_ =	strace $0x90000048  }
0xb7: {  	_ =	sfence  }
0xb8: {  	s30 =	sld [smem:$0x0];
	_ =	sdelay $0x2  }
0xb9: {  	s31 =	sshll.u32 s1, $0xD;
	s1 =	sshrl.u32 s1, $0x2  }
0xba: {  	s3 =	sand.u32 $0x4000, s31;
	s1 =	sadd.s32 s1, s30  }
0xbb: {  	s0 =	sor.u32 s3, s0;
	s1 =	sshll.u32 s1, $0x11  }
0xbc: {  	s0 =	sor.u32 s1, s0  }
0xbd: {  	s0 =	sadd.s32 $0x8F2B, s0  }
0xbe: {  	[sflag:s0] =	ssyncadd.remote.s32 $0x1  }
0xbf: {  	_ =	sfence.sel $0xFFFF  }
0xc0: {  	[dreg:$0x0] =	wrdreg $0xFFFFFFFF;
	(pc) =	sbr.abs _section_cstart, $3  }
0xc1: {  	[dreg:$0x1] =	wrdreg $0xFFFFFFFF  }
0xc2: {  	_ =	task.clear_ibuf [dreg:s7], $0x2FFFF;
	_ =	strace $0x9FFFFFFF  }
0xc3: {  	(tm) =	ssettm $0x7FFFFFFF  }
tec
execute0_lowered:
.L_overlay_start_1:
0x0: {  	(tag) =	ssettag $0x1  }
0x1: {  	s5 =	rddreg [dreg:$0x0]  }
0x2: {  	s12 =	rddreg [dreg:$0x1]  }
0x3: {  	s1 =	rddreg [dreg:$0x2];
	s2 =	srdreg.scid  }
0x4: {  	s0 =	rddreg [dreg:$0x3];
	s3 =	simm.s32 $0x0;
	s18 =	simm.s32 $0x1  }
0x5: {  	s19 =	simm.s32 $0x80;
	s20 =	simm.s32 $0x4200;
	s6 =	sand.u32 $0x1, s2  }
0x6: {  	s21 =	simm.s32 $0x0;
	s2 =	stileid.u32;
	s7 =	smul.u32 $0x28000, s6  }
0x7: {  	[smem:$0x7FF] =	sst s3;
	s4 =	sadd.s32 $0x1A00, s5;
	s8 =	smul.u32 $0x2800, s2  }
0x8: {  	s11 =	sadd.s32 $0x33200, s5;
	s25 =	ssub.s32 $0x2, s6;
	s9 =	smul.u32 $0x4F000, s2  }
0x9: {  	_ =	strace $0x80000047;
	s10 =	smul.u32 $0x13C00, s2;
	s26 =	sshrl.u32 s25, $0x1  }
0xa: {  	s30 =	smul.u32 $0x13C000, s6;
	s7 =	sadd.s32 s8, s7;
	s15 =	ssub.s32 s25, s26  }
0xb: {  	s28 =	sshrl.u32 s9, $0x2;
	s29 =	sadd.s32 $0x8000, s10;
	s16 =	sadd.s32 $0x10000, s10  }
0xc: {  	s10 =	sadd.s32 s10, s30;
	s13 =	sshrl.u32 s7, $0x3;
	s6 =	sadd.s32 s29, s1  }
0xd: {  	s7 =	sadd.s32 s16, s1;
	s8 =	sadd.s32 s30, s29;
	s10 =	sshrl.u32 s10, $0x3  }
0xe: {  	s16 =	sadd.s32 s30, s16;
	s14 =	sadd.s32 s13, s5;
	s5 =	sadd.s32 s28, s1  }
0xf: {  	s17 =	sshrl.u32 s8, $0x3;
	s8 =	sadd.s32 s11, s10;
	s31 =	sshrl.u32 s16, $0x3  }
0x10: {  	s12 =	sadd.s32 s13, s12;
	s16 =	simm.s32 $0x100;
	s9 =	sadd.s32 s11, s17  }
0x11: {  	s10 =	sadd.s32 s11, s31;
	s11 =	smax.u32 s15, $0x1;
	s13 =	sadd.s32 $0x29200, s14  }
0x12: {  	v0 =	vimm.f32 $0.0e+00;
	s14 =	simm.s32 $0x200;
	s15 =	simm.s32 $0x2;
	s17 =	simm.s32 $0x180  }
.LBB2_1:
0x13: {  	s22 =	simm.s32 $0x0;
	s23 =	simm.s32 $0x200  }
.LBB2_2:
0x14: {  	p0 =	sne.s32 s23, $0x1FE00;
	[tilespmem:s22+$0x270] =	vst v0  }
0x15: {  	[tilespmem:s22+$0x200] =	vst v0  }
0x16: {  	[tilespmem:s22+$0x210] =	vst v0  }
.Ltmp0:
0x17: {  	[tilespmem:s22+$0x220] =	vst v0;
	(pc) =	sbr.rel @p0 .LBB2_2-.Ltmp0, $4  }
0x18: {  	[tilespmem:s22+$0x230] =	vst v0  }
0x19: {  	[tilespmem:s22+$0x240] =	vst v0  }
0x1a: {  	[tilespmem:s22+$0x250] =	vst v0  }
0x1b: {  	[tilespmem:s22+$0x260] =	vst v0;
	s22 =	sshra.s32 s23, $0x2;
	s23 =	sadd.s32 $0x200, s23  }
0x1c: {  	[tilespmem:s22+$0x270] =	vst v0  }
0x1d: {  	[tilespmem:s22+$0x200] =	vst v0  }
0x1e: {  	[tilespmem:s22+$0x210] =	vst v0  }
0x1f: {  	[tilespmem:s22+$0x220] =	vst v0  }
0x20: {  	[tilespmem:s22+$0x230] =	vst v0  }
0x21: {  	[tilespmem:s22+$0x240] =	vst v0  }
0x22: {  	[tilespmem:s22+$0x250] =	vst v0  }
0x23: {  	[tilespmem:s22+$0x260] =	vst v0  }
0x24: {  	[spmem:s5] =	stream.linear.scatter [tilespmem:s14], [sflag:$0x2], $0x8000, $0x38;
	[tilespmem:$0x1BE00] =	vst v63  }
0x25: {  	_ =	swait.ge [sflag:s15], $0x8000  }
0x26: {  	[sflag:s15] =	ssyncset.done $0x0  }
0x27: {  	[sflag:s15] =	ssyncadd.s32 $0xFFFF8000  }
0x28: {  	[spmem:s6] =	stream.linear.scatter [tilespmem:s14], [sflag:$0x2], $0x8000, $0x38;
	[tilespmem:$0x1BE00] =	vst v63  }
0x29: {  	_ =	swait.ge [sflag:s15], $0x8000  }
0x2a: {  	[sflag:s15] =	ssyncset.done $0x0  }
0x2b: {  	[sflag:s15] =	ssyncadd.s32 $0xFFFF8000  }
0x2c: {  	[spmem:s7] =	stream.linear.scatter [tilespmem:s14], [sflag:$0x2], $0x3C00, $0x38;
	[tilespmem:$0x1BE00] =	vst v63  }
0x2d: {  	_ =	swait.ge [sflag:s15], $0x3C00  }
0x2e: {  	[sflag:s15] =	ssyncset.done $0x0  }
0x2f: {  	[sflag:s15] =	ssyncadd.s32 $0xFFFFC400  }
0x30: {  	s30 =	sadd.s32 $0x0, s13;
	[bflag:$0x0] =	sbarrier.arrive $0xFFFF  }
0x31: {  	[tilespmem:s3], [sflag:$0x2] =	stream.linear.gather [hbm4b:s30+s3], $0x100, $0x38;
	[tilespmem:$0x1BE00] =	vst v63  }
0x32: {  	_ =	swait.ge [sflag:s15], $0x100  }
0x33: {  	[sflag:s15] =	ssyncset.done $0x0  }
0x34: {  	s31 =	sadd.s32 $0x0, s12;
	[sflag:s15] =	ssyncadd.s32 $0xFFFFFF00  }
0x35: {  	[tilespmem:s16], [sflag:$0x2] =	stream.linear.gather [hbm4b:s31+s3], $0x80, $0x38;
	[tilespmem:$0x1BE00] =	vst v63  }
0x36: {  	_ =	swait.ge [sflag:s15], $0x80  }
0x37: {  	[sflag:s15] =	ssyncset.done $0x0  }
0x38: {  	s22 =	sadd.s32 $0x10, s31;
	[sflag:s15] =	ssyncadd.s32 $0xFFFFFF80  }
0x39: {  	[tilespmem:s17], [sflag:$0x2] =	stream.linear.gather [hbm4b:s22+s3], $0x80, $0x38;
	[tilespmem:$0x1BE00] =	vst v63  }
0x3a: {  	_ =	swait.ge [sflag:s15], $0x80  }
0x3b: {  	[sflag:s15] =	ssyncset.done $0x0  }
0x3c: {  	[sflag:s15] =	ssyncadd.s32 $0xFFFFFF80  }
0x3d: {  	[tilespmem:s14], [sflag:$0x1] =	stream.indirect.gather [hbm4b:s4+s16], $0x80, s3, s16, $0xb8;
	[tilespmem:$0x1BE00] =	vst v63  }
0x3e: {  	_ =	swait.ge [sflag:s18], $0x8000  }
0x3f: {  	[sflag:s18] =	ssyncset.done $0x0  }
0x40: {  	[sflag:s18] =	ssyncadd.s32 $0xFFFF8000  }
0x41: {  	[spmem:s1] =	stream.indirect.scatter.add.f32 [tilespmem:s14], [sflag:$0x2], $0x80, s16, s19, $0xb8;
	[tilespmem:$0x1BE00] =	vst v63  }
0x42: {  	_ =	swait.ge [sflag:s15], $0x4000  }
0x43: {  	[sflag:s15] =	ssyncset.done $0x0  }
0x44: {  	[sflag:s15] =	ssyncadd.s32 $0xFFFFC000  }
0x45: {  	[spmem:s1] =	stream.indirect.scatter.add.f32 [tilespmem:s20], [sflag:$0x2], $0x80, s17, s19, $0xb8;
	[tilespmem:$0x1BE00] =	vst v63  }
0x46: {  	_ =	swait.ge [sflag:s15], $0x4000  }
0x47: {  	s23 =	simm.s32 $0x40;
	s22 =	simm.s32 $0x20;
	[sflag:s15] =	ssyncset.done $0x0  }
.LBB2_4:
0x48: {  	s24 =	sadd.s32 s22, s13  }
0x49: {  	[sflag:s15] =	ssyncadd.s32 $0xFFFFC000;
	s25 =	smov.u32 s23;
	s26 =	sadd.s32 $0x20, s23  }
0x4a: {  	[tilespmem:s3], [sflag:$0x2] =	stream.linear.gather [hbm4b:s24+s3], $0x100, $0x38;
	[tilespmem:$0x1BE00] =	vst v63  }
0x4b: {  	p0 =	sne.s32 s23, $0x4E0;
	_ =	swait.ge [sflag:s15], $0x100  }
0x4c: {  	[sflag:s15] =	ssyncset.done $0x0  }
0x4d: {  	s23 =	sadd.s32 s22, s12;
	s22 =	smov.u32 s25;
	[sflag:s15] =	ssyncadd.s32 $0xFFFFFF00  }
0x4e: {  	[tilespmem:s16], [sflag:$0x2] =	stream.linear.gather [hbm4b:s23+s3], $0x80, $0x38;
	[tilespmem:$0x1BE00] =	vst v63  }
0x4f: {  	_ =	swait.ge [sflag:s15], $0x80  }
0x50: {  	[sflag:s15] =	ssyncset.done $0x0  }
0x51: {  	s23 =	sadd.s32 $0x10, s23;
	[sflag:s15] =	ssyncadd.s32 $0xFFFFFF80  }
0x52: {  	[tilespmem:s17], [sflag:$0x2] =	stream.linear.gather [hbm4b:s23+s3], $0x80, $0x38;
	[tilespmem:$0x1BE00] =	vst v63  }
0x53: {  	_ =	swait.ge [sflag:s15], $0x80  }
0x54: {  	[sflag:s15] =	ssyncset.done $0x0  }
0x55: {  	[sflag:s15] =	ssyncadd.s32 $0xFFFFFF80  }
0x56: {  	[tilespmem:s14], [sflag:$0x1] =	stream.indirect.gather [hbm4b:s4+s16], $0x80, s3, s16, $0xb8;
	[tilespmem:$0x1BE00] =	vst v63  }
0x57: {  	_ =	swait.ge [sflag:s18], $0x8000  }
0x58: {  	[sflag:s18] =	ssyncset.done $0x0  }
0x59: {  	[sflag:s18] =	ssyncadd.s32 $0xFFFF8000  }
0x5a: {  	[spmem:s1] =	stream.indirect.scatter.add.f32 [tilespmem:s14], [sflag:$0x2], $0x80, s16, s19, $0xb8;
	[tilespmem:$0x1BE00] =	vst v63  }
0x5b: {  	_ =	swait.ge [sflag:s15], $0x4000  }
.Ltmp1:
0x5c: {  	[sflag:s15] =	ssyncset.done $0x0;
	(pc) =	sbr.rel @p0 .LBB2_4-.Ltmp1, $4  }
0x5d: {  	[sflag:s15] =	ssyncadd.s32 $0xFFFFC000  }
0x5e: {  	[spmem:s1] =	stream.indirect.scatter.add.f32 [tilespmem:s20], [sflag:$0x2], $0x80, s17, s19, $0xb8;
	[tilespmem:$0x1BE00] =	vst v63  }
0x5f: {  	_ =	swait.ge [sflag:s15], $0x4000  }
0x60: {  	s23 =	smov.u32 s26;
	[sflag:s15] =	ssyncset.done $0x0  }
0x61: {  	s23 =	sadd.s32 s22, s13;
	[sflag:s15] =	ssyncadd.s32 $0xFFFFC000  }
0x62: {  	[tilespmem:s3], [sflag:$0x2] =	stream.linear.gather [hbm4b:s23+s3], $0x100, $0x38;
	[tilespmem:$0x1BE00] =	vst v63  }
0x63: {  	_ =	swait.ge [sflag:s15], $0x100  }
0x64: {  	[sflag:s15] =	ssyncset.done $0x0  }
0x65: {  	s31 =	sadd.s32 s22, s12;
	[sflag:s15] =	ssyncadd.s32 $0xFFFFFF00  }
0x66: {  	[tilespmem:s16], [sflag:$0x2] =	stream.linear.gather [hbm4b:s31+s3], $0x80, $0x38;
	[tilespmem:$0x1BE00] =	vst v63  }
0x67: {  	_ =	swait.ge [sflag:s15], $0x80  }
0x68: {  	[sflag:s15] =	ssyncset.done $0x0  }
0x69: {  	s22 =	sadd.s32 $0x10, s31;
	[sflag:s15] =	ssyncadd.s32 $0xFFFFFF80  }
0x6a: {  	[tilespmem:s17], [sflag:$0x2] =	stream.linear.gather [hbm4b:s22+s3], $0x80, $0x38;
	[tilespmem:$0x1BE00] =	vst v63  }
0x6b: {  	_ =	swait.ge [sflag:s15], $0x80  }
0x6c: {  	[sflag:s15] =	ssyncset.done $0x0  }
0x6d: {  	[sflag:s15] =	ssyncadd.s32 $0xFFFFFF80  }
0x6e: {  	[tilespmem:s14], [sflag:$0x1] =	stream.indirect.gather [hbm4b:s4+s16], $0x80, s3, s16, $0xb8;
	[tilespmem:$0x1BE00] =	vst v63  }
0x6f: {  	_ =	swait.ge [sflag:s18], $0x8000  }
0x70: {  	[sflag:s18] =	ssyncset.done $0x0  }
0x71: {  	[sflag:s18] =	ssyncadd.s32 $0xFFFF8000  }
0x72: {  	[spmem:s1] =	stream.indirect.scatter.add.f32 [tilespmem:s14], [sflag:$0x2], $0x80, s16, s19, $0xb8;
	[tilespmem:$0x1BE00] =	vst v63  }
0x73: {  	_ =	swait.ge [sflag:s15], $0x4000  }
0x74: {  	[sflag:s15] =	ssyncset.done $0x0  }
0x75: {  	[sflag:s15] =	ssyncadd.s32 $0xFFFFC000  }
0x76: {  	[spmem:s1] =	stream.indirect.scatter.add.f32 [tilespmem:s20], [sflag:$0x2], $0x80, s17, s19, $0xb8;
	[tilespmem:$0x1BE00] =	vst v63  }
0x77: {  	_ =	swait.ge [sflag:s15], $0x4000  }
0x78: {  	[sflag:s15] =	ssyncset.done $0x0  }
0x79: {  	[sflag:s15] =	ssyncadd.s32 $0xFFFFC000  }
0x7a: {  	[bflag:$0x0] =	sbarrier.arrive $0xFFFF  }
0x7b: {  	[tilespmem:s14], [sflag:$0x2] =	stream.linear.gather [spmem:s5], $0x8000, $0x38;
	[tilespmem:$0x1BE00] =	vst v63  }
0x7c: {  	_ =	swait.ge [sflag:s15], $0x8000  }
0x7d: {  	[sflag:s15] =	ssyncset.done $0x0  }
0x7e: {  	[sflag:s15] =	ssyncadd.s32 $0xFFFF8000  }
0x7f: {  	[hbm4b:s8+s3] =	stream.linear.scatter [tilespmem:s14], [sflag:$0x2], $0x8000, $0x38;
	[tilespmem:$0x1BE00] =	vst v63  }
0x80: {  	_ =	swait.ge [sflag:s15], $0x8000  }
0x81: {  	[sflag:s15] =	ssyncset.done $0x0  }
0x82: {  	[sflag:s15] =	ssyncadd.s32 $0xFFFF8000  }
0x83: {  	[tilespmem:s14], [sflag:$0x2] =	stream.linear.gather [spmem:s6], $0x8000, $0x38;
	[tilespmem:$0x1BE00] =	vst v63  }
0x84: {  	_ =	swait.ge [sflag:s15], $0x8000  }
0x85: {  	[sflag:s15] =	ssyncset.done $0x0  }
0x86: {  	[sflag:s15] =	ssyncadd.s32 $0xFFFF8000  }
0x87: {  	[hbm4b:s9+s3] =	stream.linear.scatter [tilespmem:s14], [sflag:$0x2], $0x8000, $0x38;
	[tilespmem:$0x1BE00] =	vst v63  }
0x88: {  	_ =	swait.ge [sflag:s15], $0x8000  }
0x89: {  	[sflag:s15] =	ssyncset.done $0x0  }
0x8a: {  	[sflag:s15] =	ssyncadd.s32 $0xFFFF8000  }
0x8b: {  	[tilespmem:s14], [sflag:$0x2] =	stream.linear.gather [spmem:s7], $0x3C00, $0x38;
	[tilespmem:$0x1BE00] =	vst v63  }
0x8c: {  	s21 =	sadd.s32 $0x1, s21;
	_ =	swait.ge [sflag:s15], $0x3C00  }
0x8d: {  	p0 =	sne.s32 s21, s11;
	[sflag:s15] =	ssyncset.done $0x0  }
.Ltmp2:
0x8e: {  	[sflag:s15] =	ssyncadd.s32 $0xFFFFC400;
	(pc) =	sbr.rel @p0 .LBB2_1-.Ltmp2, $4  }
0x8f: {  	[hbm4b:s10+s3] =	stream.linear.scatter [tilespmem:s14], [sflag:$0x2], $0x3C00, $0x38;
	[tilespmem:$0x1BE00] =	vst v63  }
0x90: {  	_ =	swait.ge [sflag:s15], $0x3C00  }
0x91: {  	[sflag:s15] =	ssyncset.done $0x0  }
0x92: {  	[sflag:s15] =	ssyncadd.s32 $0xFFFFC400  }
0x93: {  	_ =	sfence.sel $0x180000  }
0x94: {  	[bflag:$0x0] =	sbarrier.arrive $0xFFFF  }
0x95: {  	p0 =	sne.s32 s2, $0x0;
	_ =	strace $0x90000047  }
0x96: {  	s0 =	sadd.s32 @!p0 $0x100000, s0;
	[bflag:$0x2] =	sbarrier.arrive $0xFFFF  }
0x97: {  	[sflag:s0] =	ssyncadd.tile.s32 @!p0 $0x1;
	_ =	shalt  }
.Lfunc_end2:
_tile_overlayer_lowered:
.L_overlay_start_2:
0x98: {  	(tag) =	ssettag $0x2  }
0x99: {  	s0 =	rddreg [dreg:$0x0];
	s2 =	stileid.u32  }
0x9a: {  	s1 =	rddreg [dreg:$0x1];
	p0 =	sne.s32 s2, $0x0  }
0x9b: {  	s3 =	rddreg [dreg:$0x2];
	[bflag:$0x3] =	sbarrier.arrive $0xFFFF;
	s2 =	simm.s32 @!p0 $0x1C02  }
0x9c: {  	[timem:s3], [sflag:s2] =	dma.local @!p0 [hbm:s0], s1  }
0x9d: {  	s0 =	simm.s32 @!p0 $0x2  }
0x9e: {  	_ =	swait.ge @!p0 [sflag:s0], s1  }
0x9f: {  	s1 =	ssub.s32 @!p0 $0x0, s1;
	[sflag:s0] =	ssyncset.done @!p0 $0x0  }
0xa0: {  	[sflag:s0] =	ssyncadd.s32 @!p0 s1  }
0xa1: {  	[bflag:$0x3] =	sbarrier.arrive $0xFFFF  }
0xa2: {  	_ =	shalt  }

// kernel: kernel.13.cloned.1.call-start
scs
__scs_entry_jumppad:
0x0: {  	(pc) =	sbr.rel $0x88, $3  }
0x1: {  	(tag) =	ssettag $0x0;
	lr =	simm.s32 $0x1  }
0x2: {  	[smem:$0x3F99] =	sst lr;
	_ =	strace $0xD0000000  }
0x3: {  	_ = 	snop  }
0x4: {  	_ = 	snop  }
0x5: {  	_ = 	snop  }
0x6: {  	_ = 	snop  }
0x7: {  	_ = 	snop  }
__scs_overlays_trampoline_lowered:
0x8: {  	[smem:$0x3FA8] =	sst s0  }
0x9: {  	[smem:$0x3FA9] =	sst s1  }
0xa: {  	[smem:$0x3FAA] =	sst s2  }
0xb: {  	[smem:$0x3FAB] =	sst s3  }
0xc: {  	[smem:$0x3FAC] =	sst s4  }
0xd: {  	[smem:$0x3FAD] =	sst s5  }
0xe: {  	[smem:$0x3FAE] =	sst s6  }
0xf: {  	[smem:$0x3FAF] =	sst s7  }
0x10: {  	[smem:$0x3FB0] =	sst s8  }
0x11: {  	[smem:$0x3FB1] =	sst s9;
	s0 =	simm.s32 @!p0 $0x0  }
0x12: {  	s1 =	sld [smem:$0x3F97];
	s0 =	simm.s32 @p0 $0x1  }
0x13: {  	[smem:$0x3FB2] =	sst s0;
	s0 =	simm.s32 @!p1 $0x0  }
0x14: {  	s2 =	sld [smem:$0x3F96];
	s0 =	simm.s32 @p1 $0x1  }
0x15: {  	[smem:$0x3FB3] =	sst s0;
	s0 =	simm.s32 @!p2 $0x0  }
0x16: {  	s3 =	sld [smem:$0x3FDB];
	s0 =	simm.s32 @p2 $0x1  }
0x17: {  	s4 =	simm.s32 $0x1BF5;
	[smem:$0x3FB5] =	sst s0  }
0x18: {  	s0 =	sld [smem:$0x3F98];
	_ =	swait.ge [sflag:s4], $0x0  }
0x19: {  	s7 =	sld [smem:$0x3F99]  }
0x1a: {  	s8 =	sadd.s32 $0xFFFFE003, lr  }
0x1b: {  	s9 =	sadd.s32 $0xFFFFFEF7, lr;
	s5 =	simm.s32 $0xFFFFFFFF;
	p2 =	slt.u32 s8, $0xFFFFF086  }
0x1c: {  	p1 =	slt.u32 s9, $0xF7A;
	s5 =	simm.s32 @!p2 $0x0  }
0x1d: {  	s5 =	simm.s32 @p1 $0x1;
	p0 =	seq.s32 s7, s2  }
0x1e: {  	s7 =	smul.u32 @!p0 $0xF7A, s2;
	p2 =	seq.s32 @!p0 s5, $0x0  }
0x1f: {  	s9 =	smul.u32 $0xF7A, s1;
	s8 =	simm.s32 @!p0 $0x1BF5;
	p2 =	por !p2, p0  }
0x20: {  	[sflag:s8] =	ssyncset.s32 @!p0 $0xFFFFF086;
	s6 =	sadd.s32 @!p0 s3, s7;
	s7 =	simm.s32 @!p0 $0x108  }
0x21: {  	s3 =	sadd.s32 s3, s9;
	s6 =	sadd.s32 @!p0 $0x88, s6;
	s7 =	simm.s32 @p2 $0x1082  }
0x22: {  	[simem:s7], [sflag:s8] =	dma.local @!p0 [hbm:s6], $0xF7A  }
0x23: {  	s9 =	sor.u32 $0xD0000000, s2;
	s6 =	simm.s32 $0x108;
	_ =	swait.ge @!p0 [sflag:s8], $0x0  }
0x24: {  	s3 =	sadd.s32 $0x88, s3;
	s6 =	simm.s32 @!p1 $0x1082;
	[sflag:s4] =	ssyncset.s32 $0xFFFFF086  }
0x25: {  	[simem:s6], [sflag:s4] =	dma.local [hbm:s3], $0xF7A  }
0x26: {  	[smem:$0x3F99] =	sst s1;
	(tag) =	ssettag s2;
	_ =	strace s9  }
0x27: {  	s1 =	sld [smem:$0x3FA9]  }
0x28: {  	s2 =	sld [smem:$0x3FAA]  }
0x29: {  	s4 =	sld [smem:$0x3FAC]  }
0x2a: {  	p0 =	seq.s32 s5, $0x0;
	s5 =	sld [smem:$0x3FAD]  }
0x2b: {  	s6 =	sld [smem:$0x3FAE]  }
0x2c: {  	s7 =	sld [smem:$0x3FAF]  }
0x2d: {  	s3 =	simm.s32 $0x108;
	s8 =	sld [smem:$0x3FB0]  }
0x2e: {  	s3 =	simm.s32 @!p0 $0x1082;
	s9 =	sld [smem:$0x3FB1]  }
0x2f: {  	lr =	sadd.s32 s0, s3;
	s0 =	sld [smem:$0x3FA8]  }
0x30: {  	s3 =	sld [smem:$0x3FAB]  }
0x31: {  	[smem:$0x3FB4] =	sst s10  }
0x32: {  	s10 =	sld [smem:$0x3FB2];
	_ =	sdelay $0x3  }
0x33: {  	p0 =	seq.s32 s10, $0x1;
	s10 =	sld [smem:$0x3FB4];
	_ =	sdelay $0x3  }
0x34: {  	[smem:$0x3FB4] =	sst s10  }
0x35: {  	s10 =	sld [smem:$0x3FB3];
	_ =	sdelay $0x3  }
0x36: {  	p1 =	seq.s32 s10, $0x1;
	s10 =	sld [smem:$0x3FB4];
	_ =	sdelay $0x3  }
0x37: {  	[smem:$0x3FB4] =	sst s10  }
0x38: {  	s10 =	sld [smem:$0x3FB5]  }
0x39: {  	_ = 	snop;
	(pc) =	sbr.ind lr, $3  }
0x3a: {  	_ = 	snop  }
0x3b: {  	_ = 	snop  }
0x3c: {  	p2 =	seq.s32 s10, $0x1;
	s10 =	sld [smem:$0x3FB4]  }
0x3d: {  	_ =	shalt  }
0x3e: {  	_ =	shalt  }
0x3f: {  	_ =	shalt  }
0x40: {  	_ =	shalt  }
0x41: {  	_ =	shalt  }
0x42: {  	_ =	shalt  }
0x43: {  	_ =	shalt  }
0x44: {  	_ =	shalt  }
0x45: {  	_ =	shalt  }
0x46: {  	_ =	shalt  }
0x47: {  	_ =	shalt  }
0x48: {  	_ =	shalt  }
0x49: {  	_ =	shalt  }
0x4a: {  	_ =	shalt  }
0x4b: {  	_ =	shalt  }
0x4c: {  	_ =	shalt  }
0x4d: {  	_ =	shalt  }
0x4e: {  	_ =	shalt  }
0x4f: {  	_ =	shalt  }
0x50: {  	_ =	shalt  }
0x51: {  	_ =	shalt  }
0x52: {  	_ =	shalt  }
0x53: {  	_ =	shalt  }
0x54: {  	_ =	shalt  }
0x55: {  	_ =	shalt  }
0x56: {  	_ =	shalt  }
0x57: {  	_ =	shalt  }
0x58: {  	_ =	shalt  }
0x59: {  	_ =	shalt  }
0x5a: {  	_ =	shalt  }
0x5b: {  	_ =	shalt  }
0x5c: {  	_ =	shalt  }
0x5d: {  	_ =	shalt  }
0x5e: {  	_ =	shalt  }
0x5f: {  	_ =	shalt  }
0x60: {  	_ =	shalt  }
0x61: {  	_ =	shalt  }
0x62: {  	_ =	shalt  }
0x63: {  	_ =	shalt  }
0x64: {  	_ =	shalt  }
0x65: {  	_ =	shalt  }
0x66: {  	_ =	shalt  }
0x67: {  	_ =	shalt  }
0x68: {  	_ =	shalt  }
0x69: {  	_ =	shalt  }
0x6a: {  	_ =	shalt  }
0x6b: {  	_ =	shalt  }
0x6c: {  	_ =	shalt  }
0x6d: {  	_ =	shalt  }
0x6e: {  	_ =	shalt  }
0x6f: {  	_ =	shalt  }
0x70: {  	_ =	shalt  }
0x71: {  	_ =	shalt  }
0x72: {  	_ =	shalt  }
0x73: {  	_ =	shalt  }
0x74: {  	_ =	shalt  }
0x75: {  	_ =	shalt  }
0x76: {  	_ =	shalt  }
0x77: {  	_ =	shalt  }
0x78: {  	_ =	shalt  }
0x79: {  	_ =	shalt  }
0x7a: {  	_ =	shalt  }
0x7b: {  	_ =	shalt  }
0x7c: {  	_ =	shalt  }
0x7d: {  	_ =	shalt  }
0x7e: {  	_ =	shalt  }
0x7f: {  	_ =	shalt  }
0x80: {  	_ =	shalt  }
0x81: {  	_ =	shalt  }
0x82: {  	_ =	shalt  }
0x83: {  	_ =	shalt  }
0x84: {  	_ =	shalt  }
0x85: {  	_ =	shalt  }
0x86: {  	_ =	shalt  }
0x87: {  	_ =	shalt  }
.Lfunc_end0:
.L_simem_size_0:
called_computation.2_lowered:
.L_overlay_start_0:
0x88: {  	s2 =	sld [smem:$0x3FD9]  }
0x89: {  	s3 =	sld [smem:$0x3FFE];
	_ =	sdelay $0x1  }
0x8a: {  	s1 =	srdreg.scid  }
0x8b: {  	s0 =	sand.u32 $0x1, s1  }
0x8c: {  	s17 =	sshll.u32 s0, $0xA;
	s2 =	sadd.s32 s3, s2  }
0x8d: {  	s2 =	sadd.s32 s2, s17  }
0x8e: {  	[smem:$0x3FC0] =	sst s2  }
0x8f: {  	_ = 	snop  }
0x90: {  	s2 =	sld [smem:$0x3FD0];
	(tm) =	ssettm $0x1  }
0x91: {  	s18 =	sld [smem:$0x3FFB];
	_ =	sdelay $0x3  }
0x92: {  	_ =	strace s18  }
0x93: {  	s3 =	sld [smem:$0x3FFC];
	_ =	sdelay $0x3  }
0x94: {  	_ =	strace s3  }
0x95: {  	s3 =	sld [smem:$0x3FFD];
	_ =	sdelay $0x3  }
0x96: {  	_ =	strace s3  }
0x97: {  	_ =	strace $0x8FFFFFFF  }
0x98: {  	s19 =	sld [smem:$0x3FDB];
	_ =	sdelay $0x1  }
0x99: {  	s4 =	simm.s32 $_scs_section_size  }
0x9a: {  	s5 =	simm.s32 $_size__tile_overlayer_lowered;
	s6 =	simm.s32 $_tile_overlayer_lowered  }
0x9b: {  	s22 =	simm.s32 $0x1BFF;
	s21 =	sshll.u32 s6, $0x1;
	s3 =	sadd.s32 s4, s19  }
0x9c: {  	s7 =	simm.s32 $0x0;
	s20 =	sshll.u32 s5, $0x1;
	s5 =	sadd.s32 s21, s3  }
0x9d: {  	[timem:s7], [sflag:s22] =	dma.local [hbm:s5], s20  }
0x9e: {  	_ =	swait.ge [sflag:s22], s20  }
0x9f: {  	s4 =	ssub.s32 $0x0, s20;
	[sflag:s22] =	ssyncset.done $0x0  }
0xa0: {  	[sflag:s22] =	ssyncadd.s32 s4;
	_ =	sdelay $0x1  }
0xa1: {  	s23 =	simm.s32 $0x1B8B  }
0xa2: {  	_ =	swait.ge [sflag:s23], $0x1  }
0xa3: {  	[sflag:s23] =	ssyncset.done $0x0  }
0xa4: {  	s25 =	simm.s32 $0x1B8E;
	s24 =	sld [smem:$0x3FFE];
	[sflag:s23] =	ssyncadd.s32 $0xFFFFFFFF  }
0xa5: {  	s26 =	simm.s32 $execute0_lowered;
	[smem:$0x3FD2] =	sst s25  }
0xa6: {  	s5 =	sshll.u32 s26, $0x1;
	_ =	strace $0x8000004C;
	[dreg:$0x1] =	wrdreg $0xFFFFFFFF  }
0xa7: {  	s28 =	simm.s32 $_size_execute0_lowered;
	s3 =	sadd.s32 s3, s5;
	[dreg:$0x0] =	wrdreg $0x0  }
0xa8: {  	s5 =	sshll.u32 s28, $0x1;
	[dreg:$0x2] =	wrdreg s3  }
0xa9: {  	[dreg:$0x3] =	wrdreg s5  }
0xaa: {  	[dreg:$0x4] =	wrdreg $0xC0  }
0xab: {  	_ =	task [dreg:s7], $0x5FFFF  }
0xac: {  	[dreg:$0x1] =	wrdreg $0xFFFFFFFF  }
0xad: {  	[dreg:$0x0] =	wrdreg $0x60  }
0xae: {  	[dreg:$0x2] =	wrdreg s24  }
0xaf: {  	[dreg:$0x3] =	wrdreg s2  }
0xb0: {  	[dreg:$0x4] =	wrdreg $0x82000  }
0xb1: {  	[dreg:$0x5] =	wrdreg $0x9  }
0xb2: {  	_ =	task.clear_ibuf [dreg:s7], $0x6FFFF;
	_ =	strace $0x9000004C  }
0xb3: {  	s29 =	simm.s32 $0x9;
	_ =	strace $0x8000004E  }
0xb4: {  	_ =	swait.ge [sflag:s29], $0x1  }
0xb5: {  	[sflag:s29] =	ssyncadd.s32 $0xFFFFFFFF  }
0xb6: {  	_ =	strace $0x9000004E  }
0xb7: {  	_ =	sfence  }
0xb8: {  	s30 =	sld [smem:$0x0];
	_ =	sdelay $0x2  }
0xb9: {  	s31 =	sshll.u32 s1, $0xD;
	s1 =	sshrl.u32 s1, $0x2  }
0xba: {  	s3 =	sand.u32 $0x4000, s31;
	s1 =	sadd.s32 s1, s30  }
0xbb: {  	s0 =	sor.u32 s3, s0;
	s1 =	sshll.u32 s1, $0x11  }
0xbc: {  	s0 =	sor.u32 s1, s0  }
0xbd: {  	s0 =	sadd.s32 $0x8F2B, s0  }
0xbe: {  	[sflag:s0] =	ssyncadd.remote.s32 $0x1  }
0xbf: {  	_ =	sfence.sel $0xFFFF  }
0xc0: {  	[dreg:$0x0] =	wrdreg $0xFFFFFFFF;
	(pc) =	sbr.abs _section_cstart, $3  }
0xc1: {  	[dreg:$0x1] =	wrdreg $0xFFFFFFFF  }
0xc2: {  	_ =	task.clear_ibuf [dreg:s7], $0x2FFFF;
	_ =	strace $0x9FFFFFFF  }
0xc3: {  	(tm) =	ssettm $0x7FFFFFFF  }
tec
execute0_lowered:
.L_overlay_start_1:
0x0: {  	(tag) =	ssettag $0x1  }
0x1: {  	s5 =	rddreg [dreg:$0x0]  }
0x2: {  	s12 =	rddreg [dreg:$0x1]  }
0x3: {  	s1 =	rddreg [dreg:$0x2];
	s2 =	srdreg.scid  }
0x4: {  	s0 =	rddreg [dreg:$0x3];
	s3 =	simm.s32 $0x0;
	s18 =	simm.s32 $0x1  }
0x5: {  	s19 =	simm.s32 $0x80;
	s20 =	simm.s32 $0x4200;
	s6 =	sand.u32 $0x1, s2  }
0x6: {  	s21 =	simm.s32 $0x0;
	s2 =	stileid.u32;
	s7 =	smul.u32 $0x28000, s6  }
0x7: {  	[smem:$0x7FF] =	sst s3;
	s4 =	sadd.s32 $0x1A00, s5;
	s8 =	smul.u32 $0x2800, s2  }
0x8: {  	s11 =	sadd.s32 $0x33200, s5;
	s25 =	ssub.s32 $0x2, s6;
	s9 =	smul.u32 $0x4F000, s2  }
0x9: {  	_ =	strace $0x8000004D;
	s10 =	smul.u32 $0x13C00, s2;
	s26 =	sshrl.u32 s25, $0x1  }
0xa: {  	s30 =	smul.u32 $0x13C000, s6;
	s7 =	sadd.s32 s8, s7;
	s15 =	ssub.s32 s25, s26  }
0xb: {  	s28 =	sshrl.u32 s9, $0x2;
	s29 =	sadd.s32 $0x8000, s10;
	s16 =	sadd.s32 $0x10000, s10  }
0xc: {  	s10 =	sadd.s32 s10, s30;
	s13 =	sshrl.u32 s7, $0x3;
	s6 =	sadd.s32 s29, s1  }
0xd: {  	s7 =	sadd.s32 s16, s1;
	s8 =	sadd.s32 s30, s29;
	s10 =	sshrl.u32 s10, $0x3  }
0xe: {  	s16 =	sadd.s32 s30, s16;
	s14 =	sadd.s32 s13, s5;
	s5 =	sadd.s32 s28, s1  }
0xf: {  	s17 =	sshrl.u32 s8, $0x3;
	s8 =	sadd.s32 s11, s10;
	s31 =	sshrl.u32 s16, $0x3  }
0x10: {  	s12 =	sadd.s32 s13, s12;
	s16 =	simm.s32 $0x100;
	s9 =	sadd.s32 s11, s17  }
0x11: {  	s10 =	sadd.s32 s11, s31;
	s11 =	smax.u32 s15, $0x1;
	s13 =	sadd.s32 $0x29200, s14  }
0x12: {  	v0 =	vimm.f32 $0.0e+00;
	s14 =	simm.s32 $0x200;
	s15 =	simm.s32 $0x2;
	s17 =	simm.s32 $0x180  }
.LBB2_1:
0x13: {  	s22 =	simm.s32 $0x0;
	s23 =	simm.s32 $0x200  }
.LBB2_2:
0x14: {  	p0 =	sne.s32 s23, $0x1FE00;
	[tilespmem:s22+$0x270] =	vst v0  }
0x15: {  	[tilespmem:s22+$0x200] =	vst v0  }
0x16: {  	[tilespmem:s22+$0x210] =	vst v0  }
.Ltmp0:
0x17: {  	[tilespmem:s22+$0x220] =	vst v0;
	(pc) =	sbr.rel @p0 .LBB2_2-.Ltmp0, $4  }
0x18: {  	[tilespmem:s22+$0x230] =	vst v0  }
0x19: {  	[tilespmem:s22+$0x240] =	vst v0  }
0x1a: {  	[tilespmem:s22+$0x250] =	vst v0  }
0x1b: {  	[tilespmem:s22+$0x260] =	vst v0;
	s22 =	sshra.s32 s23, $0x2;
	s23 =	sadd.s32 $0x200, s23  }
0x1c: {  	[tilespmem:s22+$0x270] =	vst v0  }
0x1d: {  	[tilespmem:s22+$0x200] =	vst v0  }
0x1e: {  	[tilespmem:s22+$0x210] =	vst v0  }
0x1f: {  	[tilespmem:s22+$0x220] =	vst v0  }
0x20: {  	[tilespmem:s22+$0x230] =	vst v0  }
0x21: {  	[tilespmem:s22+$0x240] =	vst v0  }
0x22: {  	[tilespmem:s22+$0x250] =	vst v0  }
0x23: {  	[tilespmem:s22+$0x260] =	vst v0  }
0x24: {  	[spmem:s5] =	stream.linear.scatter [tilespmem:s14], [sflag:$0x2], $0x8000, $0x38;
	[tilespmem:$0x1BE00] =	vst v63  }
0x25: {  	_ =	swait.ge [sflag:s15], $0x8000  }
0x26: {  	[sflag:s15] =	ssyncset.done $0x0  }
0x27: {  	[sflag:s15] =	ssyncadd.s32 $0xFFFF8000  }
0x28: {  	[spmem:s6] =	stream.linear.scatter [tilespmem:s14], [sflag:$0x2], $0x8000, $0x38;
	[tilespmem:$0x1BE00] =	vst v63  }
0x29: {  	_ =	swait.ge [sflag:s15], $0x8000  }
0x2a: {  	[sflag:s15] =	ssyncset.done $0x0  }
0x2b: {  	[sflag:s15] =	ssyncadd.s32 $0xFFFF8000  }
0x2c: {  	[spmem:s7] =	stream.linear.scatter [tilespmem:s14], [sflag:$0x2], $0x3C00, $0x38;
	[tilespmem:$0x1BE00] =	vst v63  }
0x2d: {  	_ =	swait.ge [sflag:s15], $0x3C00  }
0x2e: {  	[sflag:s15] =	ssyncset.done $0x0  }
0x2f: {  	[sflag:s15] =	ssyncadd.s32 $0xFFFFC400  }
0x30: {  	s30 =	sadd.s32 $0x0, s13;
	[bflag:$0x0] =	sbarrier.arrive $0xFFFF  }
0x31: {  	[tilespmem:s3], [sflag:$0x2] =	stream.linear.gather [hbm4b:s30+s3], $0x100, $0x38;
	[tilespmem:$0x1BE00] =	vst v63  }
0x32: {  	_ =	swait.ge [sflag:s15], $0x100  }
0x33: {  	[sflag:s15] =	ssyncset.done $0x0  }
0x34: {  	s31 =	sadd.s32 $0x0, s12;
	[sflag:s15] =	ssyncadd.s32 $0xFFFFFF00  }
0x35: {  	[tilespmem:s16], [sflag:$0x2] =	stream.linear.gather [hbm4b:s31+s3], $0x80, $0x38;
	[tilespmem:$0x1BE00] =	vst v63  }
0x36: {  	_ =	swait.ge [sflag:s15], $0x80  }
0x37: {  	[sflag:s15] =	ssyncset.done $0x0  }
0x38: {  	s22 =	sadd.s32 $0x10, s31;
	[sflag:s15] =	ssyncadd.s32 $0xFFFFFF80  }
0x39: {  	[tilespmem:s17], [sflag:$0x2] =	stream.linear.gather [hbm4b:s22+s3], $0x80, $0x38;
	[tilespmem:$0x1BE00] =	vst v63  }
0x3a: {  	_ =	swait.ge [sflag:s15], $0x80  }
0x3b: {  	[sflag:s15] =	ssyncset.done $0x0  }
0x3c: {  	[sflag:s15] =	ssyncadd.s32 $0xFFFFFF80  }
0x3d: {  	[tilespmem:s14], [sflag:$0x1] =	stream.indirect.gather [hbm4b:s4+s16], $0x80, s3, s16, $0xb8;
	[tilespmem:$0x1BE00] =	vst v63  }
0x3e: {  	_ =	swait.ge [sflag:s18], $0x8000  }
0x3f: {  	[sflag:s18] =	ssyncset.done $0x0  }
0x40: {  	[sflag:s18] =	ssyncadd.s32 $0xFFFF8000  }
0x41: {  	[spmem:s1] =	stream.indirect.scatter.add.f32 [tilespmem:s14], [sflag:$0x2], $0x80, s16, s19, $0xb8;
	[tilespmem:$0x1BE00] =	vst v63  }
0x42: {  	_ =	swait.ge [sflag:s15], $0x4000  }
0x43: {  	[sflag:s15] =	ssyncset.done $0x0  }
0x44: {  	[sflag:s15] =	ssyncadd.s32 $0xFFFFC000  }
0x45: {  	[spmem:s1] =	stream.indirect.scatter.add.f32 [tilespmem:s20], [sflag:$0x2], $0x80, s17, s19, $0xb8;
	[tilespmem:$0x1BE00] =	vst v63  }
0x46: {  	_ =	swait.ge [sflag:s15], $0x4000  }
0x47: {  	s23 =	simm.s32 $0x40;
	s22 =	simm.s32 $0x20;
	[sflag:s15] =	ssyncset.done $0x0  }
.LBB2_4:
0x48: {  	s24 =	sadd.s32 s22, s13  }
0x49: {  	[sflag:s15] =	ssyncadd.s32 $0xFFFFC000;
	s25 =	smov.u32 s23;
	s26 =	sadd.s32 $0x20, s23  }
0x4a: {  	[tilespmem:s3], [sflag:$0x2] =	stream.linear.gather [hbm4b:s24+s3], $0x100, $0x38;
	[tilespmem:$0x1BE00] =	vst v63  }
0x4b: {  	p0 =	sne.s32 s23, $0x4E0;
	_ =	swait.ge [sflag:s15], $0x100  }
0x4c: {  	[sflag:s15] =	ssyncset.done $0x0  }
0x4d: {  	s23 =	sadd.s32 s22, s12;
	s22 =	smov.u32 s25;
	[sflag:s15] =	ssyncadd.s32 $0xFFFFFF00  }
0x4e: {  	[tilespmem:s16], [sflag:$0x2] =	stream.linear.gather [hbm4b:s23+s3], $0x80, $0x38;
	[tilespmem:$0x1BE00] =	vst v63  }
0x4f: {  	_ =	swait.ge [sflag:s15], $0x80  }
0x50: {  	[sflag:s15] =	ssyncset.done $0x0  }
0x51: {  	s23 =	sadd.s32 $0x10, s23;
	[sflag:s15] =	ssyncadd.s32 $0xFFFFFF80  }
0x52: {  	[tilespmem:s17], [sflag:$0x2] =	stream.linear.gather [hbm4b:s23+s3], $0x80, $0x38;
	[tilespmem:$0x1BE00] =	vst v63  }
0x53: {  	_ =	swait.ge [sflag:s15], $0x80  }
0x54: {  	[sflag:s15] =	ssyncset.done $0x0  }
0x55: {  	[sflag:s15] =	ssyncadd.s32 $0xFFFFFF80  }
0x56: {  	[tilespmem:s14], [sflag:$0x1] =	stream.indirect.gather [hbm4b:s4+s16], $0x80, s3, s16, $0xb8;
	[tilespmem:$0x1BE00] =	vst v63  }
0x57: {  	_ =	swait.ge [sflag:s18], $0x8000  }
0x58: {  	[sflag:s18] =	ssyncset.done $0x0  }
0x59: {  	[sflag:s18] =	ssyncadd.s32 $0xFFFF8000  }
0x5a: {  	[spmem:s1] =	stream.indirect.scatter.add.f32 [tilespmem:s14], [sflag:$0x2], $0x80, s16, s19, $0xb8;
	[tilespmem:$0x1BE00] =	vst v63  }
0x5b: {  	_ =	swait.ge [sflag:s15], $0x4000  }
.Ltmp1:
0x5c: {  	[sflag:s15] =	ssyncset.done $0x0;
	(pc) =	sbr.rel @p0 .LBB2_4-.Ltmp1, $4  }
0x5d: {  	[sflag:s15] =	ssyncadd.s32 $0xFFFFC000  }
0x5e: {  	[spmem:s1] =	stream.indirect.scatter.add.f32 [tilespmem:s20], [sflag:$0x2], $0x80, s17, s19, $0xb8;
	[tilespmem:$0x1BE00] =	vst v63  }
0x5f: {  	_ =	swait.ge [sflag:s15], $0x4000  }
0x60: {  	s23 =	smov.u32 s26;
	[sflag:s15] =	ssyncset.done $0x0  }
0x61: {  	s23 =	sadd.s32 s22, s13;
	[sflag:s15] =	ssyncadd.s32 $0xFFFFC000  }
0x62: {  	[tilespmem:s3], [sflag:$0x2] =	stream.linear.gather [hbm4b:s23+s3], $0x100, $0x38;
	[tilespmem:$0x1BE00] =	vst v63  }
0x63: {  	_ =	swait.ge [sflag:s15], $0x100  }
0x64: {  	[sflag:s15] =	ssyncset.done $0x0  }
0x65: {  	s31 =	sadd.s32 s22, s12;
	[sflag:s15] =	ssyncadd.s32 $0xFFFFFF00  }
0x66: {  	[tilespmem:s16], [sflag:$0x2] =	stream.linear.gather [hbm4b:s31+s3], $0x80, $0x38;
	[tilespmem:$0x1BE00] =	vst v63  }
0x67: {  	_ =	swait.ge [sflag:s15], $0x80  }
0x68: {  	[sflag:s15] =	ssyncset.done $0x0  }
0x69: {  	s22 =	sadd.s32 $0x10, s31;
	[sflag:s15] =	ssyncadd.s32 $0xFFFFFF80  }
0x6a: {  	[tilespmem:s17], [sflag:$0x2] =	stream.linear.gather [hbm4b:s22+s3], $0x80, $0x38;
	[tilespmem:$0x1BE00] =	vst v63  }
0x6b: {  	_ =	swait.ge [sflag:s15], $0x80  }
0x6c: {  	[sflag:s15] =	ssyncset.done $0x0  }
0x6d: {  	[sflag:s15] =	ssyncadd.s32 $0xFFFFFF80  }
0x6e: {  	[tilespmem:s14], [sflag:$0x1] =	stream.indirect.gather [hbm4b:s4+s16], $0x80, s3, s16, $0xb8;
	[tilespmem:$0x1BE00] =	vst v63  }
0x6f: {  	_ =	swait.ge [sflag:s18], $0x8000  }
0x70: {  	[sflag:s18] =	ssyncset.done $0x0  }
0x71: {  	[sflag:s18] =	ssyncadd.s32 $0xFFFF8000  }
0x72: {  	[spmem:s1] =	stream.indirect.scatter.add.f32 [tilespmem:s14], [sflag:$0x2], $0x80, s16, s19, $0xb8;
	[tilespmem:$0x1BE00] =	vst v63  }
0x73: {  	_ =	swait.ge [sflag:s15], $0x4000  }
0x74: {  	[sflag:s15] =	ssyncset.done $0x0  }
0x75: {  	[sflag:s15] =	ssyncadd.s32 $0xFFFFC000  }
0x76: {  	[spmem:s1] =	stream.indirect.scatter.add.f32 [tilespmem:s20], [sflag:$0x2], $0x80, s17, s19, $0xb8;
	[tilespmem:$0x1BE00] =	vst v63  }
0x77: {  	_ =	swait.ge [sflag:s15], $0x4000  }
0x78: {  	[sflag:s15] =	ssyncset.done $0x0  }
0x79: {  	[sflag:s15] =	ssyncadd.s32 $0xFFFFC000  }
0x7a: {  	[bflag:$0x0] =	sbarrier.arrive $0xFFFF  }
0x7b: {  	[tilespmem:s14], [sflag:$0x2] =	stream.linear.gather [spmem:s5], $0x8000, $0x38;
	[tilespmem:$0x1BE00] =	vst v63  }
0x7c: {  	_ =	swait.ge [sflag:s15], $0x8000  }
0x7d: {  	[sflag:s15] =	ssyncset.done $0x0  }
0x7e: {  	[sflag:s15] =	ssyncadd.s32 $0xFFFF8000  }
0x7f: {  	[hbm4b:s8+s3] =	stream.linear.scatter [tilespmem:s14], [sflag:$0x2], $0x8000, $0x38;
	[tilespmem:$0x1BE00] =	vst v63  }
0x80: {  	_ =	swait.ge [sflag:s15], $0x8000  }
0x81: {  	[sflag:s15] =	ssyncset.done $0x0  }
0x82: {  	[sflag:s15] =	ssyncadd.s32 $0xFFFF8000  }
0x83: {  	[tilespmem:s14], [sflag:$0x2] =	stream.linear.gather [spmem:s6], $0x8000, $0x38;
	[tilespmem:$0x1BE00] =	vst v63  }
0x84: {  	_ =	swait.ge [sflag:s15], $0x8000  }
0x85: {  	[sflag:s15] =	ssyncset.done $0x0  }
0x86: {  	[sflag:s15] =	ssyncadd.s32 $0xFFFF8000  }
0x87: {  	[hbm4b:s9+s3] =	stream.linear.scatter [tilespmem:s14], [sflag:$0x2], $0x8000, $0x38;
	[tilespmem:$0x1BE00] =	vst v63  }
0x88: {  	_ =	swait.ge [sflag:s15], $0x8000  }
0x89: {  	[sflag:s15] =	ssyncset.done $0x0  }
0x8a: {  	[sflag:s15] =	ssyncadd.s32 $0xFFFF8000  }
0x8b: {  	[tilespmem:s14], [sflag:$0x2] =	stream.linear.gather [spmem:s7], $0x3C00, $0x38;
	[tilespmem:$0x1BE00] =	vst v63  }
0x8c: {  	s21 =	sadd.s32 $0x1, s21;
	_ =	swait.ge [sflag:s15], $0x3C00  }
0x8d: {  	p0 =	sne.s32 s21, s11;
	[sflag:s15] =	ssyncset.done $0x0  }
.Ltmp2:
0x8e: {  	[sflag:s15] =	ssyncadd.s32 $0xFFFFC400;
	(pc) =	sbr.rel @p0 .LBB2_1-.Ltmp2, $4  }
0x8f: {  	[hbm4b:s10+s3] =	stream.linear.scatter [tilespmem:s14], [sflag:$0x2], $0x3C00, $0x38;
	[tilespmem:$0x1BE00] =	vst v63  }
0x90: {  	_ =	swait.ge [sflag:s15], $0x3C00  }
0x91: {  	[sflag:s15] =	ssyncset.done $0x0  }
0x92: {  	[sflag:s15] =	ssyncadd.s32 $0xFFFFC400  }
0x93: {  	_ =	sfence.sel $0x180000  }
0x94: {  	[bflag:$0x0] =	sbarrier.arrive $0xFFFF  }
0x95: {  	p0 =	sne.s32 s2, $0x0;
	_ =	strace $0x9000004D  }
0x96: {  	s0 =	sadd.s32 @!p0 $0x100000, s0;
	[bflag:$0x2] =	sbarrier.arrive $0xFFFF  }
0x97: {  	[sflag:s0] =	ssyncadd.tile.s32 @!p0 $0x1;
	_ =	shalt  }
.Lfunc_end2:
_tile_overlayer_lowered:
.L_overlay_start_2:
0x98: {  	(tag) =	ssettag $0x2  }
0x99: {  	s0 =	rddreg [dreg:$0x0];
	s2 =	stileid.u32  }
0x9a: {  	s1 =	rddreg [dreg:$0x1];
	p0 =	sne.s32 s2, $0x0  }
0x9b: {  	s3 =	rddreg [dreg:$0x2];
	[bflag:$0x3] =	sbarrier.arrive $0xFFFF;
	s2 =	simm.s32 @!p0 $0x1C02  }
0x9c: {  	[timem:s3], [sflag:s2] =	dma.local @!p0 [hbm:s0], s1  }
0x9d: {  	s0 =	simm.s32 @!p0 $0x2  }
0x9e: {  	_ =	swait.ge @!p0 [sflag:s0], s1  }
0x9f: {  	s1 =	ssub.s32 @!p0 $0x0, s1;
	[sflag:s0] =	ssyncset.done @!p0 $0x0  }
0xa0: {  	[sflag:s0] =	ssyncadd.s32 @!p0 s1  }
0xa1: {  	[bflag:$0x3] =	sbarrier.arrive $0xFFFF  }
0xa2: {  	_ =	shalt  }

// kernel: kernel.7.cloned.1.call-start
scs
__scs_entry_jumppad:
0x0: {  	(pc) =	sbr.rel $0x88, $3  }
0x1: {  	(tag) =	ssettag $0x0;
	lr =	simm.s32 $0x1  }
0x2: {  	[smem:$0x3F99] =	sst lr;
	_ =	strace $0xD0000000  }
0x3: {  	_ = 	snop  }
0x4: {  	_ = 	snop  }
0x5: {  	_ = 	snop  }
0x6: {  	_ = 	snop  }
0x7: {  	_ = 	snop  }
__scs_overlays_trampoline_lowered:
0x8: {  	[smem:$0x3FA8] =	sst s0  }
0x9: {  	[smem:$0x3FA9] =	sst s1  }
0xa: {  	[smem:$0x3FAA] =	sst s2  }
0xb: {  	[smem:$0x3FAB] =	sst s3  }
0xc: {  	[smem:$0x3FAC] =	sst s4  }
0xd: {  	[smem:$0x3FAD] =	sst s5  }
0xe: {  	[smem:$0x3FAE] =	sst s6  }
0xf: {  	[smem:$0x3FAF] =	sst s7  }
0x10: {  	[smem:$0x3FB0] =	sst s8  }
0x11: {  	[smem:$0x3FB1] =	sst s9;
	s0 =	simm.s32 @!p0 $0x0  }
0x12: {  	s1 =	sld [smem:$0x3F97];
	s0 =	simm.s32 @p0 $0x1  }
0x13: {  	[smem:$0x3FB2] =	sst s0;
	s0 =	simm.s32 @!p1 $0x0  }
0x14: {  	s2 =	sld [smem:$0x3F96];
	s0 =	simm.s32 @p1 $0x1  }
0x15: {  	[smem:$0x3FB3] =	sst s0;
	s0 =	simm.s32 @!p2 $0x0  }
0x16: {  	s3 =	sld [smem:$0x3FDB];
	s0 =	simm.s32 @p2 $0x1  }
0x17: {  	s4 =	simm.s32 $0x1BF5;
	[smem:$0x3FB5] =	sst s0  }
0x18: {  	s0 =	sld [smem:$0x3F98];
	_ =	swait.ge [sflag:s4], $0x0  }
0x19: {  	s7 =	sld [smem:$0x3F99]  }
0x1a: {  	s8 =	sadd.s32 $0xFFFFE003, lr  }
0x1b: {  	s9 =	sadd.s32 $0xFFFFFEF7, lr;
	s5 =	simm.s32 $0xFFFFFFFF;
	p2 =	slt.u32 s8, $0xFFFFF086  }
0x1c: {  	p1 =	slt.u32 s9, $0xF7A;
	s5 =	simm.s32 @!p2 $0x0  }
0x1d: {  	s5 =	simm.s32 @p1 $0x1;
	p0 =	seq.s32 s7, s2  }
0x1e: {  	s7 =	smul.u32 @!p0 $0xF7A, s2;
	p2 =	seq.s32 @!p0 s5, $0x0  }
0x1f: {  	s9 =	smul.u32 $0xF7A, s1;
	s8 =	simm.s32 @!p0 $0x1BF5;
	p2 =	por !p2, p0  }
0x20: {  	[sflag:s8] =	ssyncset.s32 @!p0 $0xFFFFF086;
	s6 =	sadd.s32 @!p0 s3, s7;
	s7 =	simm.s32 @!p0 $0x108  }
0x21: {  	s3 =	sadd.s32 s3, s9;
	s6 =	sadd.s32 @!p0 $0x88, s6;
	s7 =	simm.s32 @p2 $0x1082  }
0x22: {  	[simem:s7], [sflag:s8] =	dma.local @!p0 [hbm:s6], $0xF7A  }
0x23: {  	s9 =	sor.u32 $0xD0000000, s2;
	s6 =	simm.s32 $0x108;
	_ =	swait.ge @!p0 [sflag:s8], $0x0  }
0x24: {  	s3 =	sadd.s32 $0x88, s3;
	s6 =	simm.s32 @!p1 $0x1082;
	[sflag:s4] =	ssyncset.s32 $0xFFFFF086  }
0x25: {  	[simem:s6], [sflag:s4] =	dma.local [hbm:s3], $0xF7A  }
0x26: {  	[smem:$0x3F99] =	sst s1;
	(tag) =	ssettag s2;
	_ =	strace s9  }
0x27: {  	s1 =	sld [smem:$0x3FA9]  }
0x28: {  	s2 =	sld [smem:$0x3FAA]  }
0x29: {  	s4 =	sld [smem:$0x3FAC]  }
0x2a: {  	p0 =	seq.s32 s5, $0x0;
	s5 =	sld [smem:$0x3FAD]  }
0x2b: {  	s6 =	sld [smem:$0x3FAE]  }
0x2c: {  	s7 =	sld [smem:$0x3FAF]  }
0x2d: {  	s3 =	simm.s32 $0x108;
	s8 =	sld [smem:$0x3FB0]  }
0x2e: {  	s3 =	simm.s32 @!p0 $0x1082;
	s9 =	sld [smem:$0x3FB1]  }
0x2f: {  	lr =	sadd.s32 s0, s3;
	s0 =	sld [smem:$0x3FA8]  }
0x30: {  	s3 =	sld [smem:$0x3FAB]  }
0x31: {  	[smem:$0x3FB4] =	sst s10  }
0x32: {  	s10 =	sld [smem:$0x3FB2];
	_ =	sdelay $0x3  }
0x33: {  	p0 =	seq.s32 s10, $0x1;
	s10 =	sld [smem:$0x3FB4];
	_ =	sdelay $0x3  }
0x34: {  	[smem:$0x3FB4] =	sst s10  }
0x35: {  	s10 =	sld [smem:$0x3FB3];
	_ =	sdelay $0x3  }
0x36: {  	p1 =	seq.s32 s10, $0x1;
	s10 =	sld [smem:$0x3FB4];
	_ =	sdelay $0x3  }
0x37: {  	[smem:$0x3FB4] =	sst s10  }
0x38: {  	s10 =	sld [smem:$0x3FB5]  }
0x39: {  	_ = 	snop;
	(pc) =	sbr.ind lr, $3  }
0x3a: {  	_ = 	snop  }
0x3b: {  	_ = 	snop  }
0x3c: {  	p2 =	seq.s32 s10, $0x1;
	s10 =	sld [smem:$0x3FB4]  }
0x3d: {  	_ =	shalt  }
0x3e: {  	_ =	shalt  }
0x3f: {  	_ =	shalt  }
0x40: {  	_ =	shalt  }
0x41: {  	_ =	shalt  }
0x42: {  	_ =	shalt  }
0x43: {  	_ =	shalt  }
0x44: {  	_ =	shalt  }
0x45: {  	_ =	shalt  }
0x46: {  	_ =	shalt  }
0x47: {  	_ =	shalt  }
0x48: {  	_ =	shalt  }
0x49: {  	_ =	shalt  }
0x4a: {  	_ =	shalt  }
0x4b: {  	_ =	shalt  }
0x4c: {  	_ =	shalt  }
0x4d: {  	_ =	shalt  }
0x4e: {  	_ =	shalt  }
0x4f: {  	_ =	shalt  }
0x50: {  	_ =	shalt  }
0x51: {  	_ =	shalt  }
0x52: {  	_ =	shalt  }
0x53: {  	_ =	shalt  }
0x54: {  	_ =	shalt  }
0x55: {  	_ =	shalt  }
0x56: {  	_ =	shalt  }
0x57: {  	_ =	shalt  }
0x58: {  	_ =	shalt  }
0x59: {  	_ =	shalt  }
0x5a: {  	_ =	shalt  }
0x5b: {  	_ =	shalt  }
0x5c: {  	_ =	shalt  }
0x5d: {  	_ =	shalt  }
0x5e: {  	_ =	shalt  }
0x5f: {  	_ =	shalt  }
0x60: {  	_ =	shalt  }
0x61: {  	_ =	shalt  }
0x62: {  	_ =	shalt  }
0x63: {  	_ =	shalt  }
0x64: {  	_ =	shalt  }
0x65: {  	_ =	shalt  }
0x66: {  	_ =	shalt  }
0x67: {  	_ =	shalt  }
0x68: {  	_ =	shalt  }
0x69: {  	_ =	shalt  }
0x6a: {  	_ =	shalt  }
0x6b: {  	_ =	shalt  }
0x6c: {  	_ =	shalt  }
0x6d: {  	_ =	shalt  }
0x6e: {  	_ =	shalt  }
0x6f: {  	_ =	shalt  }
0x70: {  	_ =	shalt  }
0x71: {  	_ =	shalt  }
0x72: {  	_ =	shalt  }
0x73: {  	_ =	shalt  }
0x74: {  	_ =	shalt  }
0x75: {  	_ =	shalt  }
0x76: {  	_ =	shalt  }
0x77: {  	_ =	shalt  }
0x78: {  	_ =	shalt  }
0x79: {  	_ =	shalt  }
0x7a: {  	_ =	shalt  }
0x7b: {  	_ =	shalt  }
0x7c: {  	_ =	shalt  }
0x7d: {  	_ =	shalt  }
0x7e: {  	_ =	shalt  }
0x7f: {  	_ =	shalt  }
0x80: {  	_ =	shalt  }
0x81: {  	_ =	shalt  }
0x82: {  	_ =	shalt  }
0x83: {  	_ =	shalt  }
0x84: {  	_ =	shalt  }
0x85: {  	_ =	shalt  }
0x86: {  	_ =	shalt  }
0x87: {  	_ =	shalt  }
.Lfunc_end0:
.L_simem_size_0:
called_computation_lowered:
.L_overlay_start_0:
0x88: {  	s2 =	sld [smem:$0x3FD9]  }
0x89: {  	s3 =	sld [smem:$0x3FFE];
	_ =	sdelay $0x1  }
0x8a: {  	s1 =	srdreg.scid  }
0x8b: {  	s0 =	sand.u32 $0x1, s1  }
0x8c: {  	s17 =	sshll.u32 s0, $0xA;
	s2 =	sadd.s32 s3, s2  }
0x8d: {  	s2 =	sadd.s32 s2, s17  }
0x8e: {  	[smem:$0x3FC0] =	sst s2  }
0x8f: {  	_ = 	snop  }
0x90: {  	s18 =	sld [smem:$0x3FD0];
	(tm) =	ssettm $0x1  }
0x91: {  	s19 =	sld [smem:$0x3FFB];
	_ =	sdelay $0x3  }
0x92: {  	_ =	strace s19  }
0x93: {  	s2 =	sld [smem:$0x3FFC];
	_ =	sdelay $0x3  }
0x94: {  	_ =	strace s2  }
0x95: {  	s2 =	sld [smem:$0x3FFD];
	_ =	sdelay $0x3  }
0x96: {  	_ =	strace s2  }
0x97: {  	_ =	strace $0x8FFFFFFF  }
0x98: {  	s20 =	sld [smem:$0x3FDB];
	_ =	sdelay $0x1  }
0x99: {  	s4 =	simm.s32 $_scs_section_size  }
0x9a: {  	s5 =	simm.s32 $_size__tile_overlayer_lowered;
	s6 =	simm.s32 $_tile_overlayer_lowered  }
0x9b: {  	s7 =	simm.s32 $0x1BFF;
	s21 =	sshll.u32 s6, $0x1;
	s4 =	sadd.s32 s4, s20  }
0x9c: {  	s22 =	simm.s32 $0x0;
	s5 =	sshll.u32 s5, $0x1;
	s6 =	sadd.s32 s21, s4  }
0x9d: {  	[timem:s22], [sflag:s7] =	dma.local [hbm:s6], s5  }
0x9e: {  	_ =	swait.ge [sflag:s7], s5  }
0x9f: {  	s5 =	ssub.s32 $0x0, s5;
	[sflag:s7] =	ssyncset.done $0x0  }
0xa0: {  	[sflag:s7] =	ssyncadd.s32 s5;
	_ =	sdelay $0x1  }
0xa1: {  	s23 =	simm.s32 $0x1B8B  }
0xa2: {  	_ =	swait.ge [sflag:s23], $0x1  }
0xa3: {  	[sflag:s23] =	ssyncset.done $0x0  }
0xa4: {  	[sflag:s23] =	ssyncadd.s32 $0xFFFFFFFF  }
0xa5: {  	s5 =	sld [smem:$0x0]  }
0xa6: {  	s6 =	sand.u32 $0xFFFFFFFE, s1  }
0xa7: {  	p0 =	sne.s32 s1, s6  }
0xa8: {  	s6 =	sshll.u32 @p0 s6, $0xE  }
0xa9: {  	s6 =	sadd.s32 @p0 $0x11B8D, s6;
	s7 =	sshll.u32 @p0 s5, $0x11  }
0xaa: {  	s6 =	sor.u32 @p0 s7, s6  }
0xab: {  	[sflag:s6] =	ssyncadd.remote.s32 @p0 $0x1;
	_ =	sdelay $0x1  }
0xac: {  	s6 =	simm.s32 @p0 $0x1B8D  }
0xad: {  	_ =	swait.eq @p0 [sflag:s6], $0x1  }
0xae: {  	[sflag:s6] =	ssyncadd.s32 @p0 $0xFFFFFFFF  }
0xaf: {  	s7 =	sshll.u32 @!p0 s1, $0xE  }
0xb0: {  	s7 =	sor.u32 @!p0 $0x4000, s7;
	s6 =	simm.s32 @!p0 $0x1B8D  }
0xb1: {  	s5 =	sshll.u32 @!p0 s5, $0x11;
	s7 =	sadd.s32 @!p0 $0x11B8D, s7;
	_ =	swait.eq @!p0 [sflag:s6], $0x1  }
0xb2: {  	s5 =	sor.u32 @!p0 s5, s7;
	[sflag:s6] =	ssyncadd.s32 @!p0 $0xFFFFFFFF  }
0xb3: {  	s25 =	simm.s32 $0x1B8E;
	s24 =	sld [smem:$0x3FFE];
	[sflag:s5] =	ssyncadd.remote.s32 @!p0 $0x1  }
0xb4: {  	s26 =	simm.s32 $execute0_lowered;
	[smem:$0x3FD2] =	sst s25  }
0xb5: {  	s6 =	sshll.u32 s26, $0x1;
	_ =	strace $0x80000049;
	[dreg:$0x1] =	wrdreg $0xFFFFFFFF  }
0xb6: {  	s28 =	simm.s32 $_size_execute0_lowered;
	s4 =	sadd.s32 s4, s6;
	[dreg:$0x0] =	wrdreg $0x0  }
0xb7: {  	s6 =	sshll.u32 s28, $0x1;
	[dreg:$0x2] =	wrdreg s4  }
0xb8: {  	[dreg:$0x3] =	wrdreg s6  }
0xb9: {  	[dreg:$0x4] =	wrdreg $0xC0  }
0xba: {  	_ =	task [dreg:s22], $0x5FFFF  }
0xbb: {  	[dreg:$0x1] =	wrdreg $0xFFFFFFFF  }
0xbc: {  	[dreg:$0x0] =	wrdreg $0x60  }
0xbd: {  	[dreg:$0x2] =	wrdreg s18  }
0xbe: {  	[dreg:$0x3] =	wrdreg s24  }
0xbf: {  	[dreg:$0x4] =	wrdreg $0x41000  }
0xc0: {  	[dreg:$0x5] =	wrdreg $0x9  }
0xc1: {  	_ =	task.clear_ibuf [dreg:s22], $0x6FFFF;
	_ =	strace $0x90000049  }
0xc2: {  	s29 =	simm.s32 $0x9;
	_ =	strace $0x8000004B  }
0xc3: {  	_ =	swait.ge [sflag:s29], $0x1  }
0xc4: {  	[sflag:s29] =	ssyncadd.s32 $0xFFFFFFFF  }
0xc5: {  	_ =	strace $0x9000004B  }
0xc6: {  	_ =	sfence  }
0xc7: {  	s30 =	sld [smem:$0x0];
	_ =	sdelay $0x2  }
0xc8: {  	s31 =	sshll.u32 s1, $0xD;
	s1 =	sshrl.u32 s1, $0x2  }
0xc9: {  	s4 =	sand.u32 $0x4000, s31;
	s1 =	sadd.s32 s1, s30  }
0xca: {  	s0 =	sor.u32 s4, s0;
	s1 =	sshll.u32 s1, $0x11  }
0xcb: {  	s0 =	sor.u32 s1, s0  }
0xcc: {  	s0 =	sadd.s32 $0x8F2B, s0  }
0xcd: {  	[sflag:s0] =	ssyncadd.remote.s32 $0x1  }
0xce: {  	_ =	sfence.sel $0xFFFF  }
0xcf: {  	[dreg:$0x0] =	wrdreg $0xFFFFFFFF;
	(pc) =	sbr.abs _section_cstart, $3  }
0xd0: {  	[dreg:$0x1] =	wrdreg $0xFFFFFFFF  }
0xd1: {  	_ =	task.clear_ibuf [dreg:s22], $0x2FFFF;
	_ =	strace $0x9FFFFFFF  }
0xd2: {  	(tm) =	ssettm $0x7FFFFFFF  }
0xd3: {  	_ =	shalt  }
tec
execute0_lowered:
.L_overlay_start_1:
0x0: {  	(tag) =	ssettag $0x1  }
0x1: {  	s15 =	rddreg [dreg:$0x0]  }
0x2: {  	s4 =	rddreg [dreg:$0x1];
	s1 =	stileid.u32  }
0x3: {  	s2 =	rddreg [dreg:$0x2];
	s6 =	smul.u32 $0x4F000, s1  }
0x4: {  	s3 =	srdreg.scid;
	s8 =	smul.u32 $0x13C00, s1  }
0x5: {  	s0 =	rddreg [dreg:$0x3];
	s10 =	sand.u32 $0x1, s3;
	s31 =	smul.u32 $0x2800, s1  }
0x6: {  	s3 =	simm.s32 $0x0;
	s13 =	sadd.s32 $0x82200, s4;
	s12 =	smul.u32 $0x13C000, s10  }
0x7: {  	s5 =	ssub.s32 $0x2, s10;
	[smem:$0x7FF] =	sst s3;
	s19 =	smul.u32 $0x28000, s10  }
0x8: {  	s7 =	sshrl.u32 s5, $0x1;
	_ =	strace $0x8000004A;
	s29 =	sshrl.u32 s6, $0x2  }
0x9: {  	s11 =	sadd.s32 $0x4000, s8;
	s16 =	sadd.s32 $0x8000, s8;
	s17 =	sadd.s32 $0xC000, s8  }
0xa: {  	s18 =	sadd.s32 $0x10000, s8;
	s14 =	ssub.s32 s5, s7;
	s4 =	sadd.s32 s29, s2  }
0xb: {  	s5 =	sadd.s32 s11, s2;
	s6 =	sadd.s32 s16, s2;
	s9 =	sadd.s32 s8, s12  }
0xc: {  	s7 =	sadd.s32 s17, s2;
	s8 =	sadd.s32 s18, s2;
	s11 =	sadd.s32 s12, s11  }
0xd: {  	s16 =	sadd.s32 s12, s16;
	s17 =	sadd.s32 s12, s17;
	s12 =	sadd.s32 s12, s18  }
0xe: {  	s9 =	sshrl.u32 s9, $0x3;
	s11 =	sshrl.u32 s11, $0x3;
	s30 =	sshrl.u32 s16, $0x3  }
0xf: {  	s17 =	sshrl.u32 s17, $0x3;
	s18 =	sshrl.u32 s12, $0x3;
	s16 =	sadd.s32 s31, s19  }
0x10: {  	s14 =	smax.u32 s14, $0x1;
	s19 =	simm.s32 $0x0;
	s9 =	sadd.s32 s13, s9  }
0x11: {  	s10 =	sadd.s32 s13, s11;
	s11 =	sadd.s32 s13, s30;
	s12 =	sadd.s32 s13, s17  }
0x12: {  	s13 =	sadd.s32 s13, s18;
	s16 =	sshrl.u32 s16, $0x3;
	s17 =	simm.s32 $0x1  }
0x13: {  	v0 =	vimm.f32 $0.0e+00;
	v1 =	vimm.f32 $1.000000000e+00;
	s18 =	simm.s32 $0x80;
	s15 =	sadd.s32 s16, s15;
	s16 =	simm.s32 $0x100  }
.LBB2_1:
0x14: {  	s20 =	simm.s32 $0x0;
	s21 =	simm.s32 $0x200  }
.LBB2_2:
0x15: {  	p0 =	sne.s32 s21, $0xFE00;
	[tilespmem:s20+$0x170] =	vst v0  }
0x16: {  	[tilespmem:s20+$0x100] =	vst v0  }
0x17: {  	[tilespmem:s20+$0x110] =	vst v0  }
.Ltmp0:
0x18: {  	[tilespmem:s20+$0x120] =	vst v0;
	(pc) =	sbr.rel @p0 .LBB2_2-.Ltmp0, $4  }
0x19: {  	[tilespmem:s20+$0x130] =	vst v0  }
0x1a: {  	[tilespmem:s20+$0x140] =	vst v0  }
0x1b: {  	[tilespmem:s20+$0x150] =	vst v0  }
0x1c: {  	[tilespmem:s20+$0x160] =	vst v0;
	s20 =	sshra.s32 s21, $0x2;
	s21 =	sadd.s32 $0x200, s21  }
0x1d: {  	[tilespmem:s20+$0x170] =	vst v0  }
0x1e: {  	[tilespmem:s20+$0x100] =	vst v0  }
0x1f: {  	[tilespmem:s20+$0x110] =	vst v0  }
0x20: {  	[tilespmem:s20+$0x120] =	vst v0  }
0x21: {  	[tilespmem:s20+$0x130] =	vst v0  }
0x22: {  	[tilespmem:s20+$0x140] =	vst v0  }
0x23: {  	[tilespmem:s20+$0x150] =	vst v0  }
0x24: {  	[tilespmem:s20+$0x160] =	vst v0  }
0x25: {  	[spmem:s4] =	stream.linear.scatter [tilespmem:s16], [sflag:$0x1], $0x4000, $0x38;
	[tilespmem:$0x17D00] =	vst v63  }
0x26: {  	_ =	swait.ge [sflag:s17], $0x4000  }
0x27: {  	[sflag:s17] =	ssyncset.done $0x0  }
0x28: {  	[sflag:s17] =	ssyncadd.s32 $0xFFFFC000  }
0x29: {  	[spmem:s5] =	stream.linear.scatter [tilespmem:s16], [sflag:$0x1], $0x4000, $0x38;
	[tilespmem:$0x17D00] =	vst v63  }
0x2a: {  	_ =	swait.ge [sflag:s17], $0x4000  }
0x2b: {  	[sflag:s17] =	ssyncset.done $0x0  }
0x2c: {  	[sflag:s17] =	ssyncadd.s32 $0xFFFFC000  }
0x2d: {  	[spmem:s6] =	stream.linear.scatter [tilespmem:s16], [sflag:$0x1], $0x4000, $0x38;
	[tilespmem:$0x17D00] =	vst v63  }
0x2e: {  	_ =	swait.ge [sflag:s17], $0x4000  }
0x2f: {  	[sflag:s17] =	ssyncset.done $0x0  }
0x30: {  	[sflag:s17] =	ssyncadd.s32 $0xFFFFC000  }
0x31: {  	[spmem:s7] =	stream.linear.scatter [tilespmem:s16], [sflag:$0x1], $0x4000, $0x38;
	[tilespmem:$0x17D00] =	vst v63  }
0x32: {  	_ =	swait.ge [sflag:s17], $0x4000  }
0x33: {  	[sflag:s17] =	ssyncset.done $0x0  }
0x34: {  	[sflag:s17] =	ssyncadd.s32 $0xFFFFC000  }
0x35: {  	[spmem:s8] =	stream.linear.scatter [tilespmem:s16], [sflag:$0x1], $0x3C00, $0x38;
	[tilespmem:$0x17D00] =	vst v63  }
0x36: {  	_ =	swait.ge [sflag:s17], $0x3C00  }
0x37: {  	[sflag:s17] =	ssyncset.done $0x0  }
0x38: {  	[sflag:s17] =	ssyncadd.s32 $0xFFFFC400  }
0x39: {  	s20 =	simm.s32 $0x0;
	s21 =	simm.s32 $0x200;
	[bflag:$0x0] =	sbarrier.arrive $0xFFFF  }
.LBB2_4:
0x3a: {  	p0 =	sne.s32 s21, $0xFE00;
	[tilespmem:s20+$0x170] =	vst v1  }
0x3b: {  	[tilespmem:s20+$0x100] =	vst v1  }
0x3c: {  	[tilespmem:s20+$0x110] =	vst v1  }
.Ltmp1:
0x3d: {  	[tilespmem:s20+$0x120] =	vst v1;
	(pc) =	sbr.rel @p0 .LBB2_4-.Ltmp1, $4  }
0x3e: {  	[tilespmem:s20+$0x130] =	vst v1  }
0x3f: {  	[tilespmem:s20+$0x140] =	vst v1  }
0x40: {  	[tilespmem:s20+$0x150] =	vst v1  }
0x41: {  	[tilespmem:s20+$0x160] =	vst v1;
	s20 =	sshra.s32 s21, $0x2;
	s21 =	sadd.s32 $0x200, s21  }
0x42: {  	[tilespmem:s20+$0x170] =	vst v1  }
0x43: {  	[tilespmem:s20+$0x100] =	vst v1  }
0x44: {  	[tilespmem:s20+$0x110] =	vst v1  }
0x45: {  	[tilespmem:s20+$0x120] =	vst v1  }
0x46: {  	[tilespmem:s20+$0x130] =	vst v1  }
0x47: {  	[tilespmem:s20+$0x140] =	vst v1  }
0x48: {  	[tilespmem:s20+$0x150] =	vst v1  }
0x49: {  	[tilespmem:s20+$0x160] =	vst v1;
	s31 =	sadd.s32 $0x0, s15  }
0x4a: {  	[tilespmem:s3], [sflag:$0x1] =	stream.linear.gather [hbm4b:s31+s3], $0x80, $0x38;
	[tilespmem:$0x17D00] =	vst v63  }
0x4b: {  	_ =	swait.ge [sflag:s17], $0x80  }
0x4c: {  	[sflag:s17] =	ssyncset.done $0x0  }
0x4d: {  	s20 =	sadd.s32 $0x10, s31;
	[sflag:s17] =	ssyncadd.s32 $0xFFFFFF80  }
0x4e: {  	[tilespmem:s18], [sflag:$0x1] =	stream.linear.gather [hbm4b:s20+s3], $0x80, $0x38;
	[tilespmem:$0x17D00] =	vst v63  }
0x4f: {  	_ =	swait.ge [sflag:s17], $0x80  }
0x50: {  	[sflag:s17] =	ssyncset.done $0x0  }
0x51: {  	[sflag:s17] =	ssyncadd.s32 $0xFFFFFF80  }
0x52: {  	[spmem:s2] =	stream.indirect.scatter.add.f32 [tilespmem:s16], [sflag:$0x1], $0x80, s3, s18, $0xb8;
	[tilespmem:$0x17D00] =	vst v63  }
0x53: {  	_ =	swait.ge [sflag:s17], $0x4000  }
0x54: {  	[sflag:s17] =	ssyncset.done $0x0  }
0x55: {  	[sflag:s17] =	ssyncadd.s32 $0xFFFFC000  }
0x56: {  	[spmem:s2] =	stream.indirect.scatter.add.f32 [tilespmem:s16], [sflag:$0x1], $0x80, s18, s18, $0xb8;
	[tilespmem:$0x17D00] =	vst v63  }
0x57: {  	_ =	swait.ge [sflag:s17], $0x4000  }
0x58: {  	s21 =	simm.s32 $0x40;
	s20 =	simm.s32 $0x20;
	[sflag:s17] =	ssyncset.done $0x0  }
.LBB2_6:
0x59: {  	s22 =	sadd.s32 s20, s15  }
0x5a: {  	[sflag:s17] =	ssyncadd.s32 $0xFFFFC000;
	s20 =	smov.u32 s21;
	s23 =	sadd.s32 $0x20, s21  }
0x5b: {  	[tilespmem:s3], [sflag:$0x1] =	stream.linear.gather [hbm4b:s22+s3], $0x80, $0x38;
	[tilespmem:$0x17D00] =	vst v63  }
0x5c: {  	p0 =	sne.s32 s21, $0x4E0;
	_ =	swait.ge [sflag:s17], $0x80  }
0x5d: {  	[sflag:s17] =	ssyncset.done $0x0  }
0x5e: {  	s21 =	sadd.s32 $0x10, s22;
	[sflag:s17] =	ssyncadd.s32 $0xFFFFFF80  }
0x5f: {  	[tilespmem:s18], [sflag:$0x1] =	stream.linear.gather [hbm4b:s21+s3], $0x80, $0x38;
	[tilespmem:$0x17D00] =	vst v63  }
0x60: {  	_ =	swait.ge [sflag:s17], $0x80  }
0x61: {  	[sflag:s17] =	ssyncset.done $0x0  }
0x62: {  	[sflag:s17] =	ssyncadd.s32 $0xFFFFFF80  }
0x63: {  	[spmem:s2] =	stream.indirect.scatter.add.f32 [tilespmem:s16], [sflag:$0x1], $0x80, s3, s18, $0xb8;
	[tilespmem:$0x17D00] =	vst v63  }
0x64: {  	_ =	swait.ge [sflag:s17], $0x4000  }
.Ltmp2:
0x65: {  	[sflag:s17] =	ssyncset.done $0x0;
	(pc) =	sbr.rel @p0 .LBB2_6-.Ltmp2, $4  }
0x66: {  	[sflag:s17] =	ssyncadd.s32 $0xFFFFC000  }
0x67: {  	[spmem:s2] =	stream.indirect.scatter.add.f32 [tilespmem:s16], [sflag:$0x1], $0x80, s18, s18, $0xb8;
	[tilespmem:$0x17D00] =	vst v63  }
0x68: {  	_ =	swait.ge [sflag:s17], $0x4000  }
0x69: {  	s21 =	smov.u32 s23;
	[sflag:s17] =	ssyncset.done $0x0  }
0x6a: {  	s20 =	sadd.s32 s20, s15;
	[sflag:s17] =	ssyncadd.s32 $0xFFFFC000  }
0x6b: {  	[tilespmem:s3], [sflag:$0x1] =	stream.linear.gather [hbm4b:s20+s3], $0x80, $0x38;
	[tilespmem:$0x17D00] =	vst v63  }
0x6c: {  	_ =	swait.ge [sflag:s17], $0x80  }
0x6d: {  	[sflag:s17] =	ssyncset.done $0x0  }
0x6e: {  	s20 =	sadd.s32 $0x10, s20;
	[sflag:s17] =	ssyncadd.s32 $0xFFFFFF80  }
0x6f: {  	[tilespmem:s18], [sflag:$0x1] =	stream.linear.gather [hbm4b:s20+s3], $0x80, $0x38;
	[tilespmem:$0x17D00] =	vst v63  }
0x70: {  	_ =	swait.ge [sflag:s17], $0x80  }
0x71: {  	[sflag:s17] =	ssyncset.done $0x0  }
0x72: {  	[sflag:s17] =	ssyncadd.s32 $0xFFFFFF80  }
0x73: {  	[spmem:s2] =	stream.indirect.scatter.add.f32 [tilespmem:s16], [sflag:$0x1], $0x80, s3, s18, $0xb8;
	[tilespmem:$0x17D00] =	vst v63  }
0x74: {  	_ =	swait.ge [sflag:s17], $0x4000  }
0x75: {  	[sflag:s17] =	ssyncset.done $0x0  }
0x76: {  	[sflag:s17] =	ssyncadd.s32 $0xFFFFC000  }
0x77: {  	[spmem:s2] =	stream.indirect.scatter.add.f32 [tilespmem:s16], [sflag:$0x1], $0x80, s18, s18, $0xb8;
	[tilespmem:$0x17D00] =	vst v63  }
0x78: {  	_ =	swait.ge [sflag:s17], $0x4000  }
0x79: {  	[sflag:s17] =	ssyncset.done $0x0  }
0x7a: {  	[sflag:s17] =	ssyncadd.s32 $0xFFFFC000  }
0x7b: {  	[bflag:$0x0] =	sbarrier.arrive $0xFFFF  }
0x7c: {  	[tilespmem:s16], [sflag:$0x1] =	stream.linear.gather [spmem:s4], $0x4000, $0x38;
	[tilespmem:$0x17D00] =	vst v63  }
0x7d: {  	_ =	swait.ge [sflag:s17], $0x4000  }
0x7e: {  	[sflag:s17] =	ssyncset.done $0x0  }
0x7f: {  	[sflag:s17] =	ssyncadd.s32 $0xFFFFC000  }
0x80: {  	[hbm4b:s9+s3] =	stream.linear.scatter [tilespmem:s16], [sflag:$0x1], $0x4000, $0x38;
	[tilespmem:$0x17D00] =	vst v63  }
0x81: {  	_ =	swait.ge [sflag:s17], $0x4000  }
0x82: {  	[sflag:s17] =	ssyncset.done $0x0  }
0x83: {  	[sflag:s17] =	ssyncadd.s32 $0xFFFFC000  }
0x84: {  	[tilespmem:s16], [sflag:$0x1] =	stream.linear.gather [spmem:s5], $0x4000, $0x38;
	[tilespmem:$0x17D00] =	vst v63  }
0x85: {  	_ =	swait.ge [sflag:s17], $0x4000  }
0x86: {  	[sflag:s17] =	ssyncset.done $0x0  }
0x87: {  	[sflag:s17] =	ssyncadd.s32 $0xFFFFC000  }
0x88: {  	[hbm4b:s10+s3] =	stream.linear.scatter [tilespmem:s16], [sflag:$0x1], $0x4000, $0x38;
	[tilespmem:$0x17D00] =	vst v63  }
0x89: {  	_ =	swait.ge [sflag:s17], $0x4000  }
0x8a: {  	[sflag:s17] =	ssyncset.done $0x0  }
0x8b: {  	[sflag:s17] =	ssyncadd.s32 $0xFFFFC000  }
0x8c: {  	[tilespmem:s16], [sflag:$0x1] =	stream.linear.gather [spmem:s6], $0x4000, $0x38;
	[tilespmem:$0x17D00] =	vst v63  }
0x8d: {  	_ =	swait.ge [sflag:s17], $0x4000  }
0x8e: {  	[sflag:s17] =	ssyncset.done $0x0  }
0x8f: {  	[sflag:s17] =	ssyncadd.s32 $0xFFFFC000  }
0x90: {  	[hbm4b:s11+s3] =	stream.linear.scatter [tilespmem:s16], [sflag:$0x1], $0x4000, $0x38;
	[tilespmem:$0x17D00] =	vst v63  }
0x91: {  	_ =	swait.ge [sflag:s17], $0x4000  }
0x92: {  	[sflag:s17] =	ssyncset.done $0x0  }
0x93: {  	[sflag:s17] =	ssyncadd.s32 $0xFFFFC000  }
0x94: {  	[tilespmem:s16], [sflag:$0x1] =	stream.linear.gather [spmem:s7], $0x4000, $0x38;
	[tilespmem:$0x17D00] =	vst v63  }
0x95: {  	_ =	swait.ge [sflag:s17], $0x4000  }
0x96: {  	[sflag:s17] =	ssyncset.done $0x0  }
0x97: {  	[sflag:s17] =	ssyncadd.s32 $0xFFFFC000  }
0x98: {  	[hbm4b:s12+s3] =	stream.linear.scatter [tilespmem:s16], [sflag:$0x1], $0x4000, $0x38;
	[tilespmem:$0x17D00] =	vst v63  }
0x99: {  	_ =	swait.ge [sflag:s17], $0x4000  }
0x9a: {  	[sflag:s17] =	ssyncset.done $0x0  }
0x9b: {  	[sflag:s17] =	ssyncadd.s32 $0xFFFFC000  }
0x9c: {  	[tilespmem:s16], [sflag:$0x1] =	stream.linear.gather [spmem:s8], $0x3C00, $0x38;
	[tilespmem:$0x17D00] =	vst v63  }
0x9d: {  	s19 =	sadd.s32 $0x1, s19;
	_ =	swait.ge [sflag:s17], $0x3C00  }
0x9e: {  	p0 =	sne.s32 s19, s14;
	[sflag:s17] =	ssyncset.done $0x0  }
.Ltmp3:
0x9f: {  	[sflag:s17] =	ssyncadd.s32 $0xFFFFC400;
	(pc) =	sbr.rel @p0 .LBB2_1-.Ltmp3, $4  }
0xa0: {  	[hbm4b:s13+s3] =	stream.linear.scatter [tilespmem:s16], [sflag:$0x1], $0x3C00, $0x38;
	[tilespmem:$0x17D00] =	vst v63  }
0xa1: {  	_ =	swait.ge [sflag:s17], $0x3C00  }
0xa2: {  	[sflag:s17] =	ssyncset.done $0x0  }
0xa3: {  	[sflag:s17] =	ssyncadd.s32 $0xFFFFC400  }
0xa4: {  	_ =	sfence.sel $0x180000  }
0xa5: {  	[bflag:$0x0] =	sbarrier.arrive $0xFFFF  }
0xa6: {  	p0 =	sne.s32 s1, $0x0;
	_ =	strace $0x9000004A  }
0xa7: {  	s0 =	sadd.s32 @!p0 $0x100000, s0;
	[bflag:$0x2] =	sbarrier.arrive $0xFFFF  }
0xa8: {  	[sflag:s0] =	ssyncadd.tile.s32 @!p0 $0x1;
	_ =	shalt  }
.Lfunc_end2:
_tile_overlayer_lowered:
.L_overlay_start_2:
0xa9: {  	(tag) =	ssettag $0x2  }
0xaa: {  	s0 =	rddreg [dreg:$0x0];
	s2 =	stileid.u32  }
0xab: {  	s1 =	rddreg [dreg:$0x1];
	p0 =	sne.s32 s2, $0x0  }
0xac: {  	s3 =	rddreg [dreg:$0x2];
	[bflag:$0x3] =	sbarrier.arrive $0xFFFF;
	s2 =	simm.s32 @!p0 $0x1C01  }
0xad: {  	[timem:s3], [sflag:s2] =	dma.local @!p0 [hbm:s0], s1  }
0xae: {  	s0 =	simm.s32 @!p0 $0x1  }
0xaf: {  	_ =	swait.ge @!p0 [sflag:s0], s1  }
0xb0: {  	s1 =	ssub.s32 @!p0 $0x0, s1;
	[sflag:s0] =	ssyncset.done @!p0 $0x0  }
0xb1: {  	[sflag:s0] =	ssyncadd.s32 @!p0 s1  }
0xb2: {  	[bflag:$0x3] =	sbarrier.arrive $0xFFFF  }
0xb3: {  	_ =	shalt  }

</sc_bundles>
